<compile_context>
chip_gen: v7x
topology: tpu7x:2x2x1
jax: 0.10.2.dev20260603
libtpu: 0.0.44.dev20260713+nightly
codegen_flags: <defaults>
</compile_context>

<pallas_src>
import functools

import jax
import jax.numpy as jnp
from jax import lax
from jax.experimental import pallas as pl
from jax.experimental.pallas import tpu as pltpu
from jax.experimental.pallas import tpu_sc as plsc

MAXLEN = 200
VOCAB = 100000
D = 64
DP = 128
BATCH = 4096

NC = 2
NS = 16
NW = NC * NS
ROWS_PER_W = BATCH // NW
PHASES = 4
CHW = MAXLEN // PHASES
NCHUNK = ROWS_PER_W * PHASES
NBUF = 8
DEPTH = 6
GROUPS = D // 16


def _body(x_hbm, tok_hbm, pos_hbm, out_hbm, idx_all, posv, *rest):
  bufs = rest[:NBUF]
  gsems = rest[NBUF:2 * NBUF]
  ssems = rest[2 * NBUF:]

  wid = lax.axis_index("s") * NC + lax.axis_index("c")
  chunk0 = wid * NCHUNK
  row0 = wid * ROWS_PER_W

  pltpu.sync_copy(x_hbm.at[pl.ds(chunk0, NCHUNK)], idx_all)
  pltpu.sync_copy(pos_hbm, posv)

  def start_gather(c, slot):
    pltpu.async_copy(tok_hbm.at[idx_all.at[c]], bufs[slot], gsems[slot])

  def wait_gather(c, slot):
    pltpu.make_async_copy(tok_hbm.at[idx_all.at[c]], bufs[slot],
                          gsems[slot]).wait()

  def start_store(c, slot):
    r = lax.div(c, PHASES)
    p0 = lax.rem(c, PHASES) * CHW
    pltpu.async_copy(bufs[slot].at[pl.ds(0, CHW), pl.ds(0, D)],
                     out_hbm.at[row0 + r, pl.ds(p0, CHW)], ssems[slot])

  def wait_store(slot):
    pltpu.make_async_copy(bufs[slot].at[pl.ds(0, CHW), pl.ds(0, D)],
                          out_hbm.at[row0, pl.ds(0, CHW)], ssems[slot]).wait()

  for c in range(DEPTH):
    start_gather(c, c)

  def chunk(c, slot):
    wait_gather(c, slot)
    buf = bufs[slot]
    p0 = lax.rem(c, PHASES) * CHW

    @plsc.parallel_loop(0, CHW, unroll=2)
    def _(r):
      for g in range(GROUPS):
        sl = pl.ds(g * 16, 16)
        buf[r, sl] = buf[r, sl] + posv[p0 + r, sl]

    start_store(c, slot)

    c2 = c + DEPTH
    s2_ = (slot + DEPTH) % NBUF

    @pl.when(c2 < NCHUNK)
    def _():
      @pl.when(c >= NBUF - DEPTH)
      def _():
        wait_store(s2_)
      start_gather(c2, s2_)

  @pl.loop(0, NCHUNK, step=NBUF)
  def _(k):
    for b in range(NBUF):
      chunk(k + b, b)

  for b in range(NBUF):
    wait_store(b)


@jax.jit
def kernel(x, token_table, pos_table):
  tok128 = jnp.pad(token_table, ((0, 0), (0, DP - D)))
  x4 = x.astype(jnp.int32).reshape(BATCH * PHASES, CHW)
  mesh = plsc.VectorSubcoreMesh(core_axis_name="c", subcore_axis_name="s")
  fn = pl.kernel(
      _body,
      out_type=jax.ShapeDtypeStruct((BATCH, MAXLEN, D), jnp.float32),
      mesh=mesh,
      compiler_params=pltpu.CompilerParams(use_tc_tiling_on_sc=False),
      scratch_types=(
          [pltpu.VMEM((NCHUNK, CHW), jnp.int32),
           pltpu.VMEM((MAXLEN, D), jnp.float32)]
          + [pltpu.VMEM((CHW, DP), jnp.float32)] * NBUF
          + [pltpu.SemaphoreType.DMA] * (2 * NBUF)
      ),
  )
  return fn(x4, tok128, pos_table)

# --- scband reference (transcript-rebuilt; emitter-appended) ---
"""Pipeline reference for scband-token-and-position-embedding-77635828842819 (READ-ONLY COPY).

The authoritative reference and input builder live on the scoring server;
editing this copy changes nothing except your own understanding.
"""

import jax, jax.numpy as jnp
import numpy as np

MAXLEN = 200
VOCAB_SIZE = 100000
EMBED_DIM = 64
BATCH = 4096

def setup_inputs(seed: int = 0) -> dict:
    key = jax.random.key(seed)
    k1, k2, k3 = jax.random.split(key, 3)
    x = jax.random.randint(k1, (BATCH, MAXLEN), 0, VOCAB_SIZE, dtype=jnp.int64 if jax.config.jax_enable_x64 else jnp.int32)
    # Keras Embedding default init: uniform(-0.05, 0.05)
    token_table = jax.random.uniform(k2, (VOCAB_SIZE, EMBED_DIM), dtype=jnp.float32, minval=-0.05, maxval=0.05)
    pos_table = jax.random.uniform(k3, (MAXLEN, EMBED_DIM), dtype=jnp.float32, minval=-0.05, maxval=0.05)
    return {"x": x, "token_table": token_table, "pos_table": pos_table}

def reference(x, token_table, pos_table):
    maxlen = x.shape[-1]
    positions = jnp.arange(maxlen)
    pos_emb = jnp.take(pos_table, positions, axis=0)          # [maxlen, D]
    tok_emb = jnp.take(token_table, x, axis=0)                # [B, maxlen, D]
    return tok_emb + pos_emb[None, :, :]

if __name__ == "__main__":
    import jax
    _d = setup_inputs()
    print(jax.jit(kernel)(*tuple(_d.values())))

</pallas_src>

<mosaic_0001>
#map = affine_map<(d0, d1) -> (0, 0)>
#map1 = affine_map<(d0, d1) -> (0, 0, 0)>
module attributes {stable_mosaic.version = 14 : i64} {
  func.func @_body(%arg0: i32, %arg1: i32, %arg2: memref<16384x50xi32, #tpu.memory_space<hbm>>, %arg3: memref<100000x128xf32, #tpu.memory_space<hbm>>, %arg4: memref<200x64xf32, #tpu.memory_space<hbm>>, %arg5: memref<4096x200x64xf32, #tpu.memory_space<hbm>>, %arg6: memref<512x50xi32, #tpu.memory_space<vmem>>, %arg7: memref<200x64xf32, #tpu.memory_space<vmem>>, %arg8: memref<50x128xf32, #tpu.memory_space<vmem>>, %arg9: memref<50x128xf32, #tpu.memory_space<vmem>>, %arg10: memref<50x128xf32, #tpu.memory_space<vmem>>, %arg11: memref<50x128xf32, #tpu.memory_space<vmem>>, %arg12: memref<50x128xf32, #tpu.memory_space<vmem>>, %arg13: memref<50x128xf32, #tpu.memory_space<vmem>>, %arg14: memref<50x128xf32, #tpu.memory_space<vmem>>, %arg15: memref<50x128xf32, #tpu.memory_space<vmem>>, %arg16: memref<!tpu.dma_semaphore, #tpu.memory_space<semaphore_mem>>, %arg17: memref<!tpu.dma_semaphore, #tpu.memory_space<semaphore_mem>>, %arg18: memref<!tpu.dma_semaphore, #tpu.memory_space<semaphore_mem>>, %arg19: memref<!tpu.dma_semaphore, #tpu.memory_space<semaphore_mem>>, %arg20: memref<!tpu.dma_semaphore, #tpu.memory_space<semaphore_mem>>, %arg21: memref<!tpu.dma_semaphore, #tpu.memory_space<semaphore_mem>>, %arg22: memref<!tpu.dma_semaphore, #tpu.memory_space<semaphore_mem>>, %arg23: memref<!tpu.dma_semaphore, #tpu.memory_space<semaphore_mem>>, %arg24: memref<!tpu.dma_semaphore, #tpu.memory_space<semaphore_mem>>, %arg25: memref<!tpu.dma_semaphore, #tpu.memory_space<semaphore_mem>>, %arg26: memref<!tpu.dma_semaphore, #tpu.memory_space<semaphore_mem>>, %arg27: memref<!tpu.dma_semaphore, #tpu.memory_space<semaphore_mem>>, %arg28: memref<!tpu.dma_semaphore, #tpu.memory_space<semaphore_mem>>, %arg29: memref<!tpu.dma_semaphore, #tpu.memory_space<semaphore_mem>>, %arg30: memref<!tpu.dma_semaphore, #tpu.memory_space<semaphore_mem>>, %arg31: memref<!tpu.dma_semaphore, #tpu.memory_space<semaphore_mem>>) attributes {dimension_semantics = [#tpu.dimension_semantics<core_parallel>, #tpu.dimension_semantics<subcore_parallel>], iteration_bounds = array<i64: 2, 16>, scalar_prefetch = 0 : i64, scratch_operands = 26 : i64, tpu.core_type = #tpu.core_type<sc_vector_subcore>, window_params = [{transform_indices = #map}, {transform_indices = #map}, {transform_indices = #map}, {transform_indices = #map1}]} {
    %mul3A = arith.constant 2 : i32
    %mul3A_0 = arith.muli %arg1, %mul3A : i32
    %add3A = arith.addi %mul3A_0, %arg0 : i32
    %mul3A_1 = arith.constant 512 : i32
    %mul3A_2 = arith.muli %add3A, %mul3A_1 : i32
    %mul3A_3 = arith.constant 128 : i32
    %mul3A_4 = arith.muli %add3A, %mul3A_3 : i32
    "tpu.region"() ({
      %run_scoped3A = tpu.sem_alloc : memref<!tpu.dma_semaphore, #tpu.memory_space<semaphore_mem>>
      %dma_start3A_161 = arith.constant 0 : i32
      %dma_start3A_162 = tpu.memref_slice %arg2[%mul3A_2, %dma_start3A_161] : memref<16384x50xi32, #tpu.memory_space<hbm>> -> memref<512x50xi32, #tpu.memory_space<hbm>>
      %dma_start3A_163 = arith.constant 0 : i32
      %dma_start3A_164 = tpu.memref_slice %arg2[%mul3A_2, %dma_start3A_163] : memref<16384x50xi32, #tpu.memory_space<hbm>> -> memref<512x50xi32, #tpu.memory_space<hbm>>
      tpu.enqueue_dma source(%dma_start3A_164 : memref<512x50xi32, #tpu.memory_space<hbm>>) target(%arg6 : memref<512x50xi32, #tpu.memory_space<vmem>>) target_semaphore(%run_scoped3A : memref<!tpu.dma_semaphore, #tpu.memory_space<semaphore_mem>>)
      %dma_wait3A_165 = arith.constant 0 : i32
      %dma_wait3A_166 = tpu.memref_slice %arg2[%mul3A_2, %dma_wait3A_165] : memref<16384x50xi32, #tpu.memory_space<hbm>> -> memref<512x50xi32, #tpu.memory_space<hbm>>
      %dma_wait3A_167 = arith.constant 0 : i32
      %dma_wait3A_168 = tpu.memref_slice %arg2[%mul3A_2, %dma_wait3A_167] : memref<16384x50xi32, #tpu.memory_space<hbm>> -> memref<512x50xi32, #tpu.memory_space<hbm>>
      tpu.wait_dma2 semaphore(%run_scoped3A : memref<!tpu.dma_semaphore, #tpu.memory_space<semaphore_mem>>) src(%dma_wait3A_168 : memref<512x50xi32, #tpu.memory_space<hbm>>) dst(%arg6 : memref<512x50xi32, #tpu.memory_space<vmem>>)
      tpu.yield
    }) : () -> ()
    "tpu.region"() ({
      %run_scoped3A = tpu.sem_alloc : memref<!tpu.dma_semaphore, #tpu.memory_space<semaphore_mem>>
      tpu.enqueue_dma source(%arg4 : memref<200x64xf32, #tpu.memory_space<hbm>>) target(%arg7 : memref<200x64xf32, #tpu.memory_space<vmem>>) target_semaphore(%run_scoped3A : memref<!tpu.dma_semaphore, #tpu.memory_space<semaphore_mem>>)
      tpu.wait_dma2 semaphore(%run_scoped3A : memref<!tpu.dma_semaphore, #tpu.memory_space<semaphore_mem>>) src(%arg4 : memref<200x64xf32, #tpu.memory_space<hbm>>) dst(%arg7 : memref<200x64xf32, #tpu.memory_space<vmem>>)
      tpu.yield
    }) : () -> ()
    %dma_start3A = arith.constant 0 : i32
    %dma_start3A_5 = arith.constant 0 : i32
    %dma_start3A_6 = tpu.memref_slice %arg6[%dma_start3A, %dma_start3A_5] : memref<512x50xi32, #tpu.memory_space<vmem>> -> memref<1x50xi32, #tpu.memory_space<vmem>>
    %dma_start3A_7 = tpu.memref_squeeze %dma_start3A_6 : memref<1x50xi32, #tpu.memory_space<vmem>> -> memref<50xi32, #tpu.memory_space<vmem>>
    %dma_start3A_8 = arith.constant 0 : i32
    %dma_start3A_9 = arith.constant 0 : i32
    %dma_start3A_10 = tpu.memref_slice %arg3[%dma_start3A_8, %dma_start3A_9] : memref<100000x128xf32, #tpu.memory_space<hbm>> -> memref<100000x128xf32, #tpu.memory_space<hbm>>
    tpu.enqueue_indirect_dma source(%dma_start3A_10 : memref<100000x128xf32, #tpu.memory_space<hbm>>) target(%arg8 : memref<50x128xf32, #tpu.memory_space<vmem>>) offsets(%dma_start3A_7 : memref<50xi32, #tpu.memory_space<vmem>>) semaphore(%arg16 : memref<!tpu.dma_semaphore, #tpu.memory_space<semaphore_mem>>)
    %dma_start3A_11 = arith.constant 1 : i32
    %dma_start3A_12 = arith.constant 0 : i32
    %dma_start3A_13 = tpu.memref_slice %arg6[%dma_start3A_11, %dma_start3A_12] : memref<512x50xi32, #tpu.memory_space<vmem>> -> memref<1x50xi32, #tpu.memory_space<vmem>>
    %dma_start3A_14 = tpu.memref_squeeze %dma_start3A_13 : memref<1x50xi32, #tpu.memory_space<vmem>> -> memref<50xi32, #tpu.memory_space<vmem>>
    %dma_start3A_15 = arith.constant 0 : i32
    %dma_start3A_16 = arith.constant 0 : i32
    %dma_start3A_17 = tpu.memref_slice %arg3[%dma_start3A_15, %dma_start3A_16] : memref<100000x128xf32, #tpu.memory_space<hbm>> -> memref<100000x128xf32, #tpu.memory_space<hbm>>
    tpu.enqueue_indirect_dma source(%dma_start3A_17 : memref<100000x128xf32, #tpu.memory_space<hbm>>) target(%arg9 : memref<50x128xf32, #tpu.memory_space<vmem>>) offsets(%dma_start3A_14 : memref<50xi32, #tpu.memory_space<vmem>>) semaphore(%arg17 : memref<!tpu.dma_semaphore, #tpu.memory_space<semaphore_mem>>)
    %dma_start3A_18 = arith.constant 2 : i32
    %dma_start3A_19 = arith.constant 0 : i32
    %dma_start3A_20 = tpu.memref_slice %arg6[%dma_start3A_18, %dma_start3A_19] : memref<512x50xi32, #tpu.memory_space<vmem>> -> memref<1x50xi32, #tpu.memory_space<vmem>>
    %dma_start3A_21 = tpu.memref_squeeze %dma_start3A_20 : memref<1x50xi32, #tpu.memory_space<vmem>> -> memref<50xi32, #tpu.memory_space<vmem>>
    %dma_start3A_22 = arith.constant 0 : i32
    %dma_start3A_23 = arith.constant 0 : i32
    %dma_start3A_24 = tpu.memref_slice %arg3[%dma_start3A_22, %dma_start3A_23] : memref<100000x128xf32, #tpu.memory_space<hbm>> -> memref<100000x128xf32, #tpu.memory_space<hbm>>
    tpu.enqueue_indirect_dma source(%dma_start3A_24 : memref<100000x128xf32, #tpu.memory_space<hbm>>) target(%arg10 : memref<50x128xf32, #tpu.memory_space<vmem>>) offsets(%dma_start3A_21 : memref<50xi32, #tpu.memory_space<vmem>>) semaphore(%arg18 : memref<!tpu.dma_semaphore, #tpu.memory_space<semaphore_mem>>)
    %dma_start3A_25 = arith.constant 3 : i32
    %dma_start3A_26 = arith.constant 0 : i32
    %dma_start3A_27 = tpu.memref_slice %arg6[%dma_start3A_25, %dma_start3A_26] : memref<512x50xi32, #tpu.memory_space<vmem>> -> memref<1x50xi32, #tpu.memory_space<vmem>>
    %dma_start3A_28 = tpu.memref_squeeze %dma_start3A_27 : memref<1x50xi32, #tpu.memory_space<vmem>> -> memref<50xi32, #tpu.memory_space<vmem>>
    %dma_start3A_29 = arith.constant 0 : i32
    %dma_start3A_30 = arith.constant 0 : i32
    %dma_start3A_31 = tpu.memref_slice %arg3[%dma_start3A_29, %dma_start3A_30] : memref<100000x128xf32, #tpu.memory_space<hbm>> -> memref<100000x128xf32, #tpu.memory_space<hbm>>
    tpu.enqueue_indirect_dma source(%dma_start3A_31 : memref<100000x128xf32, #tpu.memory_space<hbm>>) target(%arg11 : memref<50x128xf32, #tpu.memory_space<vmem>>) offsets(%dma_start3A_28 : memref<50xi32, #tpu.memory_space<vmem>>) semaphore(%arg19 : memref<!tpu.dma_semaphore, #tpu.memory_space<semaphore_mem>>)
    %dma_start3A_32 = arith.constant 4 : i32
    %dma_start3A_33 = arith.constant 0 : i32
    %dma_start3A_34 = tpu.memref_slice %arg6[%dma_start3A_32, %dma_start3A_33] : memref<512x50xi32, #tpu.memory_space<vmem>> -> memref<1x50xi32, #tpu.memory_space<vmem>>
    %dma_start3A_35 = tpu.memref_squeeze %dma_start3A_34 : memref<1x50xi32, #tpu.memory_space<vmem>> -> memref<50xi32, #tpu.memory_space<vmem>>
    %dma_start3A_36 = arith.constant 0 : i32
    %dma_start3A_37 = arith.constant 0 : i32
    %dma_start3A_38 = tpu.memref_slice %arg3[%dma_start3A_36, %dma_start3A_37] : memref<100000x128xf32, #tpu.memory_space<hbm>> -> memref<100000x128xf32, #tpu.memory_space<hbm>>
    tpu.enqueue_indirect_dma source(%dma_start3A_38 : memref<100000x128xf32, #tpu.memory_space<hbm>>) target(%arg12 : memref<50x128xf32, #tpu.memory_space<vmem>>) offsets(%dma_start3A_35 : memref<50xi32, #tpu.memory_space<vmem>>) semaphore(%arg20 : memref<!tpu.dma_semaphore, #tpu.memory_space<semaphore_mem>>)
    %dma_start3A_39 = arith.constant 5 : i32
    %dma_start3A_40 = arith.constant 0 : i32
    %dma_start3A_41 = tpu.memref_slice %arg6[%dma_start3A_39, %dma_start3A_40] : memref<512x50xi32, #tpu.memory_space<vmem>> -> memref<1x50xi32, #tpu.memory_space<vmem>>
    %dma_start3A_42 = tpu.memref_squeeze %dma_start3A_41 : memref<1x50xi32, #tpu.memory_space<vmem>> -> memref<50xi32, #tpu.memory_space<vmem>>
    %dma_start3A_43 = arith.constant 0 : i32
    %dma_start3A_44 = arith.constant 0 : i32
    %dma_start3A_45 = tpu.memref_slice %arg3[%dma_start3A_43, %dma_start3A_44] : memref<100000x128xf32, #tpu.memory_space<hbm>> -> memref<100000x128xf32, #tpu.memory_space<hbm>>
    tpu.enqueue_indirect_dma source(%dma_start3A_45 : memref<100000x128xf32, #tpu.memory_space<hbm>>) target(%arg13 : memref<50x128xf32, #tpu.memory_space<vmem>>) offsets(%dma_start3A_42 : memref<50xi32, #tpu.memory_space<vmem>>) semaphore(%arg21 : memref<!tpu.dma_semaphore, #tpu.memory_space<semaphore_mem>>)
    %scan3A = arith.constant 0 : i32
    %scan3A_46 = arith.constant 64 : i32
    %scan3A_47 = arith.addi %scan3A, %scan3A_46 : i32
    %scan3A_48 = arith.constant 1 : i32
    scf.for %scan3A_161 = %scan3A to %scan3A_47 step %scan3A_48  : i32 {
      %mul3A_162 = arith.constant 8 : i32
      %mul3A_163 = arith.muli %scan3A_161, %mul3A_162 : i32
      %add3A_164 = arith.constant 0 : i32
      %add3A_165 = arith.addi %add3A_164, %mul3A_163 : i32
      %add3A_166 = arith.constant 0 : i32
      %add3A_167 = arith.addi %add3A_165, %add3A_166 : i32
      %dma_wait3A_168 = arith.constant 0 : i32
      %dma_wait3A_169 = tpu.memref_slice %arg6[%add3A_167, %dma_wait3A_168] : memref<512x50xi32, #tpu.memory_space<vmem>> -> memref<1x50xi32, #tpu.memory_space<vmem>>
      %dma_wait3A_170 = tpu.memref_squeeze %dma_wait3A_169 : memref<1x50xi32, #tpu.memory_space<vmem>> -> memref<50xi32, #tpu.memory_space<vmem>>
      %dma_wait3A_171 = arith.constant 0 : i32
      %dma_wait3A_172 = arith.constant 0 : i32
      %dma_wait3A_173 = tpu.memref_slice %arg3[%dma_wait3A_171, %dma_wait3A_172] : memref<100000x128xf32, #tpu.memory_space<hbm>> -> memref<100000x128xf32, #tpu.memory_space<hbm>>
      tpu.wait_indirect_dma semaphore(%arg16 : memref<!tpu.dma_semaphore, #tpu.memory_space<semaphore_mem>>) src(%dma_wait3A_173 : memref<100000x128xf32, #tpu.memory_space<hbm>>) dst(%arg8 : memref<50x128xf32, #tpu.memory_space<vmem>>)
      %rem3A = arith.constant 4 : i32
      %rem3A_174 = arith.remsi %add3A_167, %rem3A : i32
      %mul3A_175 = arith.constant 50 : i32
      %mul3A_176 = arith.muli %rem3A_174, %mul3A_175 : i32
      %parallel_loop3A = arith.constant 0 : i32
      %parallel_loop3A_177 = arith.constant 50 : i32
      %parallel_loop3A_178 = arith.constant 1 : i32
      scf.for %parallel_loop3A_488 = %parallel_loop3A to %parallel_loop3A_177 step %parallel_loop3A_178  : i32 {
        %parallel_loop3A_489 = arith.index_cast %parallel_loop3A_488 : i32 to index
        %parallel_loop3A_490 = arith.constant 0 : index
        %parallel_loop3A_491 = tpu.vector_load %arg8[%parallel_loop3A_489, %parallel_loop3A_490] {strides = array<i32>} : memref<50x128xf32, #tpu.memory_space<vmem>>, vector<1x16xf32>,
        %parallel_loop3A_492 = vector.shape_cast %parallel_loop3A_491 : vector<1x16xf32> to vector<16xf32>
        %parallel_loop3A_493 = arith.addi %mul3A_176, %parallel_loop3A_488 : i32
        %parallel_loop3A_494 = arith.index_cast %parallel_loop3A_493 : i32 to index
        %parallel_loop3A_495 = arith.constant 0 : index
        %parallel_loop3A_496 = tpu.vector_load %arg7[%parallel_loop3A_494, %parallel_loop3A_495] {strides = array<i32>} : memref<200x64xf32, #tpu.memory_space<vmem>>, vector<1x16xf32>,
        %parallel_loop3A_497 = vector.shape_cast %parallel_loop3A_496 : vector<1x16xf32> to vector<16xf32>
        %parallel_loop3A_498 = arith.addf %parallel_loop3A_492, %parallel_loop3A_497 : vector<16xf32>
        %parallel_loop3A_499 = arith.index_cast %parallel_loop3A_488 : i32 to index
        %parallel_loop3A_500 = arith.constant 0 : index
        %parallel_loop3A_501 = tpu.vector_load %arg8[%parallel_loop3A_499, %parallel_loop3A_500] {strides = array<i32>} : memref<50x128xf32, #tpu.memory_space<vmem>>, vector<1x16xf32>,
        %parallel_loop3A_502 = vector.shape_cast %parallel_loop3A_501 : vector<1x16xf32> to vector<16xf32>
        %parallel_loop3A_503 = vector.shape_cast %parallel_loop3A_498 : vector<16xf32> to vector<1x16xf32>
        tpu.vector_store %arg8[%parallel_loop3A_499, %parallel_loop3A_500], %parallel_loop3A_503 {strides = array<i32>} : memref<50x128xf32, #tpu.memory_space<vmem>>, vector<1x16xf32>,
        %parallel_loop3A_504 = arith.index_cast %parallel_loop3A_488 : i32 to index
        %parallel_loop3A_505 = arith.constant 16 : index
        %parallel_loop3A_506 = tpu.vector_load %arg8[%parallel_loop3A_504, %parallel_loop3A_505] {strides = array<i32>} : memref<50x128xf32, #tpu.memory_space<vmem>>, vector<1x16xf32>,
        %parallel_loop3A_507 = vector.shape_cast %parallel_loop3A_506 : vector<1x16xf32> to vector<16xf32>
        %parallel_loop3A_508 = arith.addi %mul3A_176, %parallel_loop3A_488 : i32
        %parallel_loop3A_509 = arith.index_cast %parallel_loop3A_508 : i32 to index
        %parallel_loop3A_510 = arith.constant 16 : index
        %parallel_loop3A_511 = tpu.vector_load %arg7[%parallel_loop3A_509, %parallel_loop3A_510] {strides = array<i32>} : memref<200x64xf32, #tpu.memory_space<vmem>>, vector<1x16xf32>,
        %parallel_loop3A_512 = vector.shape_cast %parallel_loop3A_511 : vector<1x16xf32> to vector<16xf32>
        %parallel_loop3A_513 = arith.addf %parallel_loop3A_507, %parallel_loop3A_512 : vector<16xf32>
        %parallel_loop3A_514 = arith.index_cast %parallel_loop3A_488 : i32 to index
        %parallel_loop3A_515 = arith.constant 16 : index
        %parallel_loop3A_516 = tpu.vector_load %arg8[%parallel_loop3A_514, %parallel_loop3A_515] {strides = array<i32>} : memref<50x128xf32, #tpu.memory_space<vmem>>, vector<1x16xf32>,
        %parallel_loop3A_517 = vector.shape_cast %parallel_loop3A_516 : vector<1x16xf32> to vector<16xf32>
        %parallel_loop3A_518 = vector.shape_cast %parallel_loop3A_513 : vector<16xf32> to vector<1x16xf32>
        tpu.vector_store %arg8[%parallel_loop3A_514, %parallel_loop3A_515], %parallel_loop3A_518 {strides = array<i32>} : memref<50x128xf32, #tpu.memory_space<vmem>>, vector<1x16xf32>,
        %parallel_loop3A_519 = arith.index_cast %parallel_loop3A_488 : i32 to index
        %parallel_loop3A_520 = arith.constant 32 : index
        %parallel_loop3A_521 = tpu.vector_load %arg8[%parallel_loop3A_519, %parallel_loop3A_520] {strides = array<i32>} : memref<50x128xf32, #tpu.memory_space<vmem>>, vector<1x16xf32>,
        %parallel_loop3A_522 = vector.shape_cast %parallel_loop3A_521 : vector<1x16xf32> to vector<16xf32>
        %parallel_loop3A_523 = arith.addi %mul3A_176, %parallel_loop3A_488 : i32
        %parallel_loop3A_524 = arith.index_cast %parallel_loop3A_523 : i32 to index
        %parallel_loop3A_525 = arith.constant 32 : index
        %parallel_loop3A_526 = tpu.vector_load %arg7[%parallel_loop3A_524, %parallel_loop3A_525] {strides = array<i32>} : memref<200x64xf32, #tpu.memory_space<vmem>>, vector<1x16xf32>,
        %parallel_loop3A_527 = vector.shape_cast %parallel_loop3A_526 : vector<1x16xf32> to vector<16xf32>
        %parallel_loop3A_528 = arith.addf %parallel_loop3A_522, %parallel_loop3A_527 : vector<16xf32>
        %parallel_loop3A_529 = arith.index_cast %parallel_loop3A_488 : i32 to index
        %parallel_loop3A_530 = arith.constant 32 : index
        %parallel_loop3A_531 = tpu.vector_load %arg8[%parallel_loop3A_529, %parallel_loop3A_530] {strides = array<i32>} : memref<50x128xf32, #tpu.memory_space<vmem>>, vector<1x16xf32>,
        %parallel_loop3A_532 = vector.shape_cast %parallel_loop3A_531 : vector<1x16xf32> to vector<16xf32>
        %parallel_loop3A_533 = vector.shape_cast %parallel_loop3A_528 : vector<16xf32> to vector<1x16xf32>
        tpu.vector_store %arg8[%parallel_loop3A_529, %parallel_loop3A_530], %parallel_loop3A_533 {strides = array<i32>} : memref<50x128xf32, #tpu.memory_space<vmem>>, vector<1x16xf32>,
        %parallel_loop3A_534 = arith.index_cast %parallel_loop3A_488 : i32 to index
        %parallel_loop3A_535 = arith.constant 48 : index
        %parallel_loop3A_536 = tpu.vector_load %arg8[%parallel_loop3A_534, %parallel_loop3A_535] {strides = array<i32>} : memref<50x128xf32, #tpu.memory_space<vmem>>, vector<1x16xf32>,
        %parallel_loop3A_537 = vector.shape_cast %parallel_loop3A_536 : vector<1x16xf32> to vector<16xf32>
        %parallel_loop3A_538 = arith.addi %mul3A_176, %parallel_loop3A_488 : i32
        %parallel_loop3A_539 = arith.index_cast %parallel_loop3A_538 : i32 to index
        %parallel_loop3A_540 = arith.constant 48 : index
        %parallel_loop3A_541 = tpu.vector_load %arg7[%parallel_loop3A_539, %parallel_loop3A_540] {strides = array<i32>} : memref<200x64xf32, #tpu.memory_space<vmem>>, vector<1x16xf32>,
        %parallel_loop3A_542 = vector.shape_cast %parallel_loop3A_541 : vector<1x16xf32> to vector<16xf32>
        %parallel_loop3A_543 = arith.addf %parallel_loop3A_537, %parallel_loop3A_542 : vector<16xf32>
        %parallel_loop3A_544 = arith.index_cast %parallel_loop3A_488 : i32 to index
        %parallel_loop3A_545 = arith.constant 48 : index
        %parallel_loop3A_546 = tpu.vector_load %arg8[%parallel_loop3A_544, %parallel_loop3A_545] {strides = array<i32>} : memref<50x128xf32, #tpu.memory_space<vmem>>, vector<1x16xf32>,
        %parallel_loop3A_547 = vector.shape_cast %parallel_loop3A_546 : vector<1x16xf32> to vector<16xf32>
        %parallel_loop3A_548 = vector.shape_cast %parallel_loop3A_543 : vector<16xf32> to vector<1x16xf32>
        tpu.vector_store %arg8[%parallel_loop3A_544, %parallel_loop3A_545], %parallel_loop3A_548 {strides = array<i32>} : memref<50x128xf32, #tpu.memory_space<vmem>>, vector<1x16xf32>,
      } {sc.loop_unroll_factor = 2 : i64, sc.parallel_access}
      %div3A = arith.constant 4 : i32
      %div3A_179 = arith.divsi %add3A_167, %div3A : i32
      %rem3A_180 = arith.constant 4 : i32
      %rem3A_181 = arith.remsi %add3A_167, %rem3A_180 : i32
      %mul3A_182 = arith.constant 50 : i32
      %mul3A_183 = arith.muli %rem3A_181, %mul3A_182 : i32
      %add3A_184 = arith.addi %mul3A_4, %div3A_179 : i32
      %dma_start3A_185 = arith.constant 0 : i32
      %dma_start3A_186 = arith.constant 0 : i32
      %dma_start3A_187 = tpu.memref_slice %arg8[%dma_start3A_185, %dma_start3A_186] : memref<50x128xf32, #tpu.memory_space<vmem>> -> memref<50x64xf32, #tpu.memory_space<vmem>>
      %dma_start3A_188 = arith.constant 0 : i32
      %dma_start3A_189 = tpu.memref_slice %arg5[%add3A_184, %mul3A_183, %dma_start3A_188] : memref<4096x200x64xf32, #tpu.memory_space<hbm>> -> memref<1x50x64xf32, #tpu.memory_space<hbm>>
      %dma_start3A_190 = tpu.memref_squeeze %dma_start3A_189 : memref<1x50x64xf32, #tpu.memory_space<hbm>> -> memref<50x64xf32, #tpu.memory_space<hbm>>
      %dma_start3A_191 = arith.constant 0 : i32
      %dma_start3A_192 = tpu.memref_slice %arg5[%add3A_184, %mul3A_183, %dma_start3A_191] : memref<4096x200x64xf32, #tpu.memory_space<hbm>> -> memref<1x50x64xf32, #tpu.memory_space<hbm>>
      %dma_start3A_193 = tpu.memref_squeeze %dma_start3A_192 : memref<1x50x64xf32, #tpu.memory_space<hbm>> -> memref<50x64xf32, #tpu.memory_space<hbm>>
      %dma_start3A_194 = arith.constant 0 : i32
      %dma_start3A_195 = arith.constant 0 : i32
      %dma_start3A_196 = tpu.memref_slice %arg8[%dma_start3A_194, %dma_start3A_195] : memref<50x128xf32, #tpu.memory_space<vmem>> -> memref<50x64xf32, #tpu.memory_space<vmem>>
      tpu.enqueue_dma source(%dma_start3A_196 : memref<50x64xf32, #tpu.memory_space<vmem>>) target(%dma_start3A_193 : memref<50x64xf32, #tpu.memory_space<hbm>>) target_semaphore(%arg24 : memref<!tpu.dma_semaphore, #tpu.memory_space<semaphore_mem>>)
      %add3A_197 = arith.constant 6 : i32
      %add3A_198 = arith.addi %add3A_167, %add3A_197 : i32
      %lt3A = arith.constant 512 : i32
      %lt3A_199 = arith.cmpi slt, %add3A_198, %lt3A : i32
      %convert_element_type3A = arith.extui %lt3A_199 : i1 to i32
      %cond3A = arith.constant 0 : i32
      %cond3A_200 = arith.cmpi ne, %convert_element_type3A, %cond3A : i32
      scf.if %cond3A_200 {
        %ge3A = arith.constant 2 : i32
        %ge3A_488 = arith.cmpi sge, %add3A_167, %ge3A : i32
        %convert_element_type3A_489 = arith.extui %ge3A_488 : i1 to i32
        %cond3A_490 = arith.constant 0 : i32
        %cond3A_491 = arith.cmpi ne, %convert_element_type3A_489, %cond3A_490 : i32
        scf.if %cond3A_491 {
          %dma_wait3A_498 = arith.constant 0 : i32
          %dma_wait3A_499 = arith.constant 0 : i32
          %dma_wait3A_500 = tpu.memref_slice %arg14[%dma_wait3A_498, %dma_wait3A_499] : memref<50x128xf32, #tpu.memory_space<vmem>> -> memref<50x64xf32, #tpu.memory_space<vmem>>
          %dma_wait3A_501 = arith.constant 0 : i32
          %dma_wait3A_502 = arith.constant 0 : i32
          %dma_wait3A_503 = tpu.memref_slice %arg5[%mul3A_4, %dma_wait3A_501, %dma_wait3A_502] : memref<4096x200x64xf32, #tpu.memory_space<hbm>> -> memref<1x50x64xf32, #tpu.memory_space<hbm>>
          %dma_wait3A_504 = tpu.memref_squeeze %dma_wait3A_503 : memref<1x50x64xf32, #tpu.memory_space<hbm>> -> memref<50x64xf32, #tpu.memory_space<hbm>>
          %dma_wait3A_505 = arith.constant 0 : i32
          %dma_wait3A_506 = arith.constant 0 : i32
          %dma_wait3A_507 = tpu.memref_slice %arg5[%mul3A_4, %dma_wait3A_505, %dma_wait3A_506] : memref<4096x200x64xf32, #tpu.memory_space<hbm>> -> memref<1x50x64xf32, #tpu.memory_space<hbm>>
          %dma_wait3A_508 = tpu.memref_squeeze %dma_wait3A_507 : memref<1x50x64xf32, #tpu.memory_space<hbm>> -> memref<50x64xf32, #tpu.memory_space<hbm>>
          %dma_wait3A_509 = arith.constant 0 : i32
          %dma_wait3A_510 = arith.constant 0 : i32
          %dma_wait3A_511 = tpu.memref_slice %arg14[%dma_wait3A_509, %dma_wait3A_510] : memref<50x128xf32, #tpu.memory_space<vmem>> -> memref<50x64xf32, #tpu.memory_space<vmem>>
          tpu.wait_dma2 semaphore(%arg30 : memref<!tpu.dma_semaphore, #tpu.memory_space<semaphore_mem>>) src(%dma_wait3A_511 : memref<50x64xf32, #tpu.memory_space<vmem>>) dst(%dma_wait3A_508 : memref<50x64xf32, #tpu.memory_space<hbm>>)
        } else {
        }
        %dma_start3A_492 = arith.constant 0 : i32
        %dma_start3A_493 = tpu.memref_slice %arg6[%add3A_198, %dma_start3A_492] : memref<512x50xi32, #tpu.memory_space<vmem>> -> memref<1x50xi32, #tpu.memory_space<vmem>>
        %dma_start3A_494 = tpu.memref_squeeze %dma_start3A_493 : memref<1x50xi32, #tpu.memory_space<vmem>> -> memref<50xi32, #tpu.memory_space<vmem>>
        %dma_start3A_495 = arith.constant 0 : i32
        %dma_start3A_496 = arith.constant 0 : i32
        %dma_start3A_497 = tpu.memref_slice %arg3[%dma_start3A_495, %dma_start3A_496] : memref<100000x128xf32, #tpu.memory_space<hbm>> -> memref<100000x128xf32, #tpu.memory_space<hbm>>
        tpu.enqueue_indirect_dma source(%dma_start3A_497 : memref<100000x128xf32, #tpu.memory_space<hbm>>) target(%arg14 : memref<50x128xf32, #tpu.memory_space<vmem>>) offsets(%dma_start3A_494 : memref<50xi32, #tpu.memory_space<vmem>>) semaphore(%arg22 : memref<!tpu.dma_semaphore, #tpu.memory_space<semaphore_mem>>)
      } else {
      }
      %add3A_201 = arith.constant 1 : i32
      %add3A_202 = arith.addi %add3A_165, %add3A_201 : i32
      %dma_wait3A_203 = arith.constant 0 : i32
      %dma_wait3A_204 = tpu.memref_slice %arg6[%add3A_202, %dma_wait3A_203] : memref<512x50xi32, #tpu.memory_space<vmem>> -> memref<1x50xi32, #tpu.memory_space<vmem>>
      %dma_wait3A_205 = tpu.memref_squeeze %dma_wait3A_204 : memref<1x50xi32, #tpu.memory_space<vmem>> -> memref<50xi32, #tpu.memory_space<vmem>>
      %dma_wait3A_206 = arith.constant 0 : i32
      %dma_wait3A_207 = arith.constant 0 : i32
      %dma_wait3A_208 = tpu.memref_slice %arg3[%dma_wait3A_206, %dma_wait3A_207] : memref<100000x128xf32, #tpu.memory_space<hbm>> -> memref<100000x128xf32, #tpu.memory_space<hbm>>
      tpu.wait_indirect_dma semaphore(%arg17 : memref<!tpu.dma_semaphore, #tpu.memory_space<semaphore_mem>>) src(%dma_wait3A_208 : memref<100000x128xf32, #tpu.memory_space<hbm>>) dst(%arg9 : memref<50x128xf32, #tpu.memory_space<vmem>>)
      %rem3A_209 = arith.constant 4 : i32
      %rem3A_210 = arith.remsi %add3A_202, %rem3A_209 : i32
      %mul3A_211 = arith.constant 50 : i32
      %mul3A_212 = arith.muli %rem3A_210, %mul3A_211 : i32
      %parallel_loop3A_213 = arith.constant 0 : i32
      %parallel_loop3A_214 = arith.constant 50 : i32
      %parallel_loop3A_215 = arith.constant 1 : i32
      scf.for %parallel_loop3A_488 = %parallel_loop3A_213 to %parallel_loop3A_214 step %parallel_loop3A_215  : i32 {
        %parallel_loop3A_489 = arith.index_cast %parallel_loop3A_488 : i32 to index
        %parallel_loop3A_490 = arith.constant 0 : index
        %parallel_loop3A_491 = tpu.vector_load %arg9[%parallel_loop3A_489, %parallel_loop3A_490] {strides = array<i32>} : memref<50x128xf32, #tpu.memory_space<vmem>>, vector<1x16xf32>,
        %parallel_loop3A_492 = vector.shape_cast %parallel_loop3A_491 : vector<1x16xf32> to vector<16xf32>
        %parallel_loop3A_493 = arith.addi %mul3A_212, %parallel_loop3A_488 : i32
        %parallel_loop3A_494 = arith.index_cast %parallel_loop3A_493 : i32 to index
        %parallel_loop3A_495 = arith.constant 0 : index
        %parallel_loop3A_496 = tpu.vector_load %arg7[%parallel_loop3A_494, %parallel_loop3A_495] {strides = array<i32>} : memref<200x64xf32, #tpu.memory_space<vmem>>, vector<1x16xf32>,
        %parallel_loop3A_497 = vector.shape_cast %parallel_loop3A_496 : vector<1x16xf32> to vector<16xf32>
        %parallel_loop3A_498 = arith.addf %parallel_loop3A_492, %parallel_loop3A_497 : vector<16xf32>
        %parallel_loop3A_499 = arith.index_cast %parallel_loop3A_488 : i32 to index
        %parallel_loop3A_500 = arith.constant 0 : index
        %parallel_loop3A_501 = tpu.vector_load %arg9[%parallel_loop3A_499, %parallel_loop3A_500] {strides = array<i32>} : memref<50x128xf32, #tpu.memory_space<vmem>>, vector<1x16xf32>,
        %parallel_loop3A_502 = vector.shape_cast %parallel_loop3A_501 : vector<1x16xf32> to vector<16xf32>
        %parallel_loop3A_503 = vector.shape_cast %parallel_loop3A_498 : vector<16xf32> to vector<1x16xf32>
        tpu.vector_store %arg9[%parallel_loop3A_499, %parallel_loop3A_500], %parallel_loop3A_503 {strides = array<i32>} : memref<50x128xf32, #tpu.memory_space<vmem>>, vector<1x16xf32>,
        %parallel_loop3A_504 = arith.index_cast %parallel_loop3A_488 : i32 to index
        %parallel_loop3A_505 = arith.constant 16 : index
        %parallel_loop3A_506 = tpu.vector_load %arg9[%parallel_loop3A_504, %parallel_loop3A_505] {strides = array<i32>} : memref<50x128xf32, #tpu.memory_space<vmem>>, vector<1x16xf32>,
        %parallel_loop3A_507 = vector.shape_cast %parallel_loop3A_506 : vector<1x16xf32> to vector<16xf32>
        %parallel_loop3A_508 = arith.addi %mul3A_212, %parallel_loop3A_488 : i32
        %parallel_loop3A_509 = arith.index_cast %parallel_loop3A_508 : i32 to index
        %parallel_loop3A_510 = arith.constant 16 : index
        %parallel_loop3A_511 = tpu.vector_load %arg7[%parallel_loop3A_509, %parallel_loop3A_510] {strides = array<i32>} : memref<200x64xf32, #tpu.memory_space<vmem>>, vector<1x16xf32>,
        %parallel_loop3A_512 = vector.shape_cast %parallel_loop3A_511 : vector<1x16xf32> to vector<16xf32>
        %parallel_loop3A_513 = arith.addf %parallel_loop3A_507, %parallel_loop3A_512 : vector<16xf32>
        %parallel_loop3A_514 = arith.index_cast %parallel_loop3A_488 : i32 to index
        %parallel_loop3A_515 = arith.constant 16 : index
        %parallel_loop3A_516 = tpu.vector_load %arg9[%parallel_loop3A_514, %parallel_loop3A_515] {strides = array<i32>} : memref<50x128xf32, #tpu.memory_space<vmem>>, vector<1x16xf32>,
        %parallel_loop3A_517 = vector.shape_cast %parallel_loop3A_516 : vector<1x16xf32> to vector<16xf32>
        %parallel_loop3A_518 = vector.shape_cast %parallel_loop3A_513 : vector<16xf32> to vector<1x16xf32>
        tpu.vector_store %arg9[%parallel_loop3A_514, %parallel_loop3A_515], %parallel_loop3A_518 {strides = array<i32>} : memref<50x128xf32, #tpu.memory_space<vmem>>, vector<1x16xf32>,
        %parallel_loop3A_519 = arith.index_cast %parallel_loop3A_488 : i32 to index
        %parallel_loop3A_520 = arith.constant 32 : index
        %parallel_loop3A_521 = tpu.vector_load %arg9[%parallel_loop3A_519, %parallel_loop3A_520] {strides = array<i32>} : memref<50x128xf32, #tpu.memory_space<vmem>>, vector<1x16xf32>,
        %parallel_loop3A_522 = vector.shape_cast %parallel_loop3A_521 : vector<1x16xf32> to vector<16xf32>
        %parallel_loop3A_523 = arith.addi %mul3A_212, %parallel_loop3A_488 : i32
        %parallel_loop3A_524 = arith.index_cast %parallel_loop3A_523 : i32 to index
        %parallel_loop3A_525 = arith.constant 32 : index
        %parallel_loop3A_526 = tpu.vector_load %arg7[%parallel_loop3A_524, %parallel_loop3A_525] {strides = array<i32>} : memref<200x64xf32, #tpu.memory_space<vmem>>, vector<1x16xf32>,
        %parallel_loop3A_527 = vector.shape_cast %parallel_loop3A_526 : vector<1x16xf32> to vector<16xf32>
        %parallel_loop3A_528 = arith.addf %parallel_loop3A_522, %parallel_loop3A_527 : vector<16xf32>
        %parallel_loop3A_529 = arith.index_cast %parallel_loop3A_488 : i32 to index
        %parallel_loop3A_530 = arith.constant 32 : index
        %parallel_loop3A_531 = tpu.vector_load %arg9[%parallel_loop3A_529, %parallel_loop3A_530] {strides = array<i32>} : memref<50x128xf32, #tpu.memory_space<vmem>>, vector<1x16xf32>,
        %parallel_loop3A_532 = vector.shape_cast %parallel_loop3A_531 : vector<1x16xf32> to vector<16xf32>
        %parallel_loop3A_533 = vector.shape_cast %parallel_loop3A_528 : vector<16xf32> to vector<1x16xf32>
        tpu.vector_store %arg9[%parallel_loop3A_529, %parallel_loop3A_530], %parallel_loop3A_533 {strides = array<i32>} : memref<50x128xf32, #tpu.memory_space<vmem>>, vector<1x16xf32>,
        %parallel_loop3A_534 = arith.index_cast %parallel_loop3A_488 : i32 to index
        %parallel_loop3A_535 = arith.constant 48 : index
        %parallel_loop3A_536 = tpu.vector_load %arg9[%parallel_loop3A_534, %parallel_loop3A_535] {strides = array<i32>} : memref<50x128xf32, #tpu.memory_space<vmem>>, vector<1x16xf32>,
        %parallel_loop3A_537 = vector.shape_cast %parallel_loop3A_536 : vector<1x16xf32> to vector<16xf32>
        %parallel_loop3A_538 = arith.addi %mul3A_212, %parallel_loop3A_488 : i32
        %parallel_loop3A_539 = arith.index_cast %parallel_loop3A_538 : i32 to index
        %parallel_loop3A_540 = arith.constant 48 : index
        %parallel_loop3A_541 = tpu.vector_load %arg7[%parallel_loop3A_539, %parallel_loop3A_540] {strides = array<i32>} : memref<200x64xf32, #tpu.memory_space<vmem>>, vector<1x16xf32>,
        %parallel_loop3A_542 = vector.shape_cast %parallel_loop3A_541 : vector<1x16xf32> to vector<16xf32>
        %parallel_loop3A_543 = arith.addf %parallel_loop3A_537, %parallel_loop3A_542 : vector<16xf32>
        %parallel_loop3A_544 = arith.index_cast %parallel_loop3A_488 : i32 to index
        %parallel_loop3A_545 = arith.constant 48 : index
        %parallel_loop3A_546 = tpu.vector_load %arg9[%parallel_loop3A_544, %parallel_loop3A_545] {strides = array<i32>} : memref<50x128xf32, #tpu.memory_space<vmem>>, vector<1x16xf32>,
        %parallel_loop3A_547 = vector.shape_cast %parallel_loop3A_546 : vector<1x16xf32> to vector<16xf32>
        %parallel_loop3A_548 = vector.shape_cast %parallel_loop3A_543 : vector<16xf32> to vector<1x16xf32>
        tpu.vector_store %arg9[%parallel_loop3A_544, %parallel_loop3A_545], %parallel_loop3A_548 {strides = array<i32>} : memref<50x128xf32, #tpu.memory_space<vmem>>, vector<1x16xf32>,
      } {sc.loop_unroll_factor = 2 : i64, sc.parallel_access}
      %div3A_216 = arith.constant 4 : i32
      %div3A_217 = arith.divsi %add3A_202, %div3A_216 : i32
      %rem3A_218 = arith.constant 4 : i32
      %rem3A_219 = arith.remsi %add3A_202, %rem3A_218 : i32
      %mul3A_220 = arith.constant 50 : i32
      %mul3A_221 = arith.muli %rem3A_219, %mul3A_220 : i32
      %add3A_222 = arith.addi %mul3A_4, %div3A_217 : i32
      %dma_start3A_223 = arith.constant 0 : i32
      %dma_start3A_224 = arith.constant 0 : i32
      %dma_start3A_225 = tpu.memref_slice %arg9[%dma_start3A_223, %dma_start3A_224] : memref<50x128xf32, #tpu.memory_space<vmem>> -> memref<50x64xf32, #tpu.memory_space<vmem>>
      %dma_start3A_226 = arith.constant 0 : i32
      %dma_start3A_227 = tpu.memref_slice %arg5[%add3A_222, %mul3A_221, %dma_start3A_226] : memref<4096x200x64xf32, #tpu.memory_space<hbm>> -> memref<1x50x64xf32, #tpu.memory_space<hbm>>
      %dma_start3A_228 = tpu.memref_squeeze %dma_start3A_227 : memref<1x50x64xf32, #tpu.memory_space<hbm>> -> memref<50x64xf32, #tpu.memory_space<hbm>>
      %dma_start3A_229 = arith.constant 0 : i32
      %dma_start3A_230 = tpu.memref_slice %arg5[%add3A_222, %mul3A_221, %dma_start3A_229] : memref<4096x200x64xf32, #tpu.memory_space<hbm>> -> memref<1x50x64xf32, #tpu.memory_space<hbm>>
      %dma_start3A_231 = tpu.memref_squeeze %dma_start3A_230 : memref<1x50x64xf32, #tpu.memory_space<hbm>> -> memref<50x64xf32, #tpu.memory_space<hbm>>
      %dma_start3A_232 = arith.constant 0 : i32
      %dma_start3A_233 = arith.constant 0 : i32
      %dma_start3A_234 = tpu.memref_slice %arg9[%dma_start3A_232, %dma_start3A_233] : memref<50x128xf32, #tpu.memory_space<vmem>> -> memref<50x64xf32, #tpu.memory_space<vmem>>
      tpu.enqueue_dma source(%dma_start3A_234 : memref<50x64xf32, #tpu.memory_space<vmem>>) target(%dma_start3A_231 : memref<50x64xf32, #tpu.memory_space<hbm>>) target_semaphore(%arg25 : memref<!tpu.dma_semaphore, #tpu.memory_space<semaphore_mem>>)
      %add3A_235 = arith.constant 6 : i32
      %add3A_236 = arith.addi %add3A_202, %add3A_235 : i32
      %lt3A_237 = arith.constant 512 : i32
      %lt3A_238 = arith.cmpi slt, %add3A_236, %lt3A_237 : i32
      %convert_element_type3A_239 = arith.extui %lt3A_238 : i1 to i32
      %cond3A_240 = arith.constant 0 : i32
      %cond3A_241 = arith.cmpi ne, %convert_element_type3A_239, %cond3A_240 : i32
      scf.if %cond3A_241 {
        %ge3A = arith.constant 2 : i32
        %ge3A_488 = arith.cmpi sge, %add3A_202, %ge3A : i32
        %convert_element_type3A_489 = arith.extui %ge3A_488 : i1 to i32
        %cond3A_490 = arith.constant 0 : i32
        %cond3A_491 = arith.cmpi ne, %convert_element_type3A_489, %cond3A_490 : i32
        scf.if %cond3A_491 {
          %dma_wait3A_498 = arith.constant 0 : i32
          %dma_wait3A_499 = arith.constant 0 : i32
          %dma_wait3A_500 = tpu.memref_slice %arg15[%dma_wait3A_498, %dma_wait3A_499] : memref<50x128xf32, #tpu.memory_space<vmem>> -> memref<50x64xf32, #tpu.memory_space<vmem>>
          %dma_wait3A_501 = arith.constant 0 : i32
          %dma_wait3A_502 = arith.constant 0 : i32
          %dma_wait3A_503 = tpu.memref_slice %arg5[%mul3A_4, %dma_wait3A_501, %dma_wait3A_502] : memref<4096x200x64xf32, #tpu.memory_space<hbm>> -> memref<1x50x64xf32, #tpu.memory_space<hbm>>
          %dma_wait3A_504 = tpu.memref_squeeze %dma_wait3A_503 : memref<1x50x64xf32, #tpu.memory_space<hbm>> -> memref<50x64xf32, #tpu.memory_space<hbm>>
          %dma_wait3A_505 = arith.constant 0 : i32
          %dma_wait3A_506 = arith.constant 0 : i32
          %dma_wait3A_507 = tpu.memref_slice %arg5[%mul3A_4, %dma_wait3A_505, %dma_wait3A_506] : memref<4096x200x64xf32, #tpu.memory_space<hbm>> -> memref<1x50x64xf32, #tpu.memory_space<hbm>>
          %dma_wait3A_508 = tpu.memref_squeeze %dma_wait3A_507 : memref<1x50x64xf32, #tpu.memory_space<hbm>> -> memref<50x64xf32, #tpu.memory_space<hbm>>
          %dma_wait3A_509 = arith.constant 0 : i32
          %dma_wait3A_510 = arith.constant 0 : i32
          %dma_wait3A_511 = tpu.memref_slice %arg15[%dma_wait3A_509, %dma_wait3A_510] : memref<50x128xf32, #tpu.memory_space<vmem>> -> memref<50x64xf32, #tpu.memory_space<vmem>>
          tpu.wait_dma2 semaphore(%arg31 : memref<!tpu.dma_semaphore, #tpu.memory_space<semaphore_mem>>) src(%dma_wait3A_511 : memref<50x64xf32, #tpu.memory_space<vmem>>) dst(%dma_wait3A_508 : memref<50x64xf32, #tpu.memory_space<hbm>>)
        } else {
        }
        %dma_start3A_492 = arith.constant 0 : i32
        %dma_start3A_493 = tpu.memref_slice %arg6[%add3A_236, %dma_start3A_492] : memref<512x50xi32, #tpu.memory_space<vmem>> -> memref<1x50xi32, #tpu.memory_space<vmem>>
        %dma_start3A_494 = tpu.memref_squeeze %dma_start3A_493 : memref<1x50xi32, #tpu.memory_space<vmem>> -> memref<50xi32, #tpu.memory_space<vmem>>
        %dma_start3A_495 = arith.constant 0 : i32
        %dma_start3A_496 = arith.constant 0 : i32
        %dma_start3A_497 = tpu.memref_slice %arg3[%dma_start3A_495, %dma_start3A_496] : memref<100000x128xf32, #tpu.memory_space<hbm>> -> memref<100000x128xf32, #tpu.memory_space<hbm>>
        tpu.enqueue_indirect_dma source(%dma_start3A_497 : memref<100000x128xf32, #tpu.memory_space<hbm>>) target(%arg15 : memref<50x128xf32, #tpu.memory_space<vmem>>) offsets(%dma_start3A_494 : memref<50xi32, #tpu.memory_space<vmem>>) semaphore(%arg23 : memref<!tpu.dma_semaphore, #tpu.memory_space<semaphore_mem>>)
      } else {
      }
      %add3A_242 = arith.constant 2 : i32
      %add3A_243 = arith.addi %add3A_165, %add3A_242 : i32
      %dma_wait3A_244 = arith.constant 0 : i32
      %dma_wait3A_245 = tpu.memref_slice %arg6[%add3A_243, %dma_wait3A_244] : memref<512x50xi32, #tpu.memory_space<vmem>> -> memref<1x50xi32, #tpu.memory_space<vmem>>
      %dma_wait3A_246 = tpu.memref_squeeze %dma_wait3A_245 : memref<1x50xi32, #tpu.memory_space<vmem>> -> memref<50xi32, #tpu.memory_space<vmem>>
      %dma_wait3A_247 = arith.constant 0 : i32
      %dma_wait3A_248 = arith.constant 0 : i32
      %dma_wait3A_249 = tpu.memref_slice %arg3[%dma_wait3A_247, %dma_wait3A_248] : memref<100000x128xf32, #tpu.memory_space<hbm>> -> memref<100000x128xf32, #tpu.memory_space<hbm>>
      tpu.wait_indirect_dma semaphore(%arg18 : memref<!tpu.dma_semaphore, #tpu.memory_space<semaphore_mem>>) src(%dma_wait3A_249 : memref<100000x128xf32, #tpu.memory_space<hbm>>) dst(%arg10 : memref<50x128xf32, #tpu.memory_space<vmem>>)
      %rem3A_250 = arith.constant 4 : i32
      %rem3A_251 = arith.remsi %add3A_243, %rem3A_250 : i32
      %mul3A_252 = arith.constant 50 : i32
      %mul3A_253 = arith.muli %rem3A_251, %mul3A_252 : i32
      %parallel_loop3A_254 = arith.constant 0 : i32
      %parallel_loop3A_255 = arith.constant 50 : i32
      %parallel_loop3A_256 = arith.constant 1 : i32
      scf.for %parallel_loop3A_488 = %parallel_loop3A_254 to %parallel_loop3A_255 step %parallel_loop3A_256  : i32 {
        %parallel_loop3A_489 = arith.index_cast %parallel_loop3A_488 : i32 to index
        %parallel_loop3A_490 = arith.constant 0 : index
        %parallel_loop3A_491 = tpu.vector_load %arg10[%parallel_loop3A_489, %parallel_loop3A_490] {strides = array<i32>} : memref<50x128xf32, #tpu.memory_space<vmem>>, vector<1x16xf32>,
        %parallel_loop3A_492 = vector.shape_cast %parallel_loop3A_491 : vector<1x16xf32> to vector<16xf32>
        %parallel_loop3A_493 = arith.addi %mul3A_253, %parallel_loop3A_488 : i32
        %parallel_loop3A_494 = arith.index_cast %parallel_loop3A_493 : i32 to index
        %parallel_loop3A_495 = arith.constant 0 : index
        %parallel_loop3A_496 = tpu.vector_load %arg7[%parallel_loop3A_494, %parallel_loop3A_495] {strides = array<i32>} : memref<200x64xf32, #tpu.memory_space<vmem>>, vector<1x16xf32>,
        %parallel_loop3A_497 = vector.shape_cast %parallel_loop3A_496 : vector<1x16xf32> to vector<16xf32>
        %parallel_loop3A_498 = arith.addf %parallel_loop3A_492, %parallel_loop3A_497 : vector<16xf32>
        %parallel_loop3A_499 = arith.index_cast %parallel_loop3A_488 : i32 to index
        %parallel_loop3A_500 = arith.constant 0 : index
        %parallel_loop3A_501 = tpu.vector_load %arg10[%parallel_loop3A_499, %parallel_loop3A_500] {strides = array<i32>} : memref<50x128xf32, #tpu.memory_space<vmem>>, vector<1x16xf32>,
        %parallel_loop3A_502 = vector.shape_cast %parallel_loop3A_501 : vector<1x16xf32> to vector<16xf32>
        %parallel_loop3A_503 = vector.shape_cast %parallel_loop3A_498 : vector<16xf32> to vector<1x16xf32>
        tpu.vector_store %arg10[%parallel_loop3A_499, %parallel_loop3A_500], %parallel_loop3A_503 {strides = array<i32>} : memref<50x128xf32, #tpu.memory_space<vmem>>, vector<1x16xf32>,
        %parallel_loop3A_504 = arith.index_cast %parallel_loop3A_488 : i32 to index
        %parallel_loop3A_505 = arith.constant 16 : index
        %parallel_loop3A_506 = tpu.vector_load %arg10[%parallel_loop3A_504, %parallel_loop3A_505] {strides = array<i32>} : memref<50x128xf32, #tpu.memory_space<vmem>>, vector<1x16xf32>,
        %parallel_loop3A_507 = vector.shape_cast %parallel_loop3A_506 : vector<1x16xf32> to vector<16xf32>
        %parallel_loop3A_508 = arith.addi %mul3A_253, %parallel_loop3A_488 : i32
        %parallel_loop3A_509 = arith.index_cast %parallel_loop3A_508 : i32 to index
        %parallel_loop3A_510 = arith.constant 16 : index
        %parallel_loop3A_511 = tpu.vector_load %arg7[%parallel_loop3A_509, %parallel_loop3A_510] {strides = array<i32>} : memref<200x64xf32, #tpu.memory_space<vmem>>, vector<1x16xf32>,
        %parallel_loop3A_512 = vector.shape_cast %parallel_loop3A_511 : vector<1x16xf32> to vector<16xf32>
        %parallel_loop3A_513 = arith.addf %parallel_loop3A_507, %parallel_loop3A_512 : vector<16xf32>
        %parallel_loop3A_514 = arith.index_cast %parallel_loop3A_488 : i32 to index
        %parallel_loop3A_515 = arith.constant 16 : index
        %parallel_loop3A_516 = tpu.vector_load %arg10[%parallel_loop3A_514, %parallel_loop3A_515] {strides = array<i32>} : memref<50x128xf32, #tpu.memory_space<vmem>>, vector<1x16xf32>,
        %parallel_loop3A_517 = vector.shape_cast %parallel_loop3A_516 : vector<1x16xf32> to vector<16xf32>
        %parallel_loop3A_518 = vector.shape_cast %parallel_loop3A_513 : vector<16xf32> to vector<1x16xf32>
        tpu.vector_store %arg10[%parallel_loop3A_514, %parallel_loop3A_515], %parallel_loop3A_518 {strides = array<i32>} : memref<50x128xf32, #tpu.memory_space<vmem>>, vector<1x16xf32>,
        %parallel_loop3A_519 = arith.index_cast %parallel_loop3A_488 : i32 to index
        %parallel_loop3A_520 = arith.constant 32 : index
        %parallel_loop3A_521 = tpu.vector_load %arg10[%parallel_loop3A_519, %parallel_loop3A_520] {strides = array<i32>} : memref<50x128xf32, #tpu.memory_space<vmem>>, vector<1x16xf32>,
        %parallel_loop3A_522 = vector.shape_cast %parallel_loop3A_521 : vector<1x16xf32> to vector<16xf32>
        %parallel_loop3A_523 = arith.addi %mul3A_253, %parallel_loop3A_488 : i32
        %parallel_loop3A_524 = arith.index_cast %parallel_loop3A_523 : i32 to index
        %parallel_loop3A_525 = arith.constant 32 : index
        %parallel_loop3A_526 = tpu.vector_load %arg7[%parallel_loop3A_524, %parallel_loop3A_525] {strides = array<i32>} : memref<200x64xf32, #tpu.memory_space<vmem>>, vector<1x16xf32>,
        %parallel_loop3A_527 = vector.shape_cast %parallel_loop3A_526 : vector<1x16xf32> to vector<16xf32>
        %parallel_loop3A_528 = arith.addf %parallel_loop3A_522, %parallel_loop3A_527 : vector<16xf32>
        %parallel_loop3A_529 = arith.index_cast %parallel_loop3A_488 : i32 to index
        %parallel_loop3A_530 = arith.constant 32 : index
        %parallel_loop3A_531 = tpu.vector_load %arg10[%parallel_loop3A_529, %parallel_loop3A_530] {strides = array<i32>} : memref<50x128xf32, #tpu.memory_space<vmem>>, vector<1x16xf32>,
        %parallel_loop3A_532 = vector.shape_cast %parallel_loop3A_531 : vector<1x16xf32> to vector<16xf32>
        %parallel_loop3A_533 = vector.shape_cast %parallel_loop3A_528 : vector<16xf32> to vector<1x16xf32>
        tpu.vector_store %arg10[%parallel_loop3A_529, %parallel_loop3A_530], %parallel_loop3A_533 {strides = array<i32>} : memref<50x128xf32, #tpu.memory_space<vmem>>, vector<1x16xf32>,
        %parallel_loop3A_534 = arith.index_cast %parallel_loop3A_488 : i32 to index
        %parallel_loop3A_535 = arith.constant 48 : index
        %parallel_loop3A_536 = tpu.vector_load %arg10[%parallel_loop3A_534, %parallel_loop3A_535] {strides = array<i32>} : memref<50x128xf32, #tpu.memory_space<vmem>>, vector<1x16xf32>,
        %parallel_loop3A_537 = vector.shape_cast %parallel_loop3A_536 : vector<1x16xf32> to vector<16xf32>
        %parallel_loop3A_538 = arith.addi %mul3A_253, %parallel_loop3A_488 : i32
        %parallel_loop3A_539 = arith.index_cast %parallel_loop3A_538 : i32 to index
        %parallel_loop3A_540 = arith.constant 48 : index
        %parallel_loop3A_541 = tpu.vector_load %arg7[%parallel_loop3A_539, %parallel_loop3A_540] {strides = array<i32>} : memref<200x64xf32, #tpu.memory_space<vmem>>, vector<1x16xf32>,
        %parallel_loop3A_542 = vector.shape_cast %parallel_loop3A_541 : vector<1x16xf32> to vector<16xf32>
        %parallel_loop3A_543 = arith.addf %parallel_loop3A_537, %parallel_loop3A_542 : vector<16xf32>
        %parallel_loop3A_544 = arith.index_cast %parallel_loop3A_488 : i32 to index
        %parallel_loop3A_545 = arith.constant 48 : index
        %parallel_loop3A_546 = tpu.vector_load %arg10[%parallel_loop3A_544, %parallel_loop3A_545] {strides = array<i32>} : memref<50x128xf32, #tpu.memory_space<vmem>>, vector<1x16xf32>,
        %parallel_loop3A_547 = vector.shape_cast %parallel_loop3A_546 : vector<1x16xf32> to vector<16xf32>
        %parallel_loop3A_548 = vector.shape_cast %parallel_loop3A_543 : vector<16xf32> to vector<1x16xf32>
        tpu.vector_store %arg10[%parallel_loop3A_544, %parallel_loop3A_545], %parallel_loop3A_548 {strides = array<i32>} : memref<50x128xf32, #tpu.memory_space<vmem>>, vector<1x16xf32>,
      } {sc.loop_unroll_factor = 2 : i64, sc.parallel_access}
      %div3A_257 = arith.constant 4 : i32
      %div3A_258 = arith.divsi %add3A_243, %div3A_257 : i32
      %rem3A_259 = arith.constant 4 : i32
      %rem3A_260 = arith.remsi %add3A_243, %rem3A_259 : i32
      %mul3A_261 = arith.constant 50 : i32
      %mul3A_262 = arith.muli %rem3A_260, %mul3A_261 : i32
      %add3A_263 = arith.addi %mul3A_4, %div3A_258 : i32
      %dma_start3A_264 = arith.constant 0 : i32
      %dma_start3A_265 = arith.constant 0 : i32
      %dma_start3A_266 = tpu.memref_slice %arg10[%dma_start3A_264, %dma_start3A_265] : memref<50x128xf32, #tpu.memory_space<vmem>> -> memref<50x64xf32, #tpu.memory_space<vmem>>
      %dma_start3A_267 = arith.constant 0 : i32
      %dma_start3A_268 = tpu.memref_slice %arg5[%add3A_263, %mul3A_262, %dma_start3A_267] : memref<4096x200x64xf32, #tpu.memory_space<hbm>> -> memref<1x50x64xf32, #tpu.memory_space<hbm>>
      %dma_start3A_269 = tpu.memref_squeeze %dma_start3A_268 : memref<1x50x64xf32, #tpu.memory_space<hbm>> -> memref<50x64xf32, #tpu.memory_space<hbm>>
      %dma_start3A_270 = arith.constant 0 : i32
      %dma_start3A_271 = tpu.memref_slice %arg5[%add3A_263, %mul3A_262, %dma_start3A_270] : memref<4096x200x64xf32, #tpu.memory_space<hbm>> -> memref<1x50x64xf32, #tpu.memory_space<hbm>>
      %dma_start3A_272 = tpu.memref_squeeze %dma_start3A_271 : memref<1x50x64xf32, #tpu.memory_space<hbm>> -> memref<50x64xf32, #tpu.memory_space<hbm>>
      %dma_start3A_273 = arith.constant 0 : i32
      %dma_start3A_274 = arith.constant 0 : i32
      %dma_start3A_275 = tpu.memref_slice %arg10[%dma_start3A_273, %dma_start3A_274] : memref<50x128xf32, #tpu.memory_space<vmem>> -> memref<50x64xf32, #tpu.memory_space<vmem>>
      tpu.enqueue_dma source(%dma_start3A_275 : memref<50x64xf32, #tpu.memory_space<vmem>>) target(%dma_start3A_272 : memref<50x64xf32, #tpu.memory_space<hbm>>) target_semaphore(%arg26 : memref<!tpu.dma_semaphore, #tpu.memory_space<semaphore_mem>>)
      %add3A_276 = arith.constant 6 : i32
      %add3A_277 = arith.addi %add3A_243, %add3A_276 : i32
      %lt3A_278 = arith.constant 512 : i32
      %lt3A_279 = arith.cmpi slt, %add3A_277, %lt3A_278 : i32
      %convert_element_type3A_280 = arith.extui %lt3A_279 : i1 to i32
      %cond3A_281 = arith.constant 0 : i32
      %cond3A_282 = arith.cmpi ne, %convert_element_type3A_280, %cond3A_281 : i32
      scf.if %cond3A_282 {
        %ge3A = arith.constant 2 : i32
        %ge3A_488 = arith.cmpi sge, %add3A_243, %ge3A : i32
        %convert_element_type3A_489 = arith.extui %ge3A_488 : i1 to i32
        %cond3A_490 = arith.constant 0 : i32
        %cond3A_491 = arith.cmpi ne, %convert_element_type3A_489, %cond3A_490 : i32
        scf.if %cond3A_491 {
          %dma_wait3A_498 = arith.constant 0 : i32
          %dma_wait3A_499 = arith.constant 0 : i32
          %dma_wait3A_500 = tpu.memref_slice %arg8[%dma_wait3A_498, %dma_wait3A_499] : memref<50x128xf32, #tpu.memory_space<vmem>> -> memref<50x64xf32, #tpu.memory_space<vmem>>
          %dma_wait3A_501 = arith.constant 0 : i32
          %dma_wait3A_502 = arith.constant 0 : i32
          %dma_wait3A_503 = tpu.memref_slice %arg5[%mul3A_4, %dma_wait3A_501, %dma_wait3A_502] : memref<4096x200x64xf32, #tpu.memory_space<hbm>> -> memref<1x50x64xf32, #tpu.memory_space<hbm>>
          %dma_wait3A_504 = tpu.memref_squeeze %dma_wait3A_503 : memref<1x50x64xf32, #tpu.memory_space<hbm>> -> memref<50x64xf32, #tpu.memory_space<hbm>>
          %dma_wait3A_505 = arith.constant 0 : i32
          %dma_wait3A_506 = arith.constant 0 : i32
          %dma_wait3A_507 = tpu.memref_slice %arg5[%mul3A_4, %dma_wait3A_505, %dma_wait3A_506] : memref<4096x200x64xf32, #tpu.memory_space<hbm>> -> memref<1x50x64xf32, #tpu.memory_space<hbm>>
          %dma_wait3A_508 = tpu.memref_squeeze %dma_wait3A_507 : memref<1x50x64xf32, #tpu.memory_space<hbm>> -> memref<50x64xf32, #tpu.memory_space<hbm>>
          %dma_wait3A_509 = arith.constant 0 : i32
          %dma_wait3A_510 = arith.constant 0 : i32
          %dma_wait3A_511 = tpu.memref_slice %arg8[%dma_wait3A_509, %dma_wait3A_510] : memref<50x128xf32, #tpu.memory_space<vmem>> -> memref<50x64xf32, #tpu.memory_space<vmem>>
          tpu.wait_dma2 semaphore(%arg24 : memref<!tpu.dma_semaphore, #tpu.memory_space<semaphore_mem>>) src(%dma_wait3A_511 : memref<50x64xf32, #tpu.memory_space<vmem>>) dst(%dma_wait3A_508 : memref<50x64xf32, #tpu.memory_space<hbm>>)
        } else {
        }
        %dma_start3A_492 = arith.constant 0 : i32
        %dma_start3A_493 = tpu.memref_slice %arg6[%add3A_277, %dma_start3A_492] : memref<512x50xi32, #tpu.memory_space<vmem>> -> memref<1x50xi32, #tpu.memory_space<vmem>>
        %dma_start3A_494 = tpu.memref_squeeze %dma_start3A_493 : memref<1x50xi32, #tpu.memory_space<vmem>> -> memref<50xi32, #tpu.memory_space<vmem>>
        %dma_start3A_495 = arith.constant 0 : i32
        %dma_start3A_496 = arith.constant 0 : i32
        %dma_start3A_497 = tpu.memref_slice %arg3[%dma_start3A_495, %dma_start3A_496] : memref<100000x128xf32, #tpu.memory_space<hbm>> -> memref<100000x128xf32, #tpu.memory_space<hbm>>
        tpu.enqueue_indirect_dma source(%dma_start3A_497 : memref<100000x128xf32, #tpu.memory_space<hbm>>) target(%arg8 : memref<50x128xf32, #tpu.memory_space<vmem>>) offsets(%dma_start3A_494 : memref<50xi32, #tpu.memory_space<vmem>>) semaphore(%arg16 : memref<!tpu.dma_semaphore, #tpu.memory_space<semaphore_mem>>)
      } else {
      }
      %add3A_283 = arith.constant 3 : i32
      %add3A_284 = arith.addi %add3A_165, %add3A_283 : i32
      %dma_wait3A_285 = arith.constant 0 : i32
      %dma_wait3A_286 = tpu.memref_slice %arg6[%add3A_284, %dma_wait3A_285] : memref<512x50xi32, #tpu.memory_space<vmem>> -> memref<1x50xi32, #tpu.memory_space<vmem>>
      %dma_wait3A_287 = tpu.memref_squeeze %dma_wait3A_286 : memref<1x50xi32, #tpu.memory_space<vmem>> -> memref<50xi32, #tpu.memory_space<vmem>>
      %dma_wait3A_288 = arith.constant 0 : i32
      %dma_wait3A_289 = arith.constant 0 : i32
      %dma_wait3A_290 = tpu.memref_slice %arg3[%dma_wait3A_288, %dma_wait3A_289] : memref<100000x128xf32, #tpu.memory_space<hbm>> -> memref<100000x128xf32, #tpu.memory_space<hbm>>
      tpu.wait_indirect_dma semaphore(%arg19 : memref<!tpu.dma_semaphore, #tpu.memory_space<semaphore_mem>>) src(%dma_wait3A_290 : memref<100000x128xf32, #tpu.memory_space<hbm>>) dst(%arg11 : memref<50x128xf32, #tpu.memory_space<vmem>>)
      %rem3A_291 = arith.constant 4 : i32
      %rem3A_292 = arith.remsi %add3A_284, %rem3A_291 : i32
      %mul3A_293 = arith.constant 50 : i32
      %mul3A_294 = arith.muli %rem3A_292, %mul3A_293 : i32
      %parallel_loop3A_295 = arith.constant 0 : i32
      %parallel_loop3A_296 = arith.constant 50 : i32
      %parallel_loop3A_297 = arith.constant 1 : i32
      scf.for %parallel_loop3A_488 = %parallel_loop3A_295 to %parallel_loop3A_296 step %parallel_loop3A_297  : i32 {
        %parallel_loop3A_489 = arith.index_cast %parallel_loop3A_488 : i32 to index
        %parallel_loop3A_490 = arith.constant 0 : index
        %parallel_loop3A_491 = tpu.vector_load %arg11[%parallel_loop3A_489, %parallel_loop3A_490] {strides = array<i32>} : memref<50x128xf32, #tpu.memory_space<vmem>>, vector<1x16xf32>,
        %parallel_loop3A_492 = vector.shape_cast %parallel_loop3A_491 : vector<1x16xf32> to vector<16xf32>
        %parallel_loop3A_493 = arith.addi %mul3A_294, %parallel_loop3A_488 : i32
        %parallel_loop3A_494 = arith.index_cast %parallel_loop3A_493 : i32 to index
        %parallel_loop3A_495 = arith.constant 0 : index
        %parallel_loop3A_496 = tpu.vector_load %arg7[%parallel_loop3A_494, %parallel_loop3A_495] {strides = array<i32>} : memref<200x64xf32, #tpu.memory_space<vmem>>, vector<1x16xf32>,
        %parallel_loop3A_497 = vector.shape_cast %parallel_loop3A_496 : vector<1x16xf32> to vector<16xf32>
        %parallel_loop3A_498 = arith.addf %parallel_loop3A_492, %parallel_loop3A_497 : vector<16xf32>
        %parallel_loop3A_499 = arith.index_cast %parallel_loop3A_488 : i32 to index
        %parallel_loop3A_500 = arith.constant 0 : index
        %parallel_loop3A_501 = tpu.vector_load %arg11[%parallel_loop3A_499, %parallel_loop3A_500] {strides = array<i32>} : memref<50x128xf32, #tpu.memory_space<vmem>>, vector<1x16xf32>,
        %parallel_loop3A_502 = vector.shape_cast %parallel_loop3A_501 : vector<1x16xf32> to vector<16xf32>
        %parallel_loop3A_503 = vector.shape_cast %parallel_loop3A_498 : vector<16xf32> to vector<1x16xf32>
        tpu.vector_store %arg11[%parallel_loop3A_499, %parallel_loop3A_500], %parallel_loop3A_503 {strides = array<i32>} : memref<50x128xf32, #tpu.memory_space<vmem>>, vector<1x16xf32>,
        %parallel_loop3A_504 = arith.index_cast %parallel_loop3A_488 : i32 to index
        %parallel_loop3A_505 = arith.constant 16 : index
        %parallel_loop3A_506 = tpu.vector_load %arg11[%parallel_loop3A_504, %parallel_loop3A_505] {strides = array<i32>} : memref<50x128xf32, #tpu.memory_space<vmem>>, vector<1x16xf32>,
        %parallel_loop3A_507 = vector.shape_cast %parallel_loop3A_506 : vector<1x16xf32> to vector<16xf32>
        %parallel_loop3A_508 = arith.addi %mul3A_294, %parallel_loop3A_488 : i32
        %parallel_loop3A_509 = arith.index_cast %parallel_loop3A_508 : i32 to index
        %parallel_loop3A_510 = arith.constant 16 : index
        %parallel_loop3A_511 = tpu.vector_load %arg7[%parallel_loop3A_509, %parallel_loop3A_510] {strides = array<i32>} : memref<200x64xf32, #tpu.memory_space<vmem>>, vector<1x16xf32>,
        %parallel_loop3A_512 = vector.shape_cast %parallel_loop3A_511 : vector<1x16xf32> to vector<16xf32>
        %parallel_loop3A_513 = arith.addf %parallel_loop3A_507, %parallel_loop3A_512 : vector<16xf32>
        %parallel_loop3A_514 = arith.index_cast %parallel_loop3A_488 : i32 to index
        %parallel_loop3A_515 = arith.constant 16 : index
        %parallel_loop3A_516 = tpu.vector_load %arg11[%parallel_loop3A_514, %parallel_loop3A_515] {strides = array<i32>} : memref<50x128xf32, #tpu.memory_space<vmem>>, vector<1x16xf32>,
        %parallel_loop3A_517 = vector.shape_cast %parallel_loop3A_516 : vector<1x16xf32> to vector<16xf32>
        %parallel_loop3A_518 = vector.shape_cast %parallel_loop3A_513 : vector<16xf32> to vector<1x16xf32>
        tpu.vector_store %arg11[%parallel_loop3A_514, %parallel_loop3A_515], %parallel_loop3A_518 {strides = array<i32>} : memref<50x128xf32, #tpu.memory_space<vmem>>, vector<1x16xf32>,
        %parallel_loop3A_519 = arith.index_cast %parallel_loop3A_488 : i32 to index
        %parallel_loop3A_520 = arith.constant 32 : index
        %parallel_loop3A_521 = tpu.vector_load %arg11[%parallel_loop3A_519, %parallel_loop3A_520] {strides = array<i32>} : memref<50x128xf32, #tpu.memory_space<vmem>>, vector<1x16xf32>,
        %parallel_loop3A_522 = vector.shape_cast %parallel_loop3A_521 : vector<1x16xf32> to vector<16xf32>
        %parallel_loop3A_523 = arith.addi %mul3A_294, %parallel_loop3A_488 : i32
        %parallel_loop3A_524 = arith.index_cast %parallel_loop3A_523 : i32 to index
        %parallel_loop3A_525 = arith.constant 32 : index
        %parallel_loop3A_526 = tpu.vector_load %arg7[%parallel_loop3A_524, %parallel_loop3A_525] {strides = array<i32>} : memref<200x64xf32, #tpu.memory_space<vmem>>, vector<1x16xf32>,
        %parallel_loop3A_527 = vector.shape_cast %parallel_loop3A_526 : vector<1x16xf32> to vector<16xf32>
        %parallel_loop3A_528 = arith.addf %parallel_loop3A_522, %parallel_loop3A_527 : vector<16xf32>
        %parallel_loop3A_529 = arith.index_cast %parallel_loop3A_488 : i32 to index
        %parallel_loop3A_530 = arith.constant 32 : index
        %parallel_loop3A_531 = tpu.vector_load %arg11[%parallel_loop3A_529, %parallel_loop3A_530] {strides = array<i32>} : memref<50x128xf32, #tpu.memory_space<vmem>>, vector<1x16xf32>,
        %parallel_loop3A_532 = vector.shape_cast %parallel_loop3A_531 : vector<1x16xf32> to vector<16xf32>
        %parallel_loop3A_533 = vector.shape_cast %parallel_loop3A_528 : vector<16xf32> to vector<1x16xf32>
        tpu.vector_store %arg11[%parallel_loop3A_529, %parallel_loop3A_530], %parallel_loop3A_533 {strides = array<i32>} : memref<50x128xf32, #tpu.memory_space<vmem>>, vector<1x16xf32>,
        %parallel_loop3A_534 = arith.index_cast %parallel_loop3A_488 : i32 to index
        %parallel_loop3A_535 = arith.constant 48 : index
        %parallel_loop3A_536 = tpu.vector_load %arg11[%parallel_loop3A_534, %parallel_loop3A_535] {strides = array<i32>} : memref<50x128xf32, #tpu.memory_space<vmem>>, vector<1x16xf32>,
        %parallel_loop3A_537 = vector.shape_cast %parallel_loop3A_536 : vector<1x16xf32> to vector<16xf32>
        %parallel_loop3A_538 = arith.addi %mul3A_294, %parallel_loop3A_488 : i32
        %parallel_loop3A_539 = arith.index_cast %parallel_loop3A_538 : i32 to index
        %parallel_loop3A_540 = arith.constant 48 : index
        %parallel_loop3A_541 = tpu.vector_load %arg7[%parallel_loop3A_539, %parallel_loop3A_540] {strides = array<i32>} : memref<200x64xf32, #tpu.memory_space<vmem>>, vector<1x16xf32>,
        %parallel_loop3A_542 = vector.shape_cast %parallel_loop3A_541 : vector<1x16xf32> to vector<16xf32>
        %parallel_loop3A_543 = arith.addf %parallel_loop3A_537, %parallel_loop3A_542 : vector<16xf32>
        %parallel_loop3A_544 = arith.index_cast %parallel_loop3A_488 : i32 to index
        %parallel_loop3A_545 = arith.constant 48 : index
        %parallel_loop3A_546 = tpu.vector_load %arg11[%parallel_loop3A_544, %parallel_loop3A_545] {strides = array<i32>} : memref<50x128xf32, #tpu.memory_space<vmem>>, vector<1x16xf32>,
        %parallel_loop3A_547 = vector.shape_cast %parallel_loop3A_546 : vector<1x16xf32> to vector<16xf32>
        %parallel_loop3A_548 = vector.shape_cast %parallel_loop3A_543 : vector<16xf32> to vector<1x16xf32>
        tpu.vector_store %arg11[%parallel_loop3A_544, %parallel_loop3A_545], %parallel_loop3A_548 {strides = array<i32>} : memref<50x128xf32, #tpu.memory_space<vmem>>, vector<1x16xf32>,
      } {sc.loop_unroll_factor = 2 : i64, sc.parallel_access}
      %div3A_298 = arith.constant 4 : i32
      %div3A_299 = arith.divsi %add3A_284, %div3A_298 : i32
      %rem3A_300 = arith.constant 4 : i32
      %rem3A_301 = arith.remsi %add3A_284, %rem3A_300 : i32
      %mul3A_302 = arith.constant 50 : i32
      %mul3A_303 = arith.muli %rem3A_301, %mul3A_302 : i32
      %add3A_304 = arith.addi %mul3A_4, %div3A_299 : i32
      %dma_start3A_305 = arith.constant 0 : i32
      %dma_start3A_306 = arith.constant 0 : i32
      %dma_start3A_307 = tpu.memref_slice %arg11[%dma_start3A_305, %dma_start3A_306] : memref<50x128xf32, #tpu.memory_space<vmem>> -> memref<50x64xf32, #tpu.memory_space<vmem>>
      %dma_start3A_308 = arith.constant 0 : i32
      %dma_start3A_309 = tpu.memref_slice %arg5[%add3A_304, %mul3A_303, %dma_start3A_308] : memref<4096x200x64xf32, #tpu.memory_space<hbm>> -> memref<1x50x64xf32, #tpu.memory_space<hbm>>
      %dma_start3A_310 = tpu.memref_squeeze %dma_start3A_309 : memref<1x50x64xf32, #tpu.memory_space<hbm>> -> memref<50x64xf32, #tpu.memory_space<hbm>>
      %dma_start3A_311 = arith.constant 0 : i32
      %dma_start3A_312 = tpu.memref_slice %arg5[%add3A_304, %mul3A_303, %dma_start3A_311] : memref<4096x200x64xf32, #tpu.memory_space<hbm>> -> memref<1x50x64xf32, #tpu.memory_space<hbm>>
      %dma_start3A_313 = tpu.memref_squeeze %dma_start3A_312 : memref<1x50x64xf32, #tpu.memory_space<hbm>> -> memref<50x64xf32, #tpu.memory_space<hbm>>
      %dma_start3A_314 = arith.constant 0 : i32
      %dma_start3A_315 = arith.constant 0 : i32
      %dma_start3A_316 = tpu.memref_slice %arg11[%dma_start3A_314, %dma_start3A_315] : memref<50x128xf32, #tpu.memory_space<vmem>> -> memref<50x64xf32, #tpu.memory_space<vmem>>
      tpu.enqueue_dma source(%dma_start3A_316 : memref<50x64xf32, #tpu.memory_space<vmem>>) target(%dma_start3A_313 : memref<50x64xf32, #tpu.memory_space<hbm>>) target_semaphore(%arg27 : memref<!tpu.dma_semaphore, #tpu.memory_space<semaphore_mem>>)
      %add3A_317 = arith.constant 6 : i32
      %add3A_318 = arith.addi %add3A_284, %add3A_317 : i32
      %lt3A_319 = arith.constant 512 : i32
      %lt3A_320 = arith.cmpi slt, %add3A_318, %lt3A_319 : i32
      %convert_element_type3A_321 = arith.extui %lt3A_320 : i1 to i32
      %cond3A_322 = arith.constant 0 : i32
      %cond3A_323 = arith.cmpi ne, %convert_element_type3A_321, %cond3A_322 : i32
      scf.if %cond3A_323 {
        %ge3A = arith.constant 2 : i32
        %ge3A_488 = arith.cmpi sge, %add3A_284, %ge3A : i32
        %convert_element_type3A_489 = arith.extui %ge3A_488 : i1 to i32
        %cond3A_490 = arith.constant 0 : i32
        %cond3A_491 = arith.cmpi ne, %convert_element_type3A_489, %cond3A_490 : i32
        scf.if %cond3A_491 {
          %dma_wait3A_498 = arith.constant 0 : i32
          %dma_wait3A_499 = arith.constant 0 : i32
          %dma_wait3A_500 = tpu.memref_slice %arg9[%dma_wait3A_498, %dma_wait3A_499] : memref<50x128xf32, #tpu.memory_space<vmem>> -> memref<50x64xf32, #tpu.memory_space<vmem>>
          %dma_wait3A_501 = arith.constant 0 : i32
          %dma_wait3A_502 = arith.constant 0 : i32
          %dma_wait3A_503 = tpu.memref_slice %arg5[%mul3A_4, %dma_wait3A_501, %dma_wait3A_502] : memref<4096x200x64xf32, #tpu.memory_space<hbm>> -> memref<1x50x64xf32, #tpu.memory_space<hbm>>
          %dma_wait3A_504 = tpu.memref_squeeze %dma_wait3A_503 : memref<1x50x64xf32, #tpu.memory_space<hbm>> -> memref<50x64xf32, #tpu.memory_space<hbm>>
          %dma_wait3A_505 = arith.constant 0 : i32
          %dma_wait3A_506 = arith.constant 0 : i32
          %dma_wait3A_507 = tpu.memref_slice %arg5[%mul3A_4, %dma_wait3A_505, %dma_wait3A_506] : memref<4096x200x64xf32, #tpu.memory_space<hbm>> -> memref<1x50x64xf32, #tpu.memory_space<hbm>>
          %dma_wait3A_508 = tpu.memref_squeeze %dma_wait3A_507 : memref<1x50x64xf32, #tpu.memory_space<hbm>> -> memref<50x64xf32, #tpu.memory_space<hbm>>
          %dma_wait3A_509 = arith.constant 0 : i32
          %dma_wait3A_510 = arith.constant 0 : i32
          %dma_wait3A_511 = tpu.memref_slice %arg9[%dma_wait3A_509, %dma_wait3A_510] : memref<50x128xf32, #tpu.memory_space<vmem>> -> memref<50x64xf32, #tpu.memory_space<vmem>>
          tpu.wait_dma2 semaphore(%arg25 : memref<!tpu.dma_semaphore, #tpu.memory_space<semaphore_mem>>) src(%dma_wait3A_511 : memref<50x64xf32, #tpu.memory_space<vmem>>) dst(%dma_wait3A_508 : memref<50x64xf32, #tpu.memory_space<hbm>>)
        } else {
        }
        %dma_start3A_492 = arith.constant 0 : i32
        %dma_start3A_493 = tpu.memref_slice %arg6[%add3A_318, %dma_start3A_492] : memref<512x50xi32, #tpu.memory_space<vmem>> -> memref<1x50xi32, #tpu.memory_space<vmem>>
        %dma_start3A_494 = tpu.memref_squeeze %dma_start3A_493 : memref<1x50xi32, #tpu.memory_space<vmem>> -> memref<50xi32, #tpu.memory_space<vmem>>
        %dma_start3A_495 = arith.constant 0 : i32
        %dma_start3A_496 = arith.constant 0 : i32
        %dma_start3A_497 = tpu.memref_slice %arg3[%dma_start3A_495, %dma_start3A_496] : memref<100000x128xf32, #tpu.memory_space<hbm>> -> memref<100000x128xf32, #tpu.memory_space<hbm>>
        tpu.enqueue_indirect_dma source(%dma_start3A_497 : memref<100000x128xf32, #tpu.memory_space<hbm>>) target(%arg9 : memref<50x128xf32, #tpu.memory_space<vmem>>) offsets(%dma_start3A_494 : memref<50xi32, #tpu.memory_space<vmem>>) semaphore(%arg17 : memref<!tpu.dma_semaphore, #tpu.memory_space<semaphore_mem>>)
      } else {
      }
      %add3A_324 = arith.constant 4 : i32
      %add3A_325 = arith.addi %add3A_165, %add3A_324 : i32
      %dma_wait3A_326 = arith.constant 0 : i32
      %dma_wait3A_327 = tpu.memref_slice %arg6[%add3A_325, %dma_wait3A_326] : memref<512x50xi32, #tpu.memory_space<vmem>> -> memref<1x50xi32, #tpu.memory_space<vmem>>
      %dma_wait3A_328 = tpu.memref_squeeze %dma_wait3A_327 : memref<1x50xi32, #tpu.memory_space<vmem>> -> memref<50xi32, #tpu.memory_space<vmem>>
      %dma_wait3A_329 = arith.constant 0 : i32
      %dma_wait3A_330 = arith.constant 0 : i32
      %dma_wait3A_331 = tpu.memref_slice %arg3[%dma_wait3A_329, %dma_wait3A_330] : memref<100000x128xf32, #tpu.memory_space<hbm>> -> memref<100000x128xf32, #tpu.memory_space<hbm>>
      tpu.wait_indirect_dma semaphore(%arg20 : memref<!tpu.dma_semaphore, #tpu.memory_space<semaphore_mem>>) src(%dma_wait3A_331 : memref<100000x128xf32, #tpu.memory_space<hbm>>) dst(%arg12 : memref<50x128xf32, #tpu.memory_space<vmem>>)
      %rem3A_332 = arith.constant 4 : i32
      %rem3A_333 = arith.remsi %add3A_325, %rem3A_332 : i32
      %mul3A_334 = arith.constant 50 : i32
      %mul3A_335 = arith.muli %rem3A_333, %mul3A_334 : i32
      %parallel_loop3A_336 = arith.constant 0 : i32
      %parallel_loop3A_337 = arith.constant 50 : i32
      %parallel_loop3A_338 = arith.constant 1 : i32
      scf.for %parallel_loop3A_488 = %parallel_loop3A_336 to %parallel_loop3A_337 step %parallel_loop3A_338  : i32 {
        %parallel_loop3A_489 = arith.index_cast %parallel_loop3A_488 : i32 to index
        %parallel_loop3A_490 = arith.constant 0 : index
        %parallel_loop3A_491 = tpu.vector_load %arg12[%parallel_loop3A_489, %parallel_loop3A_490] {strides = array<i32>} : memref<50x128xf32, #tpu.memory_space<vmem>>, vector<1x16xf32>,
        %parallel_loop3A_492 = vector.shape_cast %parallel_loop3A_491 : vector<1x16xf32> to vector<16xf32>
        %parallel_loop3A_493 = arith.addi %mul3A_335, %parallel_loop3A_488 : i32
        %parallel_loop3A_494 = arith.index_cast %parallel_loop3A_493 : i32 to index
        %parallel_loop3A_495 = arith.constant 0 : index
        %parallel_loop3A_496 = tpu.vector_load %arg7[%parallel_loop3A_494, %parallel_loop3A_495] {strides = array<i32>} : memref<200x64xf32, #tpu.memory_space<vmem>>, vector<1x16xf32>,
        %parallel_loop3A_497 = vector.shape_cast %parallel_loop3A_496 : vector<1x16xf32> to vector<16xf32>
        %parallel_loop3A_498 = arith.addf %parallel_loop3A_492, %parallel_loop3A_497 : vector<16xf32>
        %parallel_loop3A_499 = arith.index_cast %parallel_loop3A_488 : i32 to index
        %parallel_loop3A_500 = arith.constant 0 : index
        %parallel_loop3A_501 = tpu.vector_load %arg12[%parallel_loop3A_499, %parallel_loop3A_500] {strides = array<i32>} : memref<50x128xf32, #tpu.memory_space<vmem>>, vector<1x16xf32>,
        %parallel_loop3A_502 = vector.shape_cast %parallel_loop3A_501 : vector<1x16xf32> to vector<16xf32>
        %parallel_loop3A_503 = vector.shape_cast %parallel_loop3A_498 : vector<16xf32> to vector<1x16xf32>
        tpu.vector_store %arg12[%parallel_loop3A_499, %parallel_loop3A_500], %parallel_loop3A_503 {strides = array<i32>} : memref<50x128xf32, #tpu.memory_space<vmem>>, vector<1x16xf32>,
        %parallel_loop3A_504 = arith.index_cast %parallel_loop3A_488 : i32 to index
        %parallel_loop3A_505 = arith.constant 16 : index
        %parallel_loop3A_506 = tpu.vector_load %arg12[%parallel_loop3A_504, %parallel_loop3A_505] {strides = array<i32>} : memref<50x128xf32, #tpu.memory_space<vmem>>, vector<1x16xf32>,
        %parallel_loop3A_507 = vector.shape_cast %parallel_loop3A_506 : vector<1x16xf32> to vector<16xf32>
        %parallel_loop3A_508 = arith.addi %mul3A_335, %parallel_loop3A_488 : i32
        %parallel_loop3A_509 = arith.index_cast %parallel_loop3A_508 : i32 to index
        %parallel_loop3A_510 = arith.constant 16 : index
        %parallel_loop3A_511 = tpu.vector_load %arg7[%parallel_loop3A_509, %parallel_loop3A_510] {strides = array<i32>} : memref<200x64xf32, #tpu.memory_space<vmem>>, vector<1x16xf32>,
        %parallel_loop3A_512 = vector.shape_cast %parallel_loop3A_511 : vector<1x16xf32> to vector<16xf32>
        %parallel_loop3A_513 = arith.addf %parallel_loop3A_507, %parallel_loop3A_512 : vector<16xf32>
        %parallel_loop3A_514 = arith.index_cast %parallel_loop3A_488 : i32 to index
        %parallel_loop3A_515 = arith.constant 16 : index
        %parallel_loop3A_516 = tpu.vector_load %arg12[%parallel_loop3A_514, %parallel_loop3A_515] {strides = array<i32>} : memref<50x128xf32, #tpu.memory_space<vmem>>, vector<1x16xf32>,
        %parallel_loop3A_517 = vector.shape_cast %parallel_loop3A_516 : vector<1x16xf32> to vector<16xf32>
        %parallel_loop3A_518 = vector.shape_cast %parallel_loop3A_513 : vector<16xf32> to vector<1x16xf32>
        tpu.vector_store %arg12[%parallel_loop3A_514, %parallel_loop3A_515], %parallel_loop3A_518 {strides = array<i32>} : memref<50x128xf32, #tpu.memory_space<vmem>>, vector<1x16xf32>,
        %parallel_loop3A_519 = arith.index_cast %parallel_loop3A_488 : i32 to index
        %parallel_loop3A_520 = arith.constant 32 : index
        %parallel_loop3A_521 = tpu.vector_load %arg12[%parallel_loop3A_519, %parallel_loop3A_520] {strides = array<i32>} : memref<50x128xf32, #tpu.memory_space<vmem>>, vector<1x16xf32>,
        %parallel_loop3A_522 = vector.shape_cast %parallel_loop3A_521 : vector<1x16xf32> to vector<16xf32>
        %parallel_loop3A_523 = arith.addi %mul3A_335, %parallel_loop3A_488 : i32
        %parallel_loop3A_524 = arith.index_cast %parallel_loop3A_523 : i32 to index
        %parallel_loop3A_525 = arith.constant 32 : index
        %parallel_loop3A_526 = tpu.vector_load %arg7[%parallel_loop3A_524, %parallel_loop3A_525] {strides = array<i32>} : memref<200x64xf32, #tpu.memory_space<vmem>>, vector<1x16xf32>,
        %parallel_loop3A_527 = vector.shape_cast %parallel_loop3A_526 : vector<1x16xf32> to vector<16xf32>
        %parallel_loop3A_528 = arith.addf %parallel_loop3A_522, %parallel_loop3A_527 : vector<16xf32>
        %parallel_loop3A_529 = arith.index_cast %parallel_loop3A_488 : i32 to index
        %parallel_loop3A_530 = arith.constant 32 : index
        %parallel_loop3A_531 = tpu.vector_load %arg12[%parallel_loop3A_529, %parallel_loop3A_530] {strides = array<i32>} : memref<50x128xf32, #tpu.memory_space<vmem>>, vector<1x16xf32>,
        %parallel_loop3A_532 = vector.shape_cast %parallel_loop3A_531 : vector<1x16xf32> to vector<16xf32>
        %parallel_loop3A_533 = vector.shape_cast %parallel_loop3A_528 : vector<16xf32> to vector<1x16xf32>
        tpu.vector_store %arg12[%parallel_loop3A_529, %parallel_loop3A_530], %parallel_loop3A_533 {strides = array<i32>} : memref<50x128xf32, #tpu.memory_space<vmem>>, vector<1x16xf32>,
        %parallel_loop3A_534 = arith.index_cast %parallel_loop3A_488 : i32 to index
        %parallel_loop3A_535 = arith.constant 48 : index
        %parallel_loop3A_536 = tpu.vector_load %arg12[%parallel_loop3A_534, %parallel_loop3A_535] {strides = array<i32>} : memref<50x128xf32, #tpu.memory_space<vmem>>, vector<1x16xf32>,
        %parallel_loop3A_537 = vector.shape_cast %parallel_loop3A_536 : vector<1x16xf32> to vector<16xf32>
        %parallel_loop3A_538 = arith.addi %mul3A_335, %parallel_loop3A_488 : i32
        %parallel_loop3A_539 = arith.index_cast %parallel_loop3A_538 : i32 to index
        %parallel_loop3A_540 = arith.constant 48 : index
        %parallel_loop3A_541 = tpu.vector_load %arg7[%parallel_loop3A_539, %parallel_loop3A_540] {strides = array<i32>} : memref<200x64xf32, #tpu.memory_space<vmem>>, vector<1x16xf32>,
        %parallel_loop3A_542 = vector.shape_cast %parallel_loop3A_541 : vector<1x16xf32> to vector<16xf32>
        %parallel_loop3A_543 = arith.addf %parallel_loop3A_537, %parallel_loop3A_542 : vector<16xf32>
        %parallel_loop3A_544 = arith.index_cast %parallel_loop3A_488 : i32 to index
        %parallel_loop3A_545 = arith.constant 48 : index
        %parallel_loop3A_546 = tpu.vector_load %arg12[%parallel_loop3A_544, %parallel_loop3A_545] {strides = array<i32>} : memref<50x128xf32, #tpu.memory_space<vmem>>, vector<1x16xf32>,
        %parallel_loop3A_547 = vector.shape_cast %parallel_loop3A_546 : vector<1x16xf32> to vector<16xf32>
        %parallel_loop3A_548 = vector.shape_cast %parallel_loop3A_543 : vector<16xf32> to vector<1x16xf32>
        tpu.vector_store %arg12[%parallel_loop3A_544, %parallel_loop3A_545], %parallel_loop3A_548 {strides = array<i32>} : memref<50x128xf32, #tpu.memory_space<vmem>>, vector<1x16xf32>,
      } {sc.loop_unroll_factor = 2 : i64, sc.parallel_access}
      %div3A_339 = arith.constant 4 : i32
      %div3A_340 = arith.divsi %add3A_325, %div3A_339 : i32
      %rem3A_341 = arith.constant 4 : i32
      %rem3A_342 = arith.remsi %add3A_325, %rem3A_341 : i32
      %mul3A_343 = arith.constant 50 : i32
      %mul3A_344 = arith.muli %rem3A_342, %mul3A_343 : i32
      %add3A_345 = arith.addi %mul3A_4, %div3A_340 : i32
      %dma_start3A_346 = arith.constant 0 : i32
      %dma_start3A_347 = arith.constant 0 : i32
      %dma_start3A_348 = tpu.memref_slice %arg12[%dma_start3A_346, %dma_start3A_347] : memref<50x128xf32, #tpu.memory_space<vmem>> -> memref<50x64xf32, #tpu.memory_space<vmem>>
      %dma_start3A_349 = arith.constant 0 : i32
      %dma_start3A_350 = tpu.memref_slice %arg5[%add3A_345, %mul3A_344, %dma_start3A_349] : memref<4096x200x64xf32, #tpu.memory_space<hbm>> -> memref<1x50x64xf32, #tpu.memory_space<hbm>>
      %dma_start3A_351 = tpu.memref_squeeze %dma_start3A_350 : memref<1x50x64xf32, #tpu.memory_space<hbm>> -> memref<50x64xf32, #tpu.memory_space<hbm>>
      %dma_start3A_352 = arith.constant 0 : i32
      %dma_start3A_353 = tpu.memref_slice %arg5[%add3A_345, %mul3A_344, %dma_start3A_352] : memref<4096x200x64xf32, #tpu.memory_space<hbm>> -> memref<1x50x64xf32, #tpu.memory_space<hbm>>
      %dma_start3A_354 = tpu.memref_squeeze %dma_start3A_353 : memref<1x50x64xf32, #tpu.memory_space<hbm>> -> memref<50x64xf32, #tpu.memory_space<hbm>>
      %dma_start3A_355 = arith.constant 0 : i32
      %dma_start3A_356 = arith.constant 0 : i32
      %dma_start3A_357 = tpu.memref_slice %arg12[%dma_start3A_355, %dma_start3A_356] : memref<50x128xf32, #tpu.memory_space<vmem>> -> memref<50x64xf32, #tpu.memory_space<vmem>>
      tpu.enqueue_dma source(%dma_start3A_357 : memref<50x64xf32, #tpu.memory_space<vmem>>) target(%dma_start3A_354 : memref<50x64xf32, #tpu.memory_space<hbm>>) target_semaphore(%arg28 : memref<!tpu.dma_semaphore, #tpu.memory_space<semaphore_mem>>)
      %add3A_358 = arith.constant 6 : i32
      %add3A_359 = arith.addi %add3A_325, %add3A_358 : i32
      %lt3A_360 = arith.constant 512 : i32
      %lt3A_361 = arith.cmpi slt, %add3A_359, %lt3A_360 : i32
      %convert_element_type3A_362 = arith.extui %lt3A_361 : i1 to i32
      %cond3A_363 = arith.constant 0 : i32
      %cond3A_364 = arith.cmpi ne, %convert_element_type3A_362, %cond3A_363 : i32
      scf.if %cond3A_364 {
        %ge3A = arith.constant 2 : i32
        %ge3A_488 = arith.cmpi sge, %add3A_325, %ge3A : i32
        %convert_element_type3A_489 = arith.extui %ge3A_488 : i1 to i32
        %cond3A_490 = arith.constant 0 : i32
        %cond3A_491 = arith.cmpi ne, %convert_element_type3A_489, %cond3A_490 : i32
        scf.if %cond3A_491 {
          %dma_wait3A_498 = arith.constant 0 : i32
          %dma_wait3A_499 = arith.constant 0 : i32
          %dma_wait3A_500 = tpu.memref_slice %arg10[%dma_wait3A_498, %dma_wait3A_499] : memref<50x128xf32, #tpu.memory_space<vmem>> -> memref<50x64xf32, #tpu.memory_space<vmem>>
          %dma_wait3A_501 = arith.constant 0 : i32
          %dma_wait3A_502 = arith.constant 0 : i32
          %dma_wait3A_503 = tpu.memref_slice %arg5[%mul3A_4, %dma_wait3A_501, %dma_wait3A_502] : memref<4096x200x64xf32, #tpu.memory_space<hbm>> -> memref<1x50x64xf32, #tpu.memory_space<hbm>>
          %dma_wait3A_504 = tpu.memref_squeeze %dma_wait3A_503 : memref<1x50x64xf32, #tpu.memory_space<hbm>> -> memref<50x64xf32, #tpu.memory_space<hbm>>
          %dma_wait3A_505 = arith.constant 0 : i32
          %dma_wait3A_506 = arith.constant 0 : i32
          %dma_wait3A_507 = tpu.memref_slice %arg5[%mul3A_4, %dma_wait3A_505, %dma_wait3A_506] : memref<4096x200x64xf32, #tpu.memory_space<hbm>> -> memref<1x50x64xf32, #tpu.memory_space<hbm>>
          %dma_wait3A_508 = tpu.memref_squeeze %dma_wait3A_507 : memref<1x50x64xf32, #tpu.memory_space<hbm>> -> memref<50x64xf32, #tpu.memory_space<hbm>>
          %dma_wait3A_509 = arith.constant 0 : i32
          %dma_wait3A_510 = arith.constant 0 : i32
          %dma_wait3A_511 = tpu.memref_slice %arg10[%dma_wait3A_509, %dma_wait3A_510] : memref<50x128xf32, #tpu.memory_space<vmem>> -> memref<50x64xf32, #tpu.memory_space<vmem>>
          tpu.wait_dma2 semaphore(%arg26 : memref<!tpu.dma_semaphore, #tpu.memory_space<semaphore_mem>>) src(%dma_wait3A_511 : memref<50x64xf32, #tpu.memory_space<vmem>>) dst(%dma_wait3A_508 : memref<50x64xf32, #tpu.memory_space<hbm>>)
        } else {
        }
        %dma_start3A_492 = arith.constant 0 : i32
        %dma_start3A_493 = tpu.memref_slice %arg6[%add3A_359, %dma_start3A_492] : memref<512x50xi32, #tpu.memory_space<vmem>> -> memref<1x50xi32, #tpu.memory_space<vmem>>
        %dma_start3A_494 = tpu.memref_squeeze %dma_start3A_493 : memref<1x50xi32, #tpu.memory_space<vmem>> -> memref<50xi32, #tpu.memory_space<vmem>>
        %dma_start3A_495 = arith.constant 0 : i32
        %dma_start3A_496 = arith.constant 0 : i32
        %dma_start3A_497 = tpu.memref_slice %arg3[%dma_start3A_495, %dma_start3A_496] : memref<100000x128xf32, #tpu.memory_space<hbm>> -> memref<100000x128xf32, #tpu.memory_space<hbm>>
        tpu.enqueue_indirect_dma source(%dma_start3A_497 : memref<100000x128xf32, #tpu.memory_space<hbm>>) target(%arg10 : memref<50x128xf32, #tpu.memory_space<vmem>>) offsets(%dma_start3A_494 : memref<50xi32, #tpu.memory_space<vmem>>) semaphore(%arg18 : memref<!tpu.dma_semaphore, #tpu.memory_space<semaphore_mem>>)
      } else {
      }
      %add3A_365 = arith.constant 5 : i32
      %add3A_366 = arith.addi %add3A_165, %add3A_365 : i32
      %dma_wait3A_367 = arith.constant 0 : i32
      %dma_wait3A_368 = tpu.memref_slice %arg6[%add3A_366, %dma_wait3A_367] : memref<512x50xi32, #tpu.memory_space<vmem>> -> memref<1x50xi32, #tpu.memory_space<vmem>>
      %dma_wait3A_369 = tpu.memref_squeeze %dma_wait3A_368 : memref<1x50xi32, #tpu.memory_space<vmem>> -> memref<50xi32, #tpu.memory_space<vmem>>
      %dma_wait3A_370 = arith.constant 0 : i32
      %dma_wait3A_371 = arith.constant 0 : i32
      %dma_wait3A_372 = tpu.memref_slice %arg3[%dma_wait3A_370, %dma_wait3A_371] : memref<100000x128xf32, #tpu.memory_space<hbm>> -> memref<100000x128xf32, #tpu.memory_space<hbm>>
      tpu.wait_indirect_dma semaphore(%arg21 : memref<!tpu.dma_semaphore, #tpu.memory_space<semaphore_mem>>) src(%dma_wait3A_372 : memref<100000x128xf32, #tpu.memory_space<hbm>>) dst(%arg13 : memref<50x128xf32, #tpu.memory_space<vmem>>)
      %rem3A_373 = arith.constant 4 : i32
      %rem3A_374 = arith.remsi %add3A_366, %rem3A_373 : i32
      %mul3A_375 = arith.constant 50 : i32
      %mul3A_376 = arith.muli %rem3A_374, %mul3A_375 : i32
      %parallel_loop3A_377 = arith.constant 0 : i32
      %parallel_loop3A_378 = arith.constant 50 : i32
      %parallel_loop3A_379 = arith.constant 1 : i32
      scf.for %parallel_loop3A_488 = %parallel_loop3A_377 to %parallel_loop3A_378 step %parallel_loop3A_379  : i32 {
        %parallel_loop3A_489 = arith.index_cast %parallel_loop3A_488 : i32 to index
        %parallel_loop3A_490 = arith.constant 0 : index
        %parallel_loop3A_491 = tpu.vector_load %arg13[%parallel_loop3A_489, %parallel_loop3A_490] {strides = array<i32>} : memref<50x128xf32, #tpu.memory_space<vmem>>, vector<1x16xf32>,
        %parallel_loop3A_492 = vector.shape_cast %parallel_loop3A_491 : vector<1x16xf32> to vector<16xf32>
        %parallel_loop3A_493 = arith.addi %mul3A_376, %parallel_loop3A_488 : i32
        %parallel_loop3A_494 = arith.index_cast %parallel_loop3A_493 : i32 to index
        %parallel_loop3A_495 = arith.constant 0 : index
        %parallel_loop3A_496 = tpu.vector_load %arg7[%parallel_loop3A_494, %parallel_loop3A_495] {strides = array<i32>} : memref<200x64xf32, #tpu.memory_space<vmem>>, vector<1x16xf32>,
        %parallel_loop3A_497 = vector.shape_cast %parallel_loop3A_496 : vector<1x16xf32> to vector<16xf32>
        %parallel_loop3A_498 = arith.addf %parallel_loop3A_492, %parallel_loop3A_497 : vector<16xf32>
        %parallel_loop3A_499 = arith.index_cast %parallel_loop3A_488 : i32 to index
        %parallel_loop3A_500 = arith.constant 0 : index
        %parallel_loop3A_501 = tpu.vector_load %arg13[%parallel_loop3A_499, %parallel_loop3A_500] {strides = array<i32>} : memref<50x128xf32, #tpu.memory_space<vmem>>, vector<1x16xf32>,
        %parallel_loop3A_502 = vector.shape_cast %parallel_loop3A_501 : vector<1x16xf32> to vector<16xf32>
        %parallel_loop3A_503 = vector.shape_cast %parallel_loop3A_498 : vector<16xf32> to vector<1x16xf32>
        tpu.vector_store %arg13[%parallel_loop3A_499, %parallel_loop3A_500], %parallel_loop3A_503 {strides = array<i32>} : memref<50x128xf32, #tpu.memory_space<vmem>>, vector<1x16xf32>,
        %parallel_loop3A_504 = arith.index_cast %parallel_loop3A_488 : i32 to index
        %parallel_loop3A_505 = arith.constant 16 : index
        %parallel_loop3A_506 = tpu.vector_load %arg13[%parallel_loop3A_504, %parallel_loop3A_505] {strides = array<i32>} : memref<50x128xf32, #tpu.memory_space<vmem>>, vector<1x16xf32>,
        %parallel_loop3A_507 = vector.shape_cast %parallel_loop3A_506 : vector<1x16xf32> to vector<16xf32>
        %parallel_loop3A_508 = arith.addi %mul3A_376, %parallel_loop3A_488 : i32
        %parallel_loop3A_509 = arith.index_cast %parallel_loop3A_508 : i32 to index
        %parallel_loop3A_510 = arith.constant 16 : index
        %parallel_loop3A_511 = tpu.vector_load %arg7[%parallel_loop3A_509, %parallel_loop3A_510] {strides = array<i32>} : memref<200x64xf32, #tpu.memory_space<vmem>>, vector<1x16xf32>,
        %parallel_loop3A_512 = vector.shape_cast %parallel_loop3A_511 : vector<1x16xf32> to vector<16xf32>
        %parallel_loop3A_513 = arith.addf %parallel_loop3A_507, %parallel_loop3A_512 : vector<16xf32>
        %parallel_loop3A_514 = arith.index_cast %parallel_loop3A_488 : i32 to index
        %parallel_loop3A_515 = arith.constant 16 : index
        %parallel_loop3A_516 = tpu.vector_load %arg13[%parallel_loop3A_514, %parallel_loop3A_515] {strides = array<i32>} : memref<50x128xf32, #tpu.memory_space<vmem>>, vector<1x16xf32>,
        %parallel_loop3A_517 = vector.shape_cast %parallel_loop3A_516 : vector<1x16xf32> to vector<16xf32>
        %parallel_loop3A_518 = vector.shape_cast %parallel_loop3A_513 : vector<16xf32> to vector<1x16xf32>
        tpu.vector_store %arg13[%parallel_loop3A_514, %parallel_loop3A_515], %parallel_loop3A_518 {strides = array<i32>} : memref<50x128xf32, #tpu.memory_space<vmem>>, vector<1x16xf32>,
        %parallel_loop3A_519 = arith.index_cast %parallel_loop3A_488 : i32 to index
        %parallel_loop3A_520 = arith.constant 32 : index
        %parallel_loop3A_521 = tpu.vector_load %arg13[%parallel_loop3A_519, %parallel_loop3A_520] {strides = array<i32>} : memref<50x128xf32, #tpu.memory_space<vmem>>, vector<1x16xf32>,
        %parallel_loop3A_522 = vector.shape_cast %parallel_loop3A_521 : vector<1x16xf32> to vector<16xf32>
        %parallel_loop3A_523 = arith.addi %mul3A_376, %parallel_loop3A_488 : i32
        %parallel_loop3A_524 = arith.index_cast %parallel_loop3A_523 : i32 to index
        %parallel_loop3A_525 = arith.constant 32 : index
        %parallel_loop3A_526 = tpu.vector_load %arg7[%parallel_loop3A_524, %parallel_loop3A_525] {strides = array<i32>} : memref<200x64xf32, #tpu.memory_space<vmem>>, vector<1x16xf32>,
        %parallel_loop3A_527 = vector.shape_cast %parallel_loop3A_526 : vector<1x16xf32> to vector<16xf32>
        %parallel_loop3A_528 = arith.addf %parallel_loop3A_522, %parallel_loop3A_527 : vector<16xf32>
        %parallel_loop3A_529 = arith.index_cast %parallel_loop3A_488 : i32 to index
        %parallel_loop3A_530 = arith.constant 32 : index
        %parallel_loop3A_531 = tpu.vector_load %arg13[%parallel_loop3A_529, %parallel_loop3A_530] {strides = array<i32>} : memref<50x128xf32, #tpu.memory_space<vmem>>, vector<1x16xf32>,
        %parallel_loop3A_532 = vector.shape_cast %parallel_loop3A_531 : vector<1x16xf32> to vector<16xf32>
        %parallel_loop3A_533 = vector.shape_cast %parallel_loop3A_528 : vector<16xf32> to vector<1x16xf32>
        tpu.vector_store %arg13[%parallel_loop3A_529, %parallel_loop3A_530], %parallel_loop3A_533 {strides = array<i32>} : memref<50x128xf32, #tpu.memory_space<vmem>>, vector<1x16xf32>,
        %parallel_loop3A_534 = arith.index_cast %parallel_loop3A_488 : i32 to index
        %parallel_loop3A_535 = arith.constant 48 : index
        %parallel_loop3A_536 = tpu.vector_load %arg13[%parallel_loop3A_534, %parallel_loop3A_535] {strides = array<i32>} : memref<50x128xf32, #tpu.memory_space<vmem>>, vector<1x16xf32>,
        %parallel_loop3A_537 = vector.shape_cast %parallel_loop3A_536 : vector<1x16xf32> to vector<16xf32>
        %parallel_loop3A_538 = arith.addi %mul3A_376, %parallel_loop3A_488 : i32
        %parallel_loop3A_539 = arith.index_cast %parallel_loop3A_538 : i32 to index
        %parallel_loop3A_540 = arith.constant 48 : index
        %parallel_loop3A_541 = tpu.vector_load %arg7[%parallel_loop3A_539, %parallel_loop3A_540] {strides = array<i32>} : memref<200x64xf32, #tpu.memory_space<vmem>>, vector<1x16xf32>,
        %parallel_loop3A_542 = vector.shape_cast %parallel_loop3A_541 : vector<1x16xf32> to vector<16xf32>
        %parallel_loop3A_543 = arith.addf %parallel_loop3A_537, %parallel_loop3A_542 : vector<16xf32>
        %parallel_loop3A_544 = arith.index_cast %parallel_loop3A_488 : i32 to index
        %parallel_loop3A_545 = arith.constant 48 : index
        %parallel_loop3A_546 = tpu.vector_load %arg13[%parallel_loop3A_544, %parallel_loop3A_545] {strides = array<i32>} : memref<50x128xf32, #tpu.memory_space<vmem>>, vector<1x16xf32>,
        %parallel_loop3A_547 = vector.shape_cast %parallel_loop3A_546 : vector<1x16xf32> to vector<16xf32>
        %parallel_loop3A_548 = vector.shape_cast %parallel_loop3A_543 : vector<16xf32> to vector<1x16xf32>
        tpu.vector_store %arg13[%parallel_loop3A_544, %parallel_loop3A_545], %parallel_loop3A_548 {strides = array<i32>} : memref<50x128xf32, #tpu.memory_space<vmem>>, vector<1x16xf32>,
      } {sc.loop_unroll_factor = 2 : i64, sc.parallel_access}
      %div3A_380 = arith.constant 4 : i32
      %div3A_381 = arith.divsi %add3A_366, %div3A_380 : i32
      %rem3A_382 = arith.constant 4 : i32
      %rem3A_383 = arith.remsi %add3A_366, %rem3A_382 : i32
      %mul3A_384 = arith.constant 50 : i32
      %mul3A_385 = arith.muli %rem3A_383, %mul3A_384 : i32
      %add3A_386 = arith.addi %mul3A_4, %div3A_381 : i32
      %dma_start3A_387 = arith.constant 0 : i32
      %dma_start3A_388 = arith.constant 0 : i32
      %dma_start3A_389 = tpu.memref_slice %arg13[%dma_start3A_387, %dma_start3A_388] : memref<50x128xf32, #tpu.memory_space<vmem>> -> memref<50x64xf32, #tpu.memory_space<vmem>>
      %dma_start3A_390 = arith.constant 0 : i32
      %dma_start3A_391 = tpu.memref_slice %arg5[%add3A_386, %mul3A_385, %dma_start3A_390] : memref<4096x200x64xf32, #tpu.memory_space<hbm>> -> memref<1x50x64xf32, #tpu.memory_space<hbm>>
      %dma_start3A_392 = tpu.memref_squeeze %dma_start3A_391 : memref<1x50x64xf32, #tpu.memory_space<hbm>> -> memref<50x64xf32, #tpu.memory_space<hbm>>
      %dma_start3A_393 = arith.constant 0 : i32
      %dma_start3A_394 = tpu.memref_slice %arg5[%add3A_386, %mul3A_385, %dma_start3A_393] : memref<4096x200x64xf32, #tpu.memory_space<hbm>> -> memref<1x50x64xf32, #tpu.memory_space<hbm>>
      %dma_start3A_395 = tpu.memref_squeeze %dma_start3A_394 : memref<1x50x64xf32, #tpu.memory_space<hbm>> -> memref<50x64xf32, #tpu.memory_space<hbm>>
      %dma_start3A_396 = arith.constant 0 : i32
      %dma_start3A_397 = arith.constant 0 : i32
      %dma_start3A_398 = tpu.memref_slice %arg13[%dma_start3A_396, %dma_start3A_397] : memref<50x128xf32, #tpu.memory_space<vmem>> -> memref<50x64xf32, #tpu.memory_space<vmem>>
      tpu.enqueue_dma source(%dma_start3A_398 : memref<50x64xf32, #tpu.memory_space<vmem>>) target(%dma_start3A_395 : memref<50x64xf32, #tpu.memory_space<hbm>>) target_semaphore(%arg29 : memref<!tpu.dma_semaphore, #tpu.memory_space<semaphore_mem>>)
      %add3A_399 = arith.constant 6 : i32
      %add3A_400 = arith.addi %add3A_366, %add3A_399 : i32
      %lt3A_401 = arith.constant 512 : i32
      %lt3A_402 = arith.cmpi slt, %add3A_400, %lt3A_401 : i32
      %convert_element_type3A_403 = arith.extui %lt3A_402 : i1 to i32
      %cond3A_404 = arith.constant 0 : i32
      %cond3A_405 = arith.cmpi ne, %convert_element_type3A_403, %cond3A_404 : i32
      scf.if %cond3A_405 {
        %ge3A = arith.constant 2 : i32
        %ge3A_488 = arith.cmpi sge, %add3A_366, %ge3A : i32
        %convert_element_type3A_489 = arith.extui %ge3A_488 : i1 to i32
        %cond3A_490 = arith.constant 0 : i32
        %cond3A_491 = arith.cmpi ne, %convert_element_type3A_489, %cond3A_490 : i32
        scf.if %cond3A_491 {
          %dma_wait3A_498 = arith.constant 0 : i32
          %dma_wait3A_499 = arith.constant 0 : i32
          %dma_wait3A_500 = tpu.memref_slice %arg11[%dma_wait3A_498, %dma_wait3A_499] : memref<50x128xf32, #tpu.memory_space<vmem>> -> memref<50x64xf32, #tpu.memory_space<vmem>>
          %dma_wait3A_501 = arith.constant 0 : i32
          %dma_wait3A_502 = arith.constant 0 : i32
          %dma_wait3A_503 = tpu.memref_slice %arg5[%mul3A_4, %dma_wait3A_501, %dma_wait3A_502] : memref<4096x200x64xf32, #tpu.memory_space<hbm>> -> memref<1x50x64xf32, #tpu.memory_space<hbm>>
          %dma_wait3A_504 = tpu.memref_squeeze %dma_wait3A_503 : memref<1x50x64xf32, #tpu.memory_space<hbm>> -> memref<50x64xf32, #tpu.memory_space<hbm>>
          %dma_wait3A_505 = arith.constant 0 : i32
          %dma_wait3A_506 = arith.constant 0 : i32
          %dma_wait3A_507 = tpu.memref_slice %arg5[%mul3A_4, %dma_wait3A_505, %dma_wait3A_506] : memref<4096x200x64xf32, #tpu.memory_space<hbm>> -> memref<1x50x64xf32, #tpu.memory_space<hbm>>
          %dma_wait3A_508 = tpu.memref_squeeze %dma_wait3A_507 : memref<1x50x64xf32, #tpu.memory_space<hbm>> -> memref<50x64xf32, #tpu.memory_space<hbm>>
          %dma_wait3A_509 = arith.constant 0 : i32
          %dma_wait3A_510 = arith.constant 0 : i32
          %dma_wait3A_511 = tpu.memref_slice %arg11[%dma_wait3A_509, %dma_wait3A_510] : memref<50x128xf32, #tpu.memory_space<vmem>> -> memref<50x64xf32, #tpu.memory_space<vmem>>
          tpu.wait_dma2 semaphore(%arg27 : memref<!tpu.dma_semaphore, #tpu.memory_space<semaphore_mem>>) src(%dma_wait3A_511 : memref<50x64xf32, #tpu.memory_space<vmem>>) dst(%dma_wait3A_508 : memref<50x64xf32, #tpu.memory_space<hbm>>)
        } else {
        }
        %dma_start3A_492 = arith.constant 0 : i32
        %dma_start3A_493 = tpu.memref_slice %arg6[%add3A_400, %dma_start3A_492] : memref<512x50xi32, #tpu.memory_space<vmem>> -> memref<1x50xi32, #tpu.memory_space<vmem>>
        %dma_start3A_494 = tpu.memref_squeeze %dma_start3A_493 : memref<1x50xi32, #tpu.memory_space<vmem>> -> memref<50xi32, #tpu.memory_space<vmem>>
        %dma_start3A_495 = arith.constant 0 : i32
        %dma_start3A_496 = arith.constant 0 : i32
        %dma_start3A_497 = tpu.memref_slice %arg3[%dma_start3A_495, %dma_start3A_496] : memref<100000x128xf32, #tpu.memory_space<hbm>> -> memref<100000x128xf32, #tpu.memory_space<hbm>>
        tpu.enqueue_indirect_dma source(%dma_start3A_497 : memref<100000x128xf32, #tpu.memory_space<hbm>>) target(%arg11 : memref<50x128xf32, #tpu.memory_space<vmem>>) offsets(%dma_start3A_494 : memref<50xi32, #tpu.memory_space<vmem>>) semaphore(%arg19 : memref<!tpu.dma_semaphore, #tpu.memory_space<semaphore_mem>>)
      } else {
      }
      %add3A_406 = arith.constant 6 : i32
      %add3A_407 = arith.addi %add3A_165, %add3A_406 : i32
      %dma_wait3A_408 = arith.constant 0 : i32
      %dma_wait3A_409 = tpu.memref_slice %arg6[%add3A_407, %dma_wait3A_408] : memref<512x50xi32, #tpu.memory_space<vmem>> -> memref<1x50xi32, #tpu.memory_space<vmem>>
      %dma_wait3A_410 = tpu.memref_squeeze %dma_wait3A_409 : memref<1x50xi32, #tpu.memory_space<vmem>> -> memref<50xi32, #tpu.memory_space<vmem>>
      %dma_wait3A_411 = arith.constant 0 : i32
      %dma_wait3A_412 = arith.constant 0 : i32
      %dma_wait3A_413 = tpu.memref_slice %arg3[%dma_wait3A_411, %dma_wait3A_412] : memref<100000x128xf32, #tpu.memory_space<hbm>> -> memref<100000x128xf32, #tpu.memory_space<hbm>>
      tpu.wait_indirect_dma semaphore(%arg22 : memref<!tpu.dma_semaphore, #tpu.memory_space<semaphore_mem>>) src(%dma_wait3A_413 : memref<100000x128xf32, #tpu.memory_space<hbm>>) dst(%arg14 : memref<50x128xf32, #tpu.memory_space<vmem>>)
      %rem3A_414 = arith.constant 4 : i32
      %rem3A_415 = arith.remsi %add3A_407, %rem3A_414 : i32
      %mul3A_416 = arith.constant 50 : i32
      %mul3A_417 = arith.muli %rem3A_415, %mul3A_416 : i32
      %parallel_loop3A_418 = arith.constant 0 : i32
      %parallel_loop3A_419 = arith.constant 50 : i32
      %parallel_loop3A_420 = arith.constant 1 : i32
      scf.for %parallel_loop3A_488 = %parallel_loop3A_418 to %parallel_loop3A_419 step %parallel_loop3A_420  : i32 {
        %parallel_loop3A_489 = arith.index_cast %parallel_loop3A_488 : i32 to index
        %parallel_loop3A_490 = arith.constant 0 : index
        %parallel_loop3A_491 = tpu.vector_load %arg14[%parallel_loop3A_489, %parallel_loop3A_490] {strides = array<i32>} : memref<50x128xf32, #tpu.memory_space<vmem>>, vector<1x16xf32>,
        %parallel_loop3A_492 = vector.shape_cast %parallel_loop3A_491 : vector<1x16xf32> to vector<16xf32>
        %parallel_loop3A_493 = arith.addi %mul3A_417, %parallel_loop3A_488 : i32
        %parallel_loop3A_494 = arith.index_cast %parallel_loop3A_493 : i32 to index
        %parallel_loop3A_495 = arith.constant 0 : index
        %parallel_loop3A_496 = tpu.vector_load %arg7[%parallel_loop3A_494, %parallel_loop3A_495] {strides = array<i32>} : memref<200x64xf32, #tpu.memory_space<vmem>>, vector<1x16xf32>,
        %parallel_loop3A_497 = vector.shape_cast %parallel_loop3A_496 : vector<1x16xf32> to vector<16xf32>
        %parallel_loop3A_498 = arith.addf %parallel_loop3A_492, %parallel_loop3A_497 : vector<16xf32>
        %parallel_loop3A_499 = arith.index_cast %parallel_loop3A_488 : i32 to index
        %parallel_loop3A_500 = arith.constant 0 : index
        %parallel_loop3A_501 = tpu.vector_load %arg14[%parallel_loop3A_499, %parallel_loop3A_500] {strides = array<i32>} : memref<50x128xf32, #tpu.memory_space<vmem>>, vector<1x16xf32>,
        %parallel_loop3A_502 = vector.shape_cast %parallel_loop3A_501 : vector<1x16xf32> to vector<16xf32>
        %parallel_loop3A_503 = vector.shape_cast %parallel_loop3A_498 : vector<16xf32> to vector<1x16xf32>
        tpu.vector_store %arg14[%parallel_loop3A_499, %parallel_loop3A_500], %parallel_loop3A_503 {strides = array<i32>} : memref<50x128xf32, #tpu.memory_space<vmem>>, vector<1x16xf32>,
        %parallel_loop3A_504 = arith.index_cast %parallel_loop3A_488 : i32 to index
        %parallel_loop3A_505 = arith.constant 16 : index
        %parallel_loop3A_506 = tpu.vector_load %arg14[%parallel_loop3A_504, %parallel_loop3A_505] {strides = array<i32>} : memref<50x128xf32, #tpu.memory_space<vmem>>, vector<1x16xf32>,
        %parallel_loop3A_507 = vector.shape_cast %parallel_loop3A_506 : vector<1x16xf32> to vector<16xf32>
        %parallel_loop3A_508 = arith.addi %mul3A_417, %parallel_loop3A_488 : i32
        %parallel_loop3A_509 = arith.index_cast %parallel_loop3A_508 : i32 to index
        %parallel_loop3A_510 = arith.constant 16 : index
        %parallel_loop3A_511 = tpu.vector_load %arg7[%parallel_loop3A_509, %parallel_loop3A_510] {strides = array<i32>} : memref<200x64xf32, #tpu.memory_space<vmem>>, vector<1x16xf32>,
        %parallel_loop3A_512 = vector.shape_cast %parallel_loop3A_511 : vector<1x16xf32> to vector<16xf32>
        %parallel_loop3A_513 = arith.addf %parallel_loop3A_507, %parallel_loop3A_512 : vector<16xf32>
        %parallel_loop3A_514 = arith.index_cast %parallel_loop3A_488 : i32 to index
        %parallel_loop3A_515 = arith.constant 16 : index
        %parallel_loop3A_516 = tpu.vector_load %arg14[%parallel_loop3A_514, %parallel_loop3A_515] {strides = array<i32>} : memref<50x128xf32, #tpu.memory_space<vmem>>, vector<1x16xf32>,
        %parallel_loop3A_517 = vector.shape_cast %parallel_loop3A_516 : vector<1x16xf32> to vector<16xf32>
        %parallel_loop3A_518 = vector.shape_cast %parallel_loop3A_513 : vector<16xf32> to vector<1x16xf32>
        tpu.vector_store %arg14[%parallel_loop3A_514, %parallel_loop3A_515], %parallel_loop3A_518 {strides = array<i32>} : memref<50x128xf32, #tpu.memory_space<vmem>>, vector<1x16xf32>,
        %parallel_loop3A_519 = arith.index_cast %parallel_loop3A_488 : i32 to index
        %parallel_loop3A_520 = arith.constant 32 : index
        %parallel_loop3A_521 = tpu.vector_load %arg14[%parallel_loop3A_519, %parallel_loop3A_520] {strides = array<i32>} : memref<50x128xf32, #tpu.memory_space<vmem>>, vector<1x16xf32>,
        %parallel_loop3A_522 = vector.shape_cast %parallel_loop3A_521 : vector<1x16xf32> to vector<16xf32>
        %parallel_loop3A_523 = arith.addi %mul3A_417, %parallel_loop3A_488 : i32
        %parallel_loop3A_524 = arith.index_cast %parallel_loop3A_523 : i32 to index
        %parallel_loop3A_525 = arith.constant 32 : index
        %parallel_loop3A_526 = tpu.vector_load %arg7[%parallel_loop3A_524, %parallel_loop3A_525] {strides = array<i32>} : memref<200x64xf32, #tpu.memory_space<vmem>>, vector<1x16xf32>,
        %parallel_loop3A_527 = vector.shape_cast %parallel_loop3A_526 : vector<1x16xf32> to vector<16xf32>
        %parallel_loop3A_528 = arith.addf %parallel_loop3A_522, %parallel_loop3A_527 : vector<16xf32>
        %parallel_loop3A_529 = arith.index_cast %parallel_loop3A_488 : i32 to index
        %parallel_loop3A_530 = arith.constant 32 : index
        %parallel_loop3A_531 = tpu.vector_load %arg14[%parallel_loop3A_529, %parallel_loop3A_530] {strides = array<i32>} : memref<50x128xf32, #tpu.memory_space<vmem>>, vector<1x16xf32>,
        %parallel_loop3A_532 = vector.shape_cast %parallel_loop3A_531 : vector<1x16xf32> to vector<16xf32>
        %parallel_loop3A_533 = vector.shape_cast %parallel_loop3A_528 : vector<16xf32> to vector<1x16xf32>
        tpu.vector_store %arg14[%parallel_loop3A_529, %parallel_loop3A_530], %parallel_loop3A_533 {strides = array<i32>} : memref<50x128xf32, #tpu.memory_space<vmem>>, vector<1x16xf32>,
        %parallel_loop3A_534 = arith.index_cast %parallel_loop3A_488 : i32 to index
        %parallel_loop3A_535 = arith.constant 48 : index
        %parallel_loop3A_536 = tpu.vector_load %arg14[%parallel_loop3A_534, %parallel_loop3A_535] {strides = array<i32>} : memref<50x128xf32, #tpu.memory_space<vmem>>, vector<1x16xf32>,
        %parallel_loop3A_537 = vector.shape_cast %parallel_loop3A_536 : vector<1x16xf32> to vector<16xf32>
        %parallel_loop3A_538 = arith.addi %mul3A_417, %parallel_loop3A_488 : i32
        %parallel_loop3A_539 = arith.index_cast %parallel_loop3A_538 : i32 to index
        %parallel_loop3A_540 = arith.constant 48 : index
        %parallel_loop3A_541 = tpu.vector_load %arg7[%parallel_loop3A_539, %parallel_loop3A_540] {strides = array<i32>} : memref<200x64xf32, #tpu.memory_space<vmem>>, vector<1x16xf32>,
        %parallel_loop3A_542 = vector.shape_cast %parallel_loop3A_541 : vector<1x16xf32> to vector<16xf32>
        %parallel_loop3A_543 = arith.addf %parallel_loop3A_537, %parallel_loop3A_542 : vector<16xf32>
        %parallel_loop3A_544 = arith.index_cast %parallel_loop3A_488 : i32 to index
        %parallel_loop3A_545 = arith.constant 48 : index
        %parallel_loop3A_546 = tpu.vector_load %arg14[%parallel_loop3A_544, %parallel_loop3A_545] {strides = array<i32>} : memref<50x128xf32, #tpu.memory_space<vmem>>, vector<1x16xf32>,
        %parallel_loop3A_547 = vector.shape_cast %parallel_loop3A_546 : vector<1x16xf32> to vector<16xf32>
        %parallel_loop3A_548 = vector.shape_cast %parallel_loop3A_543 : vector<16xf32> to vector<1x16xf32>
        tpu.vector_store %arg14[%parallel_loop3A_544, %parallel_loop3A_545], %parallel_loop3A_548 {strides = array<i32>} : memref<50x128xf32, #tpu.memory_space<vmem>>, vector<1x16xf32>,
      } {sc.loop_unroll_factor = 2 : i64, sc.parallel_access}
      %div3A_421 = arith.constant 4 : i32
      %div3A_422 = arith.divsi %add3A_407, %div3A_421 : i32
      %rem3A_423 = arith.constant 4 : i32
      %rem3A_424 = arith.remsi %add3A_407, %rem3A_423 : i32
      %mul3A_425 = arith.constant 50 : i32
      %mul3A_426 = arith.muli %rem3A_424, %mul3A_425 : i32
      %add3A_427 = arith.addi %mul3A_4, %div3A_422 : i32
      %dma_start3A_428 = arith.constant 0 : i32
      %dma_start3A_429 = arith.constant 0 : i32
      %dma_start3A_430 = tpu.memref_slice %arg14[%dma_start3A_428, %dma_start3A_429] : memref<50x128xf32, #tpu.memory_space<vmem>> -> memref<50x64xf32, #tpu.memory_space<vmem>>
      %dma_start3A_431 = arith.constant 0 : i32
      %dma_start3A_432 = tpu.memref_slice %arg5[%add3A_427, %mul3A_426, %dma_start3A_431] : memref<4096x200x64xf32, #tpu.memory_space<hbm>> -> memref<1x50x64xf32, #tpu.memory_space<hbm>>
      %dma_start3A_433 = tpu.memref_squeeze %dma_start3A_432 : memref<1x50x64xf32, #tpu.memory_space<hbm>> -> memref<50x64xf32, #tpu.memory_space<hbm>>
      %dma_start3A_434 = arith.constant 0 : i32
      %dma_start3A_435 = tpu.memref_slice %arg5[%add3A_427, %mul3A_426, %dma_start3A_434] : memref<4096x200x64xf32, #tpu.memory_space<hbm>> -> memref<1x50x64xf32, #tpu.memory_space<hbm>>
      %dma_start3A_436 = tpu.memref_squeeze %dma_start3A_435 : memref<1x50x64xf32, #tpu.memory_space<hbm>> -> memref<50x64xf32, #tpu.memory_space<hbm>>
      %dma_start3A_437 = arith.constant 0 : i32
      %dma_start3A_438 = arith.constant 0 : i32
      %dma_start3A_439 = tpu.memref_slice %arg14[%dma_start3A_437, %dma_start3A_438] : memref<50x128xf32, #tpu.memory_space<vmem>> -> memref<50x64xf32, #tpu.memory_space<vmem>>
      tpu.enqueue_dma source(%dma_start3A_439 : memref<50x64xf32, #tpu.memory_space<vmem>>) target(%dma_start3A_436 : memref<50x64xf32, #tpu.memory_space<hbm>>) target_semaphore(%arg30 : memref<!tpu.dma_semaphore, #tpu.memory_space<semaphore_mem>>)
      %add3A_440 = arith.constant 6 : i32
      %add3A_441 = arith.addi %add3A_407, %add3A_440 : i32
      %lt3A_442 = arith.constant 512 : i32
      %lt3A_443 = arith.cmpi slt, %add3A_441, %lt3A_442 : i32
      %convert_element_type3A_444 = arith.extui %lt3A_443 : i1 to i32
      %cond3A_445 = arith.constant 0 : i32
      %cond3A_446 = arith.cmpi ne, %convert_element_type3A_444, %cond3A_445 : i32
      scf.if %cond3A_446 {
        %ge3A = arith.constant 2 : i32
        %ge3A_488 = arith.cmpi sge, %add3A_407, %ge3A : i32
        %convert_element_type3A_489 = arith.extui %ge3A_488 : i1 to i32
        %cond3A_490 = arith.constant 0 : i32
        %cond3A_491 = arith.cmpi ne, %convert_element_type3A_489, %cond3A_490 : i32
        scf.if %cond3A_491 {
          %dma_wait3A_498 = arith.constant 0 : i32
          %dma_wait3A_499 = arith.constant 0 : i32
          %dma_wait3A_500 = tpu.memref_slice %arg12[%dma_wait3A_498, %dma_wait3A_499] : memref<50x128xf32, #tpu.memory_space<vmem>> -> memref<50x64xf32, #tpu.memory_space<vmem>>
          %dma_wait3A_501 = arith.constant 0 : i32
          %dma_wait3A_502 = arith.constant 0 : i32
          %dma_wait3A_503 = tpu.memref_slice %arg5[%mul3A_4, %dma_wait3A_501, %dma_wait3A_502] : memref<4096x200x64xf32, #tpu.memory_space<hbm>> -> memref<1x50x64xf32, #tpu.memory_space<hbm>>
          %dma_wait3A_504 = tpu.memref_squeeze %dma_wait3A_503 : memref<1x50x64xf32, #tpu.memory_space<hbm>> -> memref<50x64xf32, #tpu.memory_space<hbm>>
          %dma_wait3A_505 = arith.constant 0 : i32
          %dma_wait3A_506 = arith.constant 0 : i32
          %dma_wait3A_507 = tpu.memref_slice %arg5[%mul3A_4, %dma_wait3A_505, %dma_wait3A_506] : memref<4096x200x64xf32, #tpu.memory_space<hbm>> -> memref<1x50x64xf32, #tpu.memory_space<hbm>>
          %dma_wait3A_508 = tpu.memref_squeeze %dma_wait3A_507 : memref<1x50x64xf32, #tpu.memory_space<hbm>> -> memref<50x64xf32, #tpu.memory_space<hbm>>
          %dma_wait3A_509 = arith.constant 0 : i32
          %dma_wait3A_510 = arith.constant 0 : i32
          %dma_wait3A_511 = tpu.memref_slice %arg12[%dma_wait3A_509, %dma_wait3A_510] : memref<50x128xf32, #tpu.memory_space<vmem>> -> memref<50x64xf32, #tpu.memory_space<vmem>>
          tpu.wait_dma2 semaphore(%arg28 : memref<!tpu.dma_semaphore, #tpu.memory_space<semaphore_mem>>) src(%dma_wait3A_511 : memref<50x64xf32, #tpu.memory_space<vmem>>) dst(%dma_wait3A_508 : memref<50x64xf32, #tpu.memory_space<hbm>>)
        } else {
        }
        %dma_start3A_492 = arith.constant 0 : i32
        %dma_start3A_493 = tpu.memref_slice %arg6[%add3A_441, %dma_start3A_492] : memref<512x50xi32, #tpu.memory_space<vmem>> -> memref<1x50xi32, #tpu.memory_space<vmem>>
        %dma_start3A_494 = tpu.memref_squeeze %dma_start3A_493 : memref<1x50xi32, #tpu.memory_space<vmem>> -> memref<50xi32, #tpu.memory_space<vmem>>
        %dma_start3A_495 = arith.constant 0 : i32
        %dma_start3A_496 = arith.constant 0 : i32
        %dma_start3A_497 = tpu.memref_slice %arg3[%dma_start3A_495, %dma_start3A_496] : memref<100000x128xf32, #tpu.memory_space<hbm>> -> memref<100000x128xf32, #tpu.memory_space<hbm>>
        tpu.enqueue_indirect_dma source(%dma_start3A_497 : memref<100000x128xf32, #tpu.memory_space<hbm>>) target(%arg12 : memref<50x128xf32, #tpu.memory_space<vmem>>) offsets(%dma_start3A_494 : memref<50xi32, #tpu.memory_space<vmem>>) semaphore(%arg20 : memref<!tpu.dma_semaphore, #tpu.memory_space<semaphore_mem>>)
      } else {
      }
      %add3A_447 = arith.constant 7 : i32
      %add3A_448 = arith.addi %add3A_165, %add3A_447 : i32
      %dma_wait3A_449 = arith.constant 0 : i32
      %dma_wait3A_450 = tpu.memref_slice %arg6[%add3A_448, %dma_wait3A_449] : memref<512x50xi32, #tpu.memory_space<vmem>> -> memref<1x50xi32, #tpu.memory_space<vmem>>
      %dma_wait3A_451 = tpu.memref_squeeze %dma_wait3A_450 : memref<1x50xi32, #tpu.memory_space<vmem>> -> memref<50xi32, #tpu.memory_space<vmem>>
      %dma_wait3A_452 = arith.constant 0 : i32
      %dma_wait3A_453 = arith.constant 0 : i32
      %dma_wait3A_454 = tpu.memref_slice %arg3[%dma_wait3A_452, %dma_wait3A_453] : memref<100000x128xf32, #tpu.memory_space<hbm>> -> memref<100000x128xf32, #tpu.memory_space<hbm>>
      tpu.wait_indirect_dma semaphore(%arg23 : memref<!tpu.dma_semaphore, #tpu.memory_space<semaphore_mem>>) src(%dma_wait3A_454 : memref<100000x128xf32, #tpu.memory_space<hbm>>) dst(%arg15 : memref<50x128xf32, #tpu.memory_space<vmem>>)
      %rem3A_455 = arith.constant 4 : i32
      %rem3A_456 = arith.remsi %add3A_448, %rem3A_455 : i32
      %mul3A_457 = arith.constant 50 : i32
      %mul3A_458 = arith.muli %rem3A_456, %mul3A_457 : i32
      %parallel_loop3A_459 = arith.constant 0 : i32
      %parallel_loop3A_460 = arith.constant 50 : i32
      %parallel_loop3A_461 = arith.constant 1 : i32
      scf.for %parallel_loop3A_488 = %parallel_loop3A_459 to %parallel_loop3A_460 step %parallel_loop3A_461  : i32 {
        %parallel_loop3A_489 = arith.index_cast %parallel_loop3A_488 : i32 to index
        %parallel_loop3A_490 = arith.constant 0 : index
        %parallel_loop3A_491 = tpu.vector_load %arg15[%parallel_loop3A_489, %parallel_loop3A_490] {strides = array<i32>} : memref<50x128xf32, #tpu.memory_space<vmem>>, vector<1x16xf32>,
        %parallel_loop3A_492 = vector.shape_cast %parallel_loop3A_491 : vector<1x16xf32> to vector<16xf32>
        %parallel_loop3A_493 = arith.addi %mul3A_458, %parallel_loop3A_488 : i32
        %parallel_loop3A_494 = arith.index_cast %parallel_loop3A_493 : i32 to index
        %parallel_loop3A_495 = arith.constant 0 : index
        %parallel_loop3A_496 = tpu.vector_load %arg7[%parallel_loop3A_494, %parallel_loop3A_495] {strides = array<i32>} : memref<200x64xf32, #tpu.memory_space<vmem>>, vector<1x16xf32>,
        %parallel_loop3A_497 = vector.shape_cast %parallel_loop3A_496 : vector<1x16xf32> to vector<16xf32>
        %parallel_loop3A_498 = arith.addf %parallel_loop3A_492, %parallel_loop3A_497 : vector<16xf32>
        %parallel_loop3A_499 = arith.index_cast %parallel_loop3A_488 : i32 to index
        %parallel_loop3A_500 = arith.constant 0 : index
        %parallel_loop3A_501 = tpu.vector_load %arg15[%parallel_loop3A_499, %parallel_loop3A_500] {strides = array<i32>} : memref<50x128xf32, #tpu.memory_space<vmem>>, vector<1x16xf32>,
        %parallel_loop3A_502 = vector.shape_cast %parallel_loop3A_501 : vector<1x16xf32> to vector<16xf32>
        %parallel_loop3A_503 = vector.shape_cast %parallel_loop3A_498 : vector<16xf32> to vector<1x16xf32>
        tpu.vector_store %arg15[%parallel_loop3A_499, %parallel_loop3A_500], %parallel_loop3A_503 {strides = array<i32>} : memref<50x128xf32, #tpu.memory_space<vmem>>, vector<1x16xf32>,
        %parallel_loop3A_504 = arith.index_cast %parallel_loop3A_488 : i32 to index
        %parallel_loop3A_505 = arith.constant 16 : index
        %parallel_loop3A_506 = tpu.vector_load %arg15[%parallel_loop3A_504, %parallel_loop3A_505] {strides = array<i32>} : memref<50x128xf32, #tpu.memory_space<vmem>>, vector<1x16xf32>,
        %parallel_loop3A_507 = vector.shape_cast %parallel_loop3A_506 : vector<1x16xf32> to vector<16xf32>
        %parallel_loop3A_508 = arith.addi %mul3A_458, %parallel_loop3A_488 : i32
        %parallel_loop3A_509 = arith.index_cast %parallel_loop3A_508 : i32 to index
        %parallel_loop3A_510 = arith.constant 16 : index
        %parallel_loop3A_511 = tpu.vector_load %arg7[%parallel_loop3A_509, %parallel_loop3A_510] {strides = array<i32>} : memref<200x64xf32, #tpu.memory_space<vmem>>, vector<1x16xf32>,
        %parallel_loop3A_512 = vector.shape_cast %parallel_loop3A_511 : vector<1x16xf32> to vector<16xf32>
        %parallel_loop3A_513 = arith.addf %parallel_loop3A_507, %parallel_loop3A_512 : vector<16xf32>
        %parallel_loop3A_514 = arith.index_cast %parallel_loop3A_488 : i32 to index
        %parallel_loop3A_515 = arith.constant 16 : index
        %parallel_loop3A_516 = tpu.vector_load %arg15[%parallel_loop3A_514, %parallel_loop3A_515] {strides = array<i32>} : memref<50x128xf32, #tpu.memory_space<vmem>>, vector<1x16xf32>,
        %parallel_loop3A_517 = vector.shape_cast %parallel_loop3A_516 : vector<1x16xf32> to vector<16xf32>
        %parallel_loop3A_518 = vector.shape_cast %parallel_loop3A_513 : vector<16xf32> to vector<1x16xf32>
        tpu.vector_store %arg15[%parallel_loop3A_514, %parallel_loop3A_515], %parallel_loop3A_518 {strides = array<i32>} : memref<50x128xf32, #tpu.memory_space<vmem>>, vector<1x16xf32>,
        %parallel_loop3A_519 = arith.index_cast %parallel_loop3A_488 : i32 to index
        %parallel_loop3A_520 = arith.constant 32 : index
        %parallel_loop3A_521 = tpu.vector_load %arg15[%parallel_loop3A_519, %parallel_loop3A_520] {strides = array<i32>} : memref<50x128xf32, #tpu.memory_space<vmem>>, vector<1x16xf32>,
        %parallel_loop3A_522 = vector.shape_cast %parallel_loop3A_521 : vector<1x16xf32> to vector<16xf32>
        %parallel_loop3A_523 = arith.addi %mul3A_458, %parallel_loop3A_488 : i32
        %parallel_loop3A_524 = arith.index_cast %parallel_loop3A_523 : i32 to index
        %parallel_loop3A_525 = arith.constant 32 : index
        %parallel_loop3A_526 = tpu.vector_load %arg7[%parallel_loop3A_524, %parallel_loop3A_525] {strides = array<i32>} : memref<200x64xf32, #tpu.memory_space<vmem>>, vector<1x16xf32>,
        %parallel_loop3A_527 = vector.shape_cast %parallel_loop3A_526 : vector<1x16xf32> to vector<16xf32>
        %parallel_loop3A_528 = arith.addf %parallel_loop3A_522, %parallel_loop3A_527 : vector<16xf32>
        %parallel_loop3A_529 = arith.index_cast %parallel_loop3A_488 : i32 to index
        %parallel_loop3A_530 = arith.constant 32 : index
        %parallel_loop3A_531 = tpu.vector_load %arg15[%parallel_loop3A_529, %parallel_loop3A_530] {strides = array<i32>} : memref<50x128xf32, #tpu.memory_space<vmem>>, vector<1x16xf32>,
        %parallel_loop3A_532 = vector.shape_cast %parallel_loop3A_531 : vector<1x16xf32> to vector<16xf32>
        %parallel_loop3A_533 = vector.shape_cast %parallel_loop3A_528 : vector<16xf32> to vector<1x16xf32>
        tpu.vector_store %arg15[%parallel_loop3A_529, %parallel_loop3A_530], %parallel_loop3A_533 {strides = array<i32>} : memref<50x128xf32, #tpu.memory_space<vmem>>, vector<1x16xf32>,
        %parallel_loop3A_534 = arith.index_cast %parallel_loop3A_488 : i32 to index
        %parallel_loop3A_535 = arith.constant 48 : index
        %parallel_loop3A_536 = tpu.vector_load %arg15[%parallel_loop3A_534, %parallel_loop3A_535] {strides = array<i32>} : memref<50x128xf32, #tpu.memory_space<vmem>>, vector<1x16xf32>,
        %parallel_loop3A_537 = vector.shape_cast %parallel_loop3A_536 : vector<1x16xf32> to vector<16xf32>
        %parallel_loop3A_538 = arith.addi %mul3A_458, %parallel_loop3A_488 : i32
        %parallel_loop3A_539 = arith.index_cast %parallel_loop3A_538 : i32 to index
        %parallel_loop3A_540 = arith.constant 48 : index
        %parallel_loop3A_541 = tpu.vector_load %arg7[%parallel_loop3A_539, %parallel_loop3A_540] {strides = array<i32>} : memref<200x64xf32, #tpu.memory_space<vmem>>, vector<1x16xf32>,
        %parallel_loop3A_542 = vector.shape_cast %parallel_loop3A_541 : vector<1x16xf32> to vector<16xf32>
        %parallel_loop3A_543 = arith.addf %parallel_loop3A_537, %parallel_loop3A_542 : vector<16xf32>
        %parallel_loop3A_544 = arith.index_cast %parallel_loop3A_488 : i32 to index
        %parallel_loop3A_545 = arith.constant 48 : index
        %parallel_loop3A_546 = tpu.vector_load %arg15[%parallel_loop3A_544, %parallel_loop3A_545] {strides = array<i32>} : memref<50x128xf32, #tpu.memory_space<vmem>>, vector<1x16xf32>,
        %parallel_loop3A_547 = vector.shape_cast %parallel_loop3A_546 : vector<1x16xf32> to vector<16xf32>
        %parallel_loop3A_548 = vector.shape_cast %parallel_loop3A_543 : vector<16xf32> to vector<1x16xf32>
        tpu.vector_store %arg15[%parallel_loop3A_544, %parallel_loop3A_545], %parallel_loop3A_548 {strides = array<i32>} : memref<50x128xf32, #tpu.memory_space<vmem>>, vector<1x16xf32>,
      } {sc.loop_unroll_factor = 2 : i64, sc.parallel_access}
      %div3A_462 = arith.constant 4 : i32
      %div3A_463 = arith.divsi %add3A_448, %div3A_462 : i32
      %rem3A_464 = arith.constant 4 : i32
      %rem3A_465 = arith.remsi %add3A_448, %rem3A_464 : i32
      %mul3A_466 = arith.constant 50 : i32
      %mul3A_467 = arith.muli %rem3A_465, %mul3A_466 : i32
      %add3A_468 = arith.addi %mul3A_4, %div3A_463 : i32
      %dma_start3A_469 = arith.constant 0 : i32
      %dma_start3A_470 = arith.constant 0 : i32
      %dma_start3A_471 = tpu.memref_slice %arg15[%dma_start3A_469, %dma_start3A_470] : memref<50x128xf32, #tpu.memory_space<vmem>> -> memref<50x64xf32, #tpu.memory_space<vmem>>
      %dma_start3A_472 = arith.constant 0 : i32
      %dma_start3A_473 = tpu.memref_slice %arg5[%add3A_468, %mul3A_467, %dma_start3A_472] : memref<4096x200x64xf32, #tpu.memory_space<hbm>> -> memref<1x50x64xf32, #tpu.memory_space<hbm>>
      %dma_start3A_474 = tpu.memref_squeeze %dma_start3A_473 : memref<1x50x64xf32, #tpu.memory_space<hbm>> -> memref<50x64xf32, #tpu.memory_space<hbm>>
      %dma_start3A_475 = arith.constant 0 : i32
      %dma_start3A_476 = tpu.memref_slice %arg5[%add3A_468, %mul3A_467, %dma_start3A_475] : memref<4096x200x64xf32, #tpu.memory_space<hbm>> -> memref<1x50x64xf32, #tpu.memory_space<hbm>>
      %dma_start3A_477 = tpu.memref_squeeze %dma_start3A_476 : memref<1x50x64xf32, #tpu.memory_space<hbm>> -> memref<50x64xf32, #tpu.memory_space<hbm>>
      %dma_start3A_478 = arith.constant 0 : i32
      %dma_start3A_479 = arith.constant 0 : i32
      %dma_start3A_480 = tpu.memref_slice %arg15[%dma_start3A_478, %dma_start3A_479] : memref<50x128xf32, #tpu.memory_space<vmem>> -> memref<50x64xf32, #tpu.memory_space<vmem>>
      tpu.enqueue_dma source(%dma_start3A_480 : memref<50x64xf32, #tpu.memory_space<vmem>>) target(%dma_start3A_477 : memref<50x64xf32, #tpu.memory_space<hbm>>) target_semaphore(%arg31 : memref<!tpu.dma_semaphore, #tpu.memory_space<semaphore_mem>>)
      %add3A_481 = arith.constant 6 : i32
      %add3A_482 = arith.addi %add3A_448, %add3A_481 : i32
      %lt3A_483 = arith.constant 512 : i32
      %lt3A_484 = arith.cmpi slt, %add3A_482, %lt3A_483 : i32
      %convert_element_type3A_485 = arith.extui %lt3A_484 : i1 to i32
      %cond3A_486 = arith.constant 0 : i32
      %cond3A_487 = arith.cmpi ne, %convert_element_type3A_485, %cond3A_486 : i32
      scf.if %cond3A_487 {
        %ge3A = arith.constant 2 : i32
        %ge3A_488 = arith.cmpi sge, %add3A_448, %ge3A : i32
        %convert_element_type3A_489 = arith.extui %ge3A_488 : i1 to i32
        %cond3A_490 = arith.constant 0 : i32
        %cond3A_491 = arith.cmpi ne, %convert_element_type3A_489, %cond3A_490 : i32
        scf.if %cond3A_491 {
          %dma_wait3A_498 = arith.constant 0 : i32
          %dma_wait3A_499 = arith.constant 0 : i32
          %dma_wait3A_500 = tpu.memref_slice %arg13[%dma_wait3A_498, %dma_wait3A_499] : memref<50x128xf32, #tpu.memory_space<vmem>> -> memref<50x64xf32, #tpu.memory_space<vmem>>
          %dma_wait3A_501 = arith.constant 0 : i32
          %dma_wait3A_502 = arith.constant 0 : i32
          %dma_wait3A_503 = tpu.memref_slice %arg5[%mul3A_4, %dma_wait3A_501, %dma_wait3A_502] : memref<4096x200x64xf32, #tpu.memory_space<hbm>> -> memref<1x50x64xf32, #tpu.memory_space<hbm>>
          %dma_wait3A_504 = tpu.memref_squeeze %dma_wait3A_503 : memref<1x50x64xf32, #tpu.memory_space<hbm>> -> memref<50x64xf32, #tpu.memory_space<hbm>>
          %dma_wait3A_505 = arith.constant 0 : i32
          %dma_wait3A_506 = arith.constant 0 : i32
          %dma_wait3A_507 = tpu.memref_slice %arg5[%mul3A_4, %dma_wait3A_505, %dma_wait3A_506] : memref<4096x200x64xf32, #tpu.memory_space<hbm>> -> memref<1x50x64xf32, #tpu.memory_space<hbm>>
          %dma_wait3A_508 = tpu.memref_squeeze %dma_wait3A_507 : memref<1x50x64xf32, #tpu.memory_space<hbm>> -> memref<50x64xf32, #tpu.memory_space<hbm>>
          %dma_wait3A_509 = arith.constant 0 : i32
          %dma_wait3A_510 = arith.constant 0 : i32
          %dma_wait3A_511 = tpu.memref_slice %arg13[%dma_wait3A_509, %dma_wait3A_510] : memref<50x128xf32, #tpu.memory_space<vmem>> -> memref<50x64xf32, #tpu.memory_space<vmem>>
          tpu.wait_dma2 semaphore(%arg29 : memref<!tpu.dma_semaphore, #tpu.memory_space<semaphore_mem>>) src(%dma_wait3A_511 : memref<50x64xf32, #tpu.memory_space<vmem>>) dst(%dma_wait3A_508 : memref<50x64xf32, #tpu.memory_space<hbm>>)
        } else {
        }
        %dma_start3A_492 = arith.constant 0 : i32
        %dma_start3A_493 = tpu.memref_slice %arg6[%add3A_482, %dma_start3A_492] : memref<512x50xi32, #tpu.memory_space<vmem>> -> memref<1x50xi32, #tpu.memory_space<vmem>>
        %dma_start3A_494 = tpu.memref_squeeze %dma_start3A_493 : memref<1x50xi32, #tpu.memory_space<vmem>> -> memref<50xi32, #tpu.memory_space<vmem>>
        %dma_start3A_495 = arith.constant 0 : i32
        %dma_start3A_496 = arith.constant 0 : i32
        %dma_start3A_497 = tpu.memref_slice %arg3[%dma_start3A_495, %dma_start3A_496] : memref<100000x128xf32, #tpu.memory_space<hbm>> -> memref<100000x128xf32, #tpu.memory_space<hbm>>
        tpu.enqueue_indirect_dma source(%dma_start3A_497 : memref<100000x128xf32, #tpu.memory_space<hbm>>) target(%arg13 : memref<50x128xf32, #tpu.memory_space<vmem>>) offsets(%dma_start3A_494 : memref<50xi32, #tpu.memory_space<vmem>>) semaphore(%arg21 : memref<!tpu.dma_semaphore, #tpu.memory_space<semaphore_mem>>)
      } else {
      }
    }
    %scan3A_49 = arith.constant 64 : i32
    %dma_wait3A = arith.constant 0 : i32
    %dma_wait3A_50 = arith.constant 0 : i32
    %dma_wait3A_51 = tpu.memref_slice %arg8[%dma_wait3A, %dma_wait3A_50] : memref<50x128xf32, #tpu.memory_space<vmem>> -> memref<50x64xf32, #tpu.memory_space<vmem>>
    %dma_wait3A_52 = arith.constant 0 : i32
    %dma_wait3A_53 = arith.constant 0 : i32
    %dma_wait3A_54 = tpu.memref_slice %arg5[%mul3A_4, %dma_wait3A_52, %dma_wait3A_53] : memref<4096x200x64xf32, #tpu.memory_space<hbm>> -> memref<1x50x64xf32, #tpu.memory_space<hbm>>
    %dma_wait3A_55 = tpu.memref_squeeze %dma_wait3A_54 : memref<1x50x64xf32, #tpu.memory_space<hbm>> -> memref<50x64xf32, #tpu.memory_space<hbm>>
    %dma_wait3A_56 = arith.constant 0 : i32
    %dma_wait3A_57 = arith.constant 0 : i32
    %dma_wait3A_58 = tpu.memref_slice %arg5[%mul3A_4, %dma_wait3A_56, %dma_wait3A_57] : memref<4096x200x64xf32, #tpu.memory_space<hbm>> -> memref<1x50x64xf32, #tpu.memory_space<hbm>>
    %dma_wait3A_59 = tpu.memref_squeeze %dma_wait3A_58 : memref<1x50x64xf32, #tpu.memory_space<hbm>> -> memref<50x64xf32, #tpu.memory_space<hbm>>
    %dma_wait3A_60 = arith.constant 0 : i32
    %dma_wait3A_61 = arith.constant 0 : i32
    %dma_wait3A_62 = tpu.memref_slice %arg8[%dma_wait3A_60, %dma_wait3A_61] : memref<50x128xf32, #tpu.memory_space<vmem>> -> memref<50x64xf32, #tpu.memory_space<vmem>>
    tpu.wait_dma2 semaphore(%arg24 : memref<!tpu.dma_semaphore, #tpu.memory_space<semaphore_mem>>) src(%dma_wait3A_62 : memref<50x64xf32, #tpu.memory_space<vmem>>) dst(%dma_wait3A_59 : memref<50x64xf32, #tpu.memory_space<hbm>>)
    %dma_wait3A_63 = arith.constant 0 : i32
    %dma_wait3A_64 = arith.constant 0 : i32
    %dma_wait3A_65 = tpu.memref_slice %arg9[%dma_wait3A_63, %dma_wait3A_64] : memref<50x128xf32, #tpu.memory_space<vmem>> -> memref<50x64xf32, #tpu.memory_space<vmem>>
    %dma_wait3A_66 = arith.constant 0 : i32
    %dma_wait3A_67 = arith.constant 0 : i32
    %dma_wait3A_68 = tpu.memref_slice %arg5[%mul3A_4, %dma_wait3A_66, %dma_wait3A_67] : memref<4096x200x64xf32, #tpu.memory_space<hbm>> -> memref<1x50x64xf32, #tpu.memory_space<hbm>>
    %dma_wait3A_69 = tpu.memref_squeeze %dma_wait3A_68 : memref<1x50x64xf32, #tpu.memory_space<hbm>> -> memref<50x64xf32, #tpu.memory_space<hbm>>
    %dma_wait3A_70 = arith.constant 0 : i32
    %dma_wait3A_71 = arith.constant 0 : i32
    %dma_wait3A_72 = tpu.memref_slice %arg5[%mul3A_4, %dma_wait3A_70, %dma_wait3A_71] : memref<4096x200x64xf32, #tpu.memory_space<hbm>> -> memref<1x50x64xf32, #tpu.memory_space<hbm>>
    %dma_wait3A_73 = tpu.memref_squeeze %dma_wait3A_72 : memref<1x50x64xf32, #tpu.memory_space<hbm>> -> memref<50x64xf32, #tpu.memory_space<hbm>>
    %dma_wait3A_74 = arith.constant 0 : i32
    %dma_wait3A_75 = arith.constant 0 : i32
    %dma_wait3A_76 = tpu.memref_slice %arg9[%dma_wait3A_74, %dma_wait3A_75] : memref<50x128xf32, #tpu.memory_space<vmem>> -> memref<50x64xf32, #tpu.memory_space<vmem>>
    tpu.wait_dma2 semaphore(%arg25 : memref<!tpu.dma_semaphore, #tpu.memory_space<semaphore_mem>>) src(%dma_wait3A_76 : memref<50x64xf32, #tpu.memory_space<vmem>>) dst(%dma_wait3A_73 : memref<50x64xf32, #tpu.memory_space<hbm>>)
    %dma_wait3A_77 = arith.constant 0 : i32
    %dma_wait3A_78 = arith.constant 0 : i32
    %dma_wait3A_79 = tpu.memref_slice %arg10[%dma_wait3A_77, %dma_wait3A_78] : memref<50x128xf32, #tpu.memory_space<vmem>> -> memref<50x64xf32, #tpu.memory_space<vmem>>
    %dma_wait3A_80 = arith.constant 0 : i32
    %dma_wait3A_81 = arith.constant 0 : i32
    %dma_wait3A_82 = tpu.memref_slice %arg5[%mul3A_4, %dma_wait3A_80, %dma_wait3A_81] : memref<4096x200x64xf32, #tpu.memory_space<hbm>> -> memref<1x50x64xf32, #tpu.memory_space<hbm>>
    %dma_wait3A_83 = tpu.memref_squeeze %dma_wait3A_82 : memref<1x50x64xf32, #tpu.memory_space<hbm>> -> memref<50x64xf32, #tpu.memory_space<hbm>>
    %dma_wait3A_84 = arith.constant 0 : i32
    %dma_wait3A_85 = arith.constant 0 : i32
    %dma_wait3A_86 = tpu.memref_slice %arg5[%mul3A_4, %dma_wait3A_84, %dma_wait3A_85] : memref<4096x200x64xf32, #tpu.memory_space<hbm>> -> memref<1x50x64xf32, #tpu.memory_space<hbm>>
    %dma_wait3A_87 = tpu.memref_squeeze %dma_wait3A_86 : memref<1x50x64xf32, #tpu.memory_space<hbm>> -> memref<50x64xf32, #tpu.memory_space<hbm>>
    %dma_wait3A_88 = arith.constant 0 : i32
    %dma_wait3A_89 = arith.constant 0 : i32
    %dma_wait3A_90 = tpu.memref_slice %arg10[%dma_wait3A_88, %dma_wait3A_89] : memref<50x128xf32, #tpu.memory_space<vmem>> -> memref<50x64xf32, #tpu.memory_space<vmem>>
    tpu.wait_dma2 semaphore(%arg26 : memref<!tpu.dma_semaphore, #tpu.memory_space<semaphore_mem>>) src(%dma_wait3A_90 : memref<50x64xf32, #tpu.memory_space<vmem>>) dst(%dma_wait3A_87 : memref<50x64xf32, #tpu.memory_space<hbm>>)
    %dma_wait3A_91 = arith.constant 0 : i32
    %dma_wait3A_92 = arith.constant 0 : i32
    %dma_wait3A_93 = tpu.memref_slice %arg11[%dma_wait3A_91, %dma_wait3A_92] : memref<50x128xf32, #tpu.memory_space<vmem>> -> memref<50x64xf32, #tpu.memory_space<vmem>>
    %dma_wait3A_94 = arith.constant 0 : i32
    %dma_wait3A_95 = arith.constant 0 : i32
    %dma_wait3A_96 = tpu.memref_slice %arg5[%mul3A_4, %dma_wait3A_94, %dma_wait3A_95] : memref<4096x200x64xf32, #tpu.memory_space<hbm>> -> memref<1x50x64xf32, #tpu.memory_space<hbm>>
    %dma_wait3A_97 = tpu.memref_squeeze %dma_wait3A_96 : memref<1x50x64xf32, #tpu.memory_space<hbm>> -> memref<50x64xf32, #tpu.memory_space<hbm>>
    %dma_wait3A_98 = arith.constant 0 : i32
    %dma_wait3A_99 = arith.constant 0 : i32
    %dma_wait3A_100 = tpu.memref_slice %arg5[%mul3A_4, %dma_wait3A_98, %dma_wait3A_99] : memref<4096x200x64xf32, #tpu.memory_space<hbm>> -> memref<1x50x64xf32, #tpu.memory_space<hbm>>
    %dma_wait3A_101 = tpu.memref_squeeze %dma_wait3A_100 : memref<1x50x64xf32, #tpu.memory_space<hbm>> -> memref<50x64xf32, #tpu.memory_space<hbm>>
    %dma_wait3A_102 = arith.constant 0 : i32
    %dma_wait3A_103 = arith.constant 0 : i32
    %dma_wait3A_104 = tpu.memref_slice %arg11[%dma_wait3A_102, %dma_wait3A_103] : memref<50x128xf32, #tpu.memory_space<vmem>> -> memref<50x64xf32, #tpu.memory_space<vmem>>
    tpu.wait_dma2 semaphore(%arg27 : memref<!tpu.dma_semaphore, #tpu.memory_space<semaphore_mem>>) src(%dma_wait3A_104 : memref<50x64xf32, #tpu.memory_space<vmem>>) dst(%dma_wait3A_101 : memref<50x64xf32, #tpu.memory_space<hbm>>)
    %dma_wait3A_105 = arith.constant 0 : i32
    %dma_wait3A_106 = arith.constant 0 : i32
    %dma_wait3A_107 = tpu.memref_slice %arg12[%dma_wait3A_105, %dma_wait3A_106] : memref<50x128xf32, #tpu.memory_space<vmem>> -> memref<50x64xf32, #tpu.memory_space<vmem>>
    %dma_wait3A_108 = arith.constant 0 : i32
    %dma_wait3A_109 = arith.constant 0 : i32
    %dma_wait3A_110 = tpu.memref_slice %arg5[%mul3A_4, %dma_wait3A_108, %dma_wait3A_109] : memref<4096x200x64xf32, #tpu.memory_space<hbm>> -> memref<1x50x64xf32, #tpu.memory_space<hbm>>
    %dma_wait3A_111 = tpu.memref_squeeze %dma_wait3A_110 : memref<1x50x64xf32, #tpu.memory_space<hbm>> -> memref<50x64xf32, #tpu.memory_space<hbm>>
    %dma_wait3A_112 = arith.constant 0 : i32
    %dma_wait3A_113 = arith.constant 0 : i32
    %dma_wait3A_114 = tpu.memref_slice %arg5[%mul3A_4, %dma_wait3A_112, %dma_wait3A_113] : memref<4096x200x64xf32, #tpu.memory_space<hbm>> -> memref<1x50x64xf32, #tpu.memory_space<hbm>>
    %dma_wait3A_115 = tpu.memref_squeeze %dma_wait3A_114 : memref<1x50x64xf32, #tpu.memory_space<hbm>> -> memref<50x64xf32, #tpu.memory_space<hbm>>
    %dma_wait3A_116 = arith.constant 0 : i32
    %dma_wait3A_117 = arith.constant 0 : i32
    %dma_wait3A_118 = tpu.memref_slice %arg12[%dma_wait3A_116, %dma_wait3A_117] : memref<50x128xf32, #tpu.memory_space<vmem>> -> memref<50x64xf32, #tpu.memory_space<vmem>>
    tpu.wait_dma2 semaphore(%arg28 : memref<!tpu.dma_semaphore, #tpu.memory_space<semaphore_mem>>) src(%dma_wait3A_118 : memref<50x64xf32, #tpu.memory_space<vmem>>) dst(%dma_wait3A_115 : memref<50x64xf32, #tpu.memory_space<hbm>>)
    %dma_wait3A_119 = arith.constant 0 : i32
    %dma_wait3A_120 = arith.constant 0 : i32
    %dma_wait3A_121 = tpu.memref_slice %arg13[%dma_wait3A_119, %dma_wait3A_120] : memref<50x128xf32, #tpu.memory_space<vmem>> -> memref<50x64xf32, #tpu.memory_space<vmem>>
    %dma_wait3A_122 = arith.constant 0 : i32
    %dma_wait3A_123 = arith.constant 0 : i32
    %dma_wait3A_124 = tpu.memref_slice %arg5[%mul3A_4, %dma_wait3A_122, %dma_wait3A_123] : memref<4096x200x64xf32, #tpu.memory_space<hbm>> -> memref<1x50x64xf32, #tpu.memory_space<hbm>>
    %dma_wait3A_125 = tpu.memref_squeeze %dma_wait3A_124 : memref<1x50x64xf32, #tpu.memory_space<hbm>> -> memref<50x64xf32, #tpu.memory_space<hbm>>
    %dma_wait3A_126 = arith.constant 0 : i32
    %dma_wait3A_127 = arith.constant 0 : i32
    %dma_wait3A_128 = tpu.memref_slice %arg5[%mul3A_4, %dma_wait3A_126, %dma_wait3A_127] : memref<4096x200x64xf32, #tpu.memory_space<hbm>> -> memref<1x50x64xf32, #tpu.memory_space<hbm>>
    %dma_wait3A_129 = tpu.memref_squeeze %dma_wait3A_128 : memref<1x50x64xf32, #tpu.memory_space<hbm>> -> memref<50x64xf32, #tpu.memory_space<hbm>>
    %dma_wait3A_130 = arith.constant 0 : i32
    %dma_wait3A_131 = arith.constant 0 : i32
    %dma_wait3A_132 = tpu.memref_slice %arg13[%dma_wait3A_130, %dma_wait3A_131] : memref<50x128xf32, #tpu.memory_space<vmem>> -> memref<50x64xf32, #tpu.memory_space<vmem>>
    tpu.wait_dma2 semaphore(%arg29 : memref<!tpu.dma_semaphore, #tpu.memory_space<semaphore_mem>>) src(%dma_wait3A_132 : memref<50x64xf32, #tpu.memory_space<vmem>>) dst(%dma_wait3A_129 : memref<50x64xf32, #tpu.memory_space<hbm>>)
    %dma_wait3A_133 = arith.constant 0 : i32
    %dma_wait3A_134 = arith.constant 0 : i32
    %dma_wait3A_135 = tpu.memref_slice %arg14[%dma_wait3A_133, %dma_wait3A_134] : memref<50x128xf32, #tpu.memory_space<vmem>> -> memref<50x64xf32, #tpu.memory_space<vmem>>
    %dma_wait3A_136 = arith.constant 0 : i32
    %dma_wait3A_137 = arith.constant 0 : i32
    %dma_wait3A_138 = tpu.memref_slice %arg5[%mul3A_4, %dma_wait3A_136, %dma_wait3A_137] : memref<4096x200x64xf32, #tpu.memory_space<hbm>> -> memref<1x50x64xf32, #tpu.memory_space<hbm>>
    %dma_wait3A_139 = tpu.memref_squeeze %dma_wait3A_138 : memref<1x50x64xf32, #tpu.memory_space<hbm>> -> memref<50x64xf32, #tpu.memory_space<hbm>>
    %dma_wait3A_140 = arith.constant 0 : i32
    %dma_wait3A_141 = arith.constant 0 : i32
    %dma_wait3A_142 = tpu.memref_slice %arg5[%mul3A_4, %dma_wait3A_140, %dma_wait3A_141] : memref<4096x200x64xf32, #tpu.memory_space<hbm>> -> memref<1x50x64xf32, #tpu.memory_space<hbm>>
    %dma_wait3A_143 = tpu.memref_squeeze %dma_wait3A_142 : memref<1x50x64xf32, #tpu.memory_space<hbm>> -> memref<50x64xf32, #tpu.memory_space<hbm>>
    %dma_wait3A_144 = arith.constant 0 : i32
    %dma_wait3A_145 = arith.constant 0 : i32
    %dma_wait3A_146 = tpu.memref_slice %arg14[%dma_wait3A_144, %dma_wait3A_145] : memref<50x128xf32, #tpu.memory_space<vmem>> -> memref<50x64xf32, #tpu.memory_space<vmem>>
    tpu.wait_dma2 semaphore(%arg30 : memref<!tpu.dma_semaphore, #tpu.memory_space<semaphore_mem>>) src(%dma_wait3A_146 : memref<50x64xf32, #tpu.memory_space<vmem>>) dst(%dma_wait3A_143 : memref<50x64xf32, #tpu.memory_space<hbm>>)
    %dma_wait3A_147 = arith.constant 0 : i32
    %dma_wait3A_148 = arith.constant 0 : i32
    %dma_wait3A_149 = tpu.memref_slice %arg15[%dma_wait3A_147, %dma_wait3A_148] : memref<50x128xf32, #tpu.memory_space<vmem>> -> memref<50x64xf32, #tpu.memory_space<vmem>>
    %dma_wait3A_150 = arith.constant 0 : i32
    %dma_wait3A_151 = arith.constant 0 : i32
    %dma_wait3A_152 = tpu.memref_slice %arg5[%mul3A_4, %dma_wait3A_150, %dma_wait3A_151] : memref<4096x200x64xf32, #tpu.memory_space<hbm>> -> memref<1x50x64xf32, #tpu.memory_space<hbm>>
    %dma_wait3A_153 = tpu.memref_squeeze %dma_wait3A_152 : memref<1x50x64xf32, #tpu.memory_space<hbm>> -> memref<50x64xf32, #tpu.memory_space<hbm>>
    %dma_wait3A_154 = arith.constant 0 : i32
    %dma_wait3A_155 = arith.constant 0 : i32
    %dma_wait3A_156 = tpu.memref_slice %arg5[%mul3A_4, %dma_wait3A_154, %dma_wait3A_155] : memref<4096x200x64xf32, #tpu.memory_space<hbm>> -> memref<1x50x64xf32, #tpu.memory_space<hbm>>
    %dma_wait3A_157 = tpu.memref_squeeze %dma_wait3A_156 : memref<1x50x64xf32, #tpu.memory_space<hbm>> -> memref<50x64xf32, #tpu.memory_space<hbm>>
    %dma_wait3A_158 = arith.constant 0 : i32
    %dma_wait3A_159 = arith.constant 0 : i32
    %dma_wait3A_160 = tpu.memref_slice %arg15[%dma_wait3A_158, %dma_wait3A_159] : memref<50x128xf32, #tpu.memory_space<vmem>> -> memref<50x64xf32, #tpu.memory_space<vmem>>
    tpu.wait_dma2 semaphore(%arg31 : memref<!tpu.dma_semaphore, #tpu.memory_space<semaphore_mem>>) src(%dma_wait3A_160 : memref<50x64xf32, #tpu.memory_space<vmem>>) dst(%dma_wait3A_157 : memref<50x64xf32, #tpu.memory_space<hbm>>)
    return
  }
}

</mosaic_0001>

<sc_bundles>
// kernel: kernel.3.cloned.1.call-start
scs
__scs_entry_jumppad:
0x0: {  	(pc) =	sbr.rel $0x88, $3  }
0x1: {  	(tag) =	ssettag $0x0;
	lr =	simm.s32 $0x1  }
0x2: {  	[smem:$0x3F9E] =	sst lr;
	_ =	strace $0xD0000000  }
0x3: {  	_ = 	snop  }
0x4: {  	_ = 	snop  }
0x5: {  	_ = 	snop  }
0x6: {  	_ = 	snop  }
0x7: {  	_ = 	snop  }
__scs_overlays_trampoline_lowered:
0x8: {  	[smem:$0x3FAD] =	sst s0  }
0x9: {  	[smem:$0x3FAE] =	sst s1  }
0xa: {  	[smem:$0x3FAF] =	sst s2  }
0xb: {  	[smem:$0x3FB0] =	sst s3  }
0xc: {  	[smem:$0x3FB1] =	sst s4  }
0xd: {  	[smem:$0x3FB2] =	sst s5  }
0xe: {  	[smem:$0x3FB3] =	sst s6  }
0xf: {  	[smem:$0x3FB4] =	sst s7  }
0x10: {  	[smem:$0x3FB5] =	sst s8  }
0x11: {  	[smem:$0x3FB6] =	sst s9;
	s0 =	simm.s32 @!p0 $0x0  }
0x12: {  	s1 =	sld [smem:$0x3F9C];
	s0 =	simm.s32 @p0 $0x1  }
0x13: {  	[smem:$0x3FB7] =	sst s0;
	s0 =	simm.s32 @!p1 $0x0  }
0x14: {  	s2 =	sld [smem:$0x3F9B];
	s0 =	simm.s32 @p1 $0x1  }
0x15: {  	[smem:$0x3FB8] =	sst s0;
	s0 =	simm.s32 @!p2 $0x0  }
0x16: {  	s3 =	sld [smem:$0x3FDB];
	s0 =	simm.s32 @p2 $0x1  }
0x17: {  	s4 =	simm.s32 $0x1BF5;
	[smem:$0x3FBA] =	sst s0  }
0x18: {  	s0 =	sld [smem:$0x3F9D];
	_ =	swait.ge [sflag:s4], $0x0  }
0x19: {  	s7 =	sld [smem:$0x3F9E]  }
0x1a: {  	s8 =	sadd.s32 $0xFFFFE003, lr  }
0x1b: {  	s9 =	sadd.s32 $0xFFFFFEF7, lr;
	s5 =	simm.s32 $0xFFFFFFFF;
	p2 =	slt.u32 s8, $0xFFFFF086  }
0x1c: {  	p1 =	slt.u32 s9, $0xF7A;
	s5 =	simm.s32 @!p2 $0x0  }
0x1d: {  	s5 =	simm.s32 @p1 $0x1;
	p0 =	seq.s32 s7, s2  }
0x1e: {  	s7 =	smul.u32 @!p0 $0xF7A, s2;
	p2 =	seq.s32 @!p0 s5, $0x0  }
0x1f: {  	s9 =	smul.u32 $0xF7A, s1;
	s8 =	simm.s32 @!p0 $0x1BF5;
	p2 =	por !p2, p0  }
0x20: {  	[sflag:s8] =	ssyncset.s32 @!p0 $0xFFFFF086;
	s6 =	sadd.s32 @!p0 s3, s7;
	s7 =	simm.s32 @!p0 $0x108  }
0x21: {  	s3 =	sadd.s32 s3, s9;
	s6 =	sadd.s32 @!p0 $0x88, s6;
	s7 =	simm.s32 @p2 $0x1082  }
0x22: {  	[simem:s7], [sflag:s8] =	dma.local @!p0 [hbm:s6], $0xF7A  }
0x23: {  	s9 =	sor.u32 $0xD0000000, s2;
	s6 =	simm.s32 $0x108;
	_ =	swait.ge @!p0 [sflag:s8], $0x0  }
0x24: {  	s3 =	sadd.s32 $0x88, s3;
	s6 =	simm.s32 @!p1 $0x1082;
	[sflag:s4] =	ssyncset.s32 $0xFFFFF086  }
0x25: {  	[simem:s6], [sflag:s4] =	dma.local [hbm:s3], $0xF7A  }
0x26: {  	[smem:$0x3F9E] =	sst s1;
	(tag) =	ssettag s2;
	_ =	strace s9  }
0x27: {  	s1 =	sld [smem:$0x3FAE]  }
0x28: {  	s2 =	sld [smem:$0x3FAF]  }
0x29: {  	s4 =	sld [smem:$0x3FB1]  }
0x2a: {  	p0 =	seq.s32 s5, $0x0;
	s5 =	sld [smem:$0x3FB2]  }
0x2b: {  	s6 =	sld [smem:$0x3FB3]  }
0x2c: {  	s7 =	sld [smem:$0x3FB4]  }
0x2d: {  	s3 =	simm.s32 $0x108;
	s8 =	sld [smem:$0x3FB5]  }
0x2e: {  	s3 =	simm.s32 @!p0 $0x1082;
	s9 =	sld [smem:$0x3FB6]  }
0x2f: {  	lr =	sadd.s32 s0, s3;
	s0 =	sld [smem:$0x3FAD]  }
0x30: {  	s3 =	sld [smem:$0x3FB0]  }
0x31: {  	[smem:$0x3FB9] =	sst s10  }
0x32: {  	s10 =	sld [smem:$0x3FB7];
	_ =	sdelay $0x3  }
0x33: {  	p0 =	seq.s32 s10, $0x1;
	s10 =	sld [smem:$0x3FB9];
	_ =	sdelay $0x3  }
0x34: {  	[smem:$0x3FB9] =	sst s10  }
0x35: {  	s10 =	sld [smem:$0x3FB8];
	_ =	sdelay $0x3  }
0x36: {  	p1 =	seq.s32 s10, $0x1;
	s10 =	sld [smem:$0x3FB9];
	_ =	sdelay $0x3  }
0x37: {  	[smem:$0x3FB9] =	sst s10  }
0x38: {  	s10 =	sld [smem:$0x3FBA]  }
0x39: {  	_ = 	snop;
	(pc) =	sbr.ind lr, $3  }
0x3a: {  	_ = 	snop  }
0x3b: {  	_ = 	snop  }
0x3c: {  	p2 =	seq.s32 s10, $0x1;
	s10 =	sld [smem:$0x3FB9]  }
0x3d: {  	_ =	shalt  }
0x3e: {  	_ =	shalt  }
0x3f: {  	_ =	shalt  }
0x40: {  	_ =	shalt  }
0x41: {  	_ =	shalt  }
0x42: {  	_ =	shalt  }
0x43: {  	_ =	shalt  }
0x44: {  	_ =	shalt  }
0x45: {  	_ =	shalt  }
0x46: {  	_ =	shalt  }
0x47: {  	_ =	shalt  }
0x48: {  	_ =	shalt  }
0x49: {  	_ =	shalt  }
0x4a: {  	_ =	shalt  }
0x4b: {  	_ =	shalt  }
0x4c: {  	_ =	shalt  }
0x4d: {  	_ =	shalt  }
0x4e: {  	_ =	shalt  }
0x4f: {  	_ =	shalt  }
0x50: {  	_ =	shalt  }
0x51: {  	_ =	shalt  }
0x52: {  	_ =	shalt  }
0x53: {  	_ =	shalt  }
0x54: {  	_ =	shalt  }
0x55: {  	_ =	shalt  }
0x56: {  	_ =	shalt  }
0x57: {  	_ =	shalt  }
0x58: {  	_ =	shalt  }
0x59: {  	_ =	shalt  }
0x5a: {  	_ =	shalt  }
0x5b: {  	_ =	shalt  }
0x5c: {  	_ =	shalt  }
0x5d: {  	_ =	shalt  }
0x5e: {  	_ =	shalt  }
0x5f: {  	_ =	shalt  }
0x60: {  	_ =	shalt  }
0x61: {  	_ =	shalt  }
0x62: {  	_ =	shalt  }
0x63: {  	_ =	shalt  }
0x64: {  	_ =	shalt  }
0x65: {  	_ =	shalt  }
0x66: {  	_ =	shalt  }
0x67: {  	_ =	shalt  }
0x68: {  	_ =	shalt  }
0x69: {  	_ =	shalt  }
0x6a: {  	_ =	shalt  }
0x6b: {  	_ =	shalt  }
0x6c: {  	_ =	shalt  }
0x6d: {  	_ =	shalt  }
0x6e: {  	_ =	shalt  }
0x6f: {  	_ =	shalt  }
0x70: {  	_ =	shalt  }
0x71: {  	_ =	shalt  }
0x72: {  	_ =	shalt  }
0x73: {  	_ =	shalt  }
0x74: {  	_ =	shalt  }
0x75: {  	_ =	shalt  }
0x76: {  	_ =	shalt  }
0x77: {  	_ =	shalt  }
0x78: {  	_ =	shalt  }
0x79: {  	_ =	shalt  }
0x7a: {  	_ =	shalt  }
0x7b: {  	_ =	shalt  }
0x7c: {  	_ =	shalt  }
0x7d: {  	_ =	shalt  }
0x7e: {  	_ =	shalt  }
0x7f: {  	_ =	shalt  }
0x80: {  	_ =	shalt  }
0x81: {  	_ =	shalt  }
0x82: {  	_ =	shalt  }
0x83: {  	_ =	shalt  }
0x84: {  	_ =	shalt  }
0x85: {  	_ =	shalt  }
0x86: {  	_ =	shalt  }
0x87: {  	_ =	shalt  }
.Lfunc_end0:
.L_simem_size_0:
called_computation.1_lowered:
.L_overlay_start_0:
0x88: {  	s2 =	sld [smem:$0x3FD9]  }
0x89: {  	s3 =	sld [smem:$0x3FFE];
	_ =	sdelay $0x1  }
0x8a: {  	s1 =	srdreg.scid  }
0x8b: {  	s0 =	sand.u32 $0x1, s1  }
0x8c: {  	s17 =	sshll.u32 s0, $0xA;
	s2 =	sadd.s32 s3, s2  }
0x8d: {  	s2 =	sadd.s32 s2, s17  }
0x8e: {  	[smem:$0x3FC5] =	sst s2  }
0x8f: {  	_ = 	snop  }
0x90: {  	s2 =	sld [smem:$0x3FD0];
	(tm) =	ssettm $0x1  }
0x91: {  	s18 =	sld [smem:$0x3FFB];
	_ =	sdelay $0x3  }
0x92: {  	_ =	strace s18  }
0x93: {  	s3 =	sld [smem:$0x3FFC];
	_ =	sdelay $0x3  }
0x94: {  	_ =	strace s3  }
0x95: {  	s3 =	sld [smem:$0x3FFD];
	_ =	sdelay $0x3  }
0x96: {  	_ =	strace s3  }
0x97: {  	_ =	strace $0x8FFFFFFF  }
0x98: {  	s19 =	sld [smem:$0x3FDB];
	_ =	sdelay $0x1  }
0x99: {  	s4 =	simm.s32 $_scs_section_size  }
0x9a: {  	s5 =	simm.s32 $_size__tile_overlayer_lowered;
	s6 =	simm.s32 $_tile_overlayer_lowered  }
0x9b: {  	s22 =	simm.s32 $0x1BFF;
	s21 =	sshll.u32 s6, $0x1;
	s3 =	sadd.s32 s4, s19  }
0x9c: {  	s7 =	simm.s32 $0x0;
	s20 =	sshll.u32 s5, $0x1;
	s5 =	sadd.s32 s21, s3  }
0x9d: {  	[timem:s7], [sflag:s22] =	dma.local [hbm:s5], s20  }
0x9e: {  	_ =	swait.ge [sflag:s22], s20  }
0x9f: {  	s4 =	ssub.s32 $0x0, s20;
	[sflag:s22] =	ssyncset.done $0x0  }
0xa0: {  	[sflag:s22] =	ssyncadd.s32 s4;
	_ =	sdelay $0x1  }
0xa1: {  	s23 =	simm.s32 $0x1B8B  }
0xa2: {  	_ =	swait.ge [sflag:s23], $0x1  }
0xa3: {  	[sflag:s23] =	ssyncset.done $0x0  }
0xa4: {  	s25 =	simm.s32 $0x1B8E;
	s24 =	sld [smem:$0x3FFE];
	[sflag:s23] =	ssyncadd.s32 $0xFFFFFFFF  }
0xa5: {  	s26 =	simm.s32 $execute0_lowered;
	[smem:$0x3FD2] =	sst s25  }
0xa6: {  	s5 =	sshll.u32 s26, $0x1;
	_ =	strace $0x80000046;
	[dreg:$0x1] =	wrdreg $0xFFFFFFFF  }
0xa7: {  	s28 =	simm.s32 $_size_execute0_lowered;
	s3 =	sadd.s32 s3, s5;
	[dreg:$0x0] =	wrdreg $0x0  }
0xa8: {  	s5 =	sshll.u32 s28, $0x1;
	[dreg:$0x2] =	wrdreg s3  }
0xa9: {  	[dreg:$0x3] =	wrdreg s5  }
0xaa: {  	[dreg:$0x4] =	wrdreg $0xC0  }
0xab: {  	_ =	task [dreg:s7], $0x5FFFF  }
0xac: {  	[dreg:$0x1] =	wrdreg $0xFFFFFFFF  }
0xad: {  	[dreg:$0x0] =	wrdreg $0x60  }
0xae: {  	[dreg:$0x2] =	wrdreg s24  }
0xaf: {  	[dreg:$0x3] =	wrdreg s2  }
0xb0: {  	[dreg:$0x4] =	wrdreg $0x9  }
0xb1: {  	_ =	task.clear_ibuf [dreg:s7], $0x5FFFF;
	_ =	strace $0x90000046  }
0xb2: {  	s29 =	simm.s32 $0x9;
	_ =	strace $0x80000048  }
0xb3: {  	_ =	swait.ge [sflag:s29], $0x1  }
0xb4: {  	[sflag:s29] =	ssyncadd.s32 $0xFFFFFFFF  }
0xb5: {  	_ =	strace $0x90000048  }
0xb6: {  	_ =	sfence  }
0xb7: {  	s30 =	sld [smem:$0x0];
	_ =	sdelay $0x2  }
0xb8: {  	s31 =	sshll.u32 s1, $0xD;
	s1 =	sshrl.u32 s1, $0x2  }
0xb9: {  	s3 =	sand.u32 $0x4000, s31;
	s1 =	sadd.s32 s1, s30  }
0xba: {  	s0 =	sor.u32 s3, s0;
	s1 =	sshll.u32 s1, $0x11  }
0xbb: {  	s0 =	sor.u32 s1, s0  }
0xbc: {  	s0 =	sadd.s32 $0x8F2B, s0  }
0xbd: {  	[sflag:s0] =	ssyncadd.remote.s32 $0x1  }
0xbe: {  	_ =	sfence.sel $0xFFFF  }
0xbf: {  	[dreg:$0x0] =	wrdreg $0xFFFFFFFF;
	(pc) =	sbr.abs _section_cstart, $3  }
0xc0: {  	[dreg:$0x1] =	wrdreg $0xFFFFFFFF  }
0xc1: {  	_ =	task.clear_ibuf [dreg:s7], $0x2FFFF;
	_ =	strace $0x9FFFFFFF  }
0xc2: {  	(tm) =	ssettm $0x7FFFFFFF  }
0xc3: {  	_ =	shalt  }
tec
execute0_lowered:
.L_overlay_start_1:
0x0: {  	(tag) =	ssettag $0x1  }
0x1: {  	s0 =	srdreg.scid  }
0x2: {  	s2 =	stileid.u32;
	s1 =	rddreg [dreg:$0x0]  }
0x3: {  	s9 =	simm.s32 $0x11;
	s11 =	simm.s32 $0x32;
	s22 =	simm.s32 $0x11F00  }
0x4: {  	s23 =	simm.s32 $0x1;
	s24 =	simm.s32 $0x13800;
	s25 =	simm.s32 $0x2  }
0x5: {  	s28 =	simm.s32 $0x3;
	s29 =	simm.s32 $0x4;
	s30 =	simm.s32 $0x5  }
0x6: {  	s31 =	simm.s32 $0x6;
	s16 =	simm.s32 $0xE;
	s19 =	simm.s32 $0x0  }
0x7: {  	s0 =	sand.u32 $0x1, s0;
	s3 =	sshll.u32 s2, $0x1;
	s2 =	rddreg [dreg:$0x1]  }
0x8: {  	s5 =	sor.u32 s0, s3;
	s3 =	simm.s32 $0x0;
	s0 =	ssub.s32 $0x2, s0  }
0x9: {  	s4 =	smul.u32 $0xE00, s5;
	[smem:$0x7FF] =	sst s3;
	s6 =	sshrl.u32 s0, $0x1  }
.Ltmp0:
0xa: {  	_ =	strace $0x80000047;
	s0 =	ssub.s32 s0, s6;
	(pc) =	sbr.rel .LBB2_1-.Ltmp0, $4  }
0xb: {  	s7 =	sadd.s32 s4, s1;
	s4 =	sadd.s32 $0x1D000, s1;
	s1 =	sadd.s32 $0x800, s1  }
0xc: {  	s6 =	sshll.u32 s5, $0x7;
	s0 =	smax.u32 s0, $0x1;
	[dreg:$0x3] =	wrdreg s1  }
0xd: {  	s26 =	sadd.s32 $0x1000, s7;
	[dreg:$0x5] =	wrdreg s0;
	s1 =	simm.s32 $0x7  }
0xe: {  	s0 =	simm.s32 $0x8;
	[dreg:$0x4] =	wrdreg s26;
	s26 =	simm.s32 $0x15100  }
.LBB2_36:
0xf: {  	s5 =	simm.s32 $0x9  }
0x10: {  	_ =	swait.ge [sflag:s5], $0xC80  }
0x11: {  	[sflag:s5] =	ssyncset.done $0x0  }
0x12: {  	s14 =	simm.s32 $0xA;
	[sflag:s5] =	ssyncadd.s32 $0xFFFFF380  }
0x13: {  	_ =	swait.ge [sflag:s14], $0xC80  }
0x14: {  	[sflag:s14] =	ssyncset.done $0x0  }
0x15: {  	s15 =	simm.s32 $0xB;
	[sflag:s14] =	ssyncadd.s32 $0xFFFFF380  }
0x16: {  	_ =	swait.ge [sflag:s15], $0xC80  }
0x17: {  	[sflag:s15] =	ssyncset.done $0x0  }
0x18: {  	s17 =	simm.s32 $0xC;
	[sflag:s15] =	ssyncadd.s32 $0xFFFFF380  }
0x19: {  	_ =	swait.ge [sflag:s17], $0xC80  }
0x1a: {  	[sflag:s17] =	ssyncset.done $0x0  }
0x1b: {  	s18 =	simm.s32 $0xD;
	[sflag:s17] =	ssyncadd.s32 $0xFFFFF380  }
0x1c: {  	_ =	swait.ge [sflag:s18], $0xC80  }
0x1d: {  	[sflag:s18] =	ssyncset.done $0x0  }
0x1e: {  	[sflag:s18] =	ssyncadd.s32 $0xFFFFF380  }
0x1f: {  	_ =	swait.ge [sflag:s16], $0xC80  }
0x20: {  	[sflag:s16] =	ssyncset.done $0x0  }
0x21: {  	s20 =	simm.s32 $0xF;
	[sflag:s16] =	ssyncadd.s32 $0xFFFFF380  }
0x22: {  	_ =	swait.ge [sflag:s20], $0xC80  }
0x23: {  	[sflag:s20] =	ssyncset.done $0x0  }
0x24: {  	s7 =	simm.s32 $0x10;
	[sflag:s20] =	ssyncadd.s32 $0xFFFFF380  }
0x25: {  	_ =	swait.ge [sflag:s7], $0xC80  }
0x26: {  	s19 =	sadd.s32 $0x1, s19;
	s21 =	rddreg [dreg:$0x5]  }
0x27: {  	p0 =	sne.s32 s19, s21  }
.Ltmp1:
0x28: {  	_ = 	snop;
	(pc) =	sbr.rel @!p0 .LBB2_37-.Ltmp1, $3  }
0x29: {  	_ =	sdelay $0x1  }
0x2a: {  	[sflag:s7] =	ssyncset.done $0x0  }
0x2b: {  	[sflag:s7] =	ssyncadd.s32 $0xFFFFF380  }
.LBB2_1:
0x2c: {  	s5 =	rddreg [dreg:$0x4]  }
0x2d: {  	[tilespmem:s3], [sflag:$0x11] =	stream.linear.gather [hbm4b:s5+s3], $0x7000, $0x38;
	[tilespmem:$0x16A00] =	vst v63  }
0x2e: {  	_ =	swait.ge [sflag:s9], $0x7000  }
0x2f: {  	[sflag:s9] =	ssyncset.done $0x0  }
0x30: {  	s7 =	simm.s32 $0x7000;
	s21 =	rddreg [dreg:$0x3];
	[sflag:s9] =	ssyncadd.s32 $0xFFFF9000  }
0x31: {  	[tilespmem:s7], [sflag:$0x11] =	stream.linear.gather [hbm4b:s21+s3], $0x3200, $0x38;
	[tilespmem:$0x16A00] =	vst v63  }
0x32: {  	_ =	swait.ge [sflag:s9], $0x3200  }
0x33: {  	[sflag:s9] =	ssyncset.done $0x0  }
0x34: {  	s8 =	simm.s32 $0xA200;
	[sflag:s9] =	ssyncadd.s32 $0xFFFFCE00  }
0x35: {  	[tilespmem:s8], [sflag:$0x1] =	stream.indirect.gather [hbm4b:s4+s11], $0x80, s3, s11, $0xb8;
	[tilespmem:$0x16A00] =	vst v63  }
0x36: {  	s10 =	simm.s32 $0x38;
	s12 =	simm.s32 $0xBB00  }
0x37: {  	[tilespmem:s12], [sflag:$0x2] =	stream.indirect.gather [hbm4b:s4+s11], $0x80, s10, s11, $0xb8;
	[tilespmem:$0x16A00] =	vst v63  }
0x38: {  	s13 =	simm.s32 $0x70;
	s14 =	simm.s32 $0xD400  }
0x39: {  	[tilespmem:s14], [sflag:$0x3] =	stream.indirect.gather [hbm4b:s4+s11], $0x80, s13, s11, $0xb8;
	[tilespmem:$0x16A00] =	vst v63  }
0x3a: {  	s15 =	simm.s32 $0xA8;
	s17 =	simm.s32 $0xED00  }
0x3b: {  	[tilespmem:s17], [sflag:$0x4] =	stream.indirect.gather [hbm4b:s4+s11], $0x80, s15, s11, $0xb8;
	[tilespmem:$0x16A00] =	vst v63  }
0x3c: {  	s18 =	simm.s32 $0xE0;
	s20 =	simm.s32 $0x10600  }
0x3d: {  	[tilespmem:s20], [sflag:$0x5] =	stream.indirect.gather [hbm4b:s4+s11], $0x80, s18, s11, $0xb8;
	[tilespmem:$0x16A00] =	vst v63  }
0x3e: {  	s21 =	simm.s32 $0x118;
	s20 =	simm.s32 $0x0  }
0x3f: {  	[tilespmem:s22], [sflag:$0x6] =	stream.indirect.gather [hbm4b:s4+s11], $0x80, s21, s11, $0xb8;
	[tilespmem:$0x16A00] =	vst v63  }
.LBB2_2:
0x40: {  	_ =	swait.ge [sflag:s23], $0x1900  }
0x41: {  	[sflag:s23] =	ssyncset.done $0x0  }
0x42: {  	s5 =	simm.s32 $0xA280;
	[sflag:s23] =	ssyncadd.s32 $0xFFFFE700  }
0x43: {  	s10 =	simm.s32 $0x7040;
	v0 =	vld [tilespmem:s5+$0x0]  }
0x44: {  	v1 =	vld [tilespmem:s10+$0x0];
	_ =	sdelay $0x1  }
0x45: {  	v2 =	vld [tilespmem:s10+$0xFFFFFFC0]  }
0x46: {  	v3 =	vld [tilespmem:s5+$0xFFFFFF80];
	_ =	sdelay $0x1  }
0x47: {  	v0 =	vadd.f32 v1, v0;
	_ =	sdelay $0x1  }
0x48: {  	[tilespmem:s5+$0x0] =	vst v0;
	v0 =	vld [tilespmem:s5+$0x10]  }
0x49: {  	v1 =	vadd.f32 v2, v3;
	v2 =	vld [tilespmem:s10+$0x10]  }
0x4a: {  	v4 =	vld [tilespmem:s5+$0xFFFFFFA0]  }
0x4b: {  	v5 =	vld [tilespmem:s5+$0x20]  }
0x4c: {  	v3 =	vld [tilespmem:s5+$0xFFFFFF90];
	[tilespmem:s5+$0xFFFFFF80] =	vst v1  }
0x4d: {  	s7 =	simm.s32 $0xA380;
	v1 =	vld [tilespmem:s10+$0xFFFFFFD0]  }
0x4e: {  	s8 =	simm.s32 $0x70C0;
	v6 =	vld [tilespmem:s7+$0x0];
	v0 =	vadd.f32 v2, v0  }
0x4f: {  	v7 =	vld [tilespmem:s8+$0x0]  }
0x50: {  	v9 =	vld [tilespmem:s8+$0xFFFFFFC0];
	[tilespmem:s5+$0x10] =	vst v0  }
0x51: {  	v8 =	vld [tilespmem:s10+$0x20]  }
0x52: {  	v1 =	vadd.f32 v1, v3;
	v3 =	vld [tilespmem:s7+$0xFFFFFF80]  }
0x53: {  	v2 =	vld [tilespmem:s7+$0xFFFFFF90]  }
0x54: {  	v0 =	vld [tilespmem:s5+$0xFFFFFFB0];
	[tilespmem:s5+$0xFFFFFF90] =	vst v1;
	v1 =	vadd.f32 v7, v6  }
0x55: {  	v6 =	vld [tilespmem:s10+$0xFFFFFFE0]  }
0x56: {  	v7 =	vld [tilespmem:s5+$0x30];
	[tilespmem:s7+$0x0] =	vst v1;
	v5 =	vadd.f32 v8, v5  }
0x57: {  	v1 =	vadd.f32 v9, v3;
	v9 =	vld [tilespmem:s8+$0x10]  }
0x58: {  	v8 =	vld [tilespmem:s7+$0x10];
	[tilespmem:s5+$0x20] =	vst v5  }
0x59: {  	v10 =	vld [tilespmem:s10+$0x30]  }
0x5a: {  	v3 =	vld [tilespmem:s7+$0xFFFFFFB0];
	[tilespmem:s7+$0xFFFFFF80] =	vst v1;
	v4 =	vadd.f32 v6, v4  }
0x5b: {  	v6 =	vld [tilespmem:s8+$0xFFFFFFD0]  }
0x5c: {  	v1 =	vld [tilespmem:s7+$0xFFFFFFA0];
	[tilespmem:s5+$0xFFFFFFA0] =	vst v4  }
0x5d: {  	v4 =	vld [tilespmem:s10+$0xFFFFFFF0];
	v8 =	vadd.f32 v9, v8  }
0x5e: {  	s12 =	simm.s32 $0x2;
	s13 =	simm.s32 $0xA480;
	v5 =	vld [tilespmem:s7+$0x20];
	s10 =	simm.s32 $0x70C0;
	v7 =	vadd.f32 v10, v7  }
.LBB2_3:
0x5f: {  	v9 =	vld [tilespmem:s13+$0x0];
	[tilespmem:s7+$0x10] =	vst v8;
	s8 =	sadd.s32 $0x80, s8  }
0x60: {  	v8 =	vld [tilespmem:s8+$0x0];
	v2 =	vadd.f32 v6, v2;
	[tilespmem:s5+$0x30] =	vst v7  }
0x61: {  	s12 =	sadd.s32 $0x2, s12;
	v6 =	vld [tilespmem:s10+$0x20]  }
0x62: {  	p0 =	slt.u32 s12, $0x30;
	v7 =	vld [tilespmem:s8+$0xFFFFFFC0];
	[tilespmem:s7+$0xFFFFFF90] =	vst v2;
	v4 =	vadd.f32 v4, v0;
	v0 =	vmov v3  }
0x63: {  	v3 =	vld [tilespmem:s13+$0xFFFFFF80]  }
0x64: {  	v2 =	vld [tilespmem:s13+$0xFFFFFF90];
	[tilespmem:s5+$0xFFFFFFB0] =	vst v4;
	s5 =	smov.u32 s7;
	s7 =	smov.u32 s13  }
0x65: {  	v4 =	vadd.f32 v8, v9;
	v8 =	vld [tilespmem:s10+$0xFFFFFFE0]  }
0x66: {  	v5 =	vadd.f32 v6, v5;
	v9 =	vld [tilespmem:s5+$0x30]  }
0x67: {  	[tilespmem:s13+$0x0] =	vst v4;
	v4 =	vld [tilespmem:s13+$0x10]  }
0x68: {  	v3 =	vadd.f32 v7, v3;
	v7 =	vld [tilespmem:s8+$0x10];
	[tilespmem:s5+$0x20] =	vst v5  }
0x69: {  	v10 =	vld [tilespmem:s10+$0x30]  }
.Ltmp2:
0x6a: {  	[tilespmem:s13+$0xFFFFFF80] =	vst v3;
	v5 =	vadd.f32 v8, v1;
	v1 =	vld [tilespmem:s13+$0xFFFFFFA0];
	(pc) =	sbr.rel @p0 .LBB2_3-.Ltmp2, $4  }
0x6b: {  	v6 =	vld [tilespmem:s8+$0xFFFFFFD0]  }
0x6c: {  	v3 =	vld [tilespmem:s13+$0xFFFFFFB0];
	[tilespmem:s5+$0xFFFFFFA0] =	vst v5  }
0x6d: {  	v8 =	vadd.f32 v7, v4;
	v4 =	vld [tilespmem:s10+$0xFFFFFFF0];
	s10 =	smov.u32 s8  }
0x6e: {  	s13 =	sadd.s32 $0x100, s13;
	v5 =	vld [tilespmem:s7+$0x20];
	v7 =	vadd.f32 v10, v9  }
0x6f: {  	_ = 	snop  }
0x70: {  	v2 =	vadd.f32 v6, v2  }
0x71: {  	[tilespmem:s7+$0x10] =	vst v8  }
0x72: {  	v60 =	vld [tilespmem:s10+$0x20];
	[tilespmem:s7+$0xFFFFFF90] =	vst v2  }
0x73: {  	v2 =	vld [tilespmem:s10+$0xFFFFFFE0];
	_ =	sdelay $0x3  }
0x74: {  	v5 =	vadd.f32 v60, v5  }
0x75: {  	v1 =	vadd.f32 v2, v1  }
0x76: {  	v61 =	vld [tilespmem:s7+$0x30];
	[tilespmem:s7+$0x20] =	vst v5  }
0x77: {  	v62 =	vld [tilespmem:s10+$0x30];
	[tilespmem:s7+$0xFFFFFFA0] =	vst v1  }
0x78: {  	v1 =	vld [tilespmem:s10+$0xFFFFFFF0];
	_ =	sdelay $0x1  }
0x79: {  	s8 =	sshll.u32 s20, $0x1  }
0x7a: {  	s8 =	sor.u32 s6, s8;
	v0 =	vadd.f32 v4, v0  }
0x7b: {  	[tilespmem:s5+$0x30] =	vst v7;
	s21 =	smul.u32 $0x640, s8;
	v2 =	vadd.f32 v62, v61  }
0x7c: {  	[tilespmem:s5+$0xFFFFFFB0] =	vst v0;
	v63 =	vadd.f32 v1, v3  }
0x7d: {  	s12 =	simm.s32 $0xA280;
	s5 =	sadd.s32 s2, s21;
	[tilespmem:s7+$0x30] =	vst v2  }
0x7e: {  	s13 =	sadd.s32 $0x0, s5;
	s10 =	simm.s32 $0xA200;
	[tilespmem:s7+$0xFFFFFFB0] =	vst v63;
	s7 =	simm.s32 $0x8  }
.LBB2_5:
0x7f: {  	[hbm4b:s13+s3] =	stream.linear.scatter [tilespmem:s10], [sflag:$0x9], $0x40, $0x38;
	[tilespmem:$0x16A00] =	vst v63  }
0x80: {  	s13 =	smov.u32 s7;
	s10 =	smov.u32 s12;
	p0 =	sne.s32 s7, $0x188  }
.Ltmp3:
0x81: {  	s7 =	sadd.s32 $0x8, s7;
	(pc) =	sbr.rel @p0 .LBB2_5-.Ltmp3, $2  }
0x82: {  	_ =	sdelay $0x2  }
0x83: {  	s12 =	sadd.s32 $0x80, s12;
	s13 =	sadd.s32 s13, s5  }
0x84: {  	[hbm4b:s13+s3] =	stream.linear.scatter [tilespmem:s10], [sflag:$0x9], $0x40, $0x38;
	[tilespmem:$0x16A00] =	vst v63  }
0x85: {  	s7 =	sshll.u32 s20, $0x3;
	p0 =	seq.s32 s20, $0x0  }
0x86: {  	s5 =	sor.u32 $0x6, s7;
	s10 =	simm.s32 @!p0 $0xF  }
0x87: {  	_ =	swait.ge @!p0 [sflag:s10], $0xC80;
	s12 =	smul.u32 $0xE0, s5  }
0x88: {  	[sflag:s10] =	ssyncset.done @!p0 $0x0  }
0x89: {  	[sflag:s10] =	ssyncadd.s32 @!p0 $0xFFFFF380;
	s21 =	sshra.s32 s12, $0x2  }
0x8a: {  	[tilespmem:s24], [sflag:$0x7] =	stream.indirect.gather [hbm4b:s4+s11], $0x80, s21, s11, $0xb8;
	[tilespmem:$0x16A00] =	vst v63  }
0x8b: {  	_ =	swait.ge [sflag:s25], $0x1900  }
0x8c: {  	[sflag:s25] =	ssyncset.done $0x0  }
0x8d: {  	s10 =	simm.s32 $0xBB80;
	[sflag:s25] =	ssyncadd.s32 $0xFFFFE700  }
0x8e: {  	s14 =	simm.s32 $0x7CF0;
	v0 =	vld [tilespmem:s10+$0x0]  }
0x8f: {  	v1 =	vld [tilespmem:s14+$0xFFFFFFD0];
	_ =	sdelay $0x1  }
0x90: {  	v2 =	vld [tilespmem:s14+$0xFFFFFF90]  }
0x91: {  	v3 =	vld [tilespmem:s10+$0xFFFFFF80];
	_ =	sdelay $0x1  }
0x92: {  	v0 =	vadd.f32 v1, v0;
	_ =	sdelay $0x1  }
0x93: {  	[tilespmem:s10+$0x0] =	vst v0;
	v0 =	vld [tilespmem:s10+$0x10]  }
0x94: {  	v1 =	vadd.f32 v2, v3;
	v2 =	vld [tilespmem:s14+$0xFFFFFFE0]  }
0x95: {  	v4 =	vld [tilespmem:s10+$0xFFFFFFA0]  }
0x96: {  	v5 =	vld [tilespmem:s10+$0x20]  }
0x97: {  	v3 =	vld [tilespmem:s10+$0xFFFFFF90];
	[tilespmem:s10+$0xFFFFFF80] =	vst v1  }
0x98: {  	s12 =	simm.s32 $0xBC80;
	v1 =	vld [tilespmem:s14+$0xFFFFFFA0]  }
0x99: {  	s13 =	simm.s32 $0x7D70;
	v6 =	vld [tilespmem:s12+$0x0];
	v0 =	vadd.f32 v2, v0  }
0x9a: {  	v7 =	vld [tilespmem:s13+$0xFFFFFFD0]  }
0x9b: {  	v9 =	vld [tilespmem:s13+$0xFFFFFF90];
	[tilespmem:s10+$0x10] =	vst v0  }
0x9c: {  	v8 =	vld [tilespmem:s14+$0xFFFFFFF0]  }
0x9d: {  	v1 =	vadd.f32 v1, v3;
	v3 =	vld [tilespmem:s12+$0xFFFFFF80]  }
0x9e: {  	v2 =	vld [tilespmem:s12+$0xFFFFFF90]  }
0x9f: {  	v0 =	vld [tilespmem:s10+$0xFFFFFFB0];
	[tilespmem:s10+$0xFFFFFF90] =	vst v1;
	v1 =	vadd.f32 v7, v6  }
0xa0: {  	v6 =	vld [tilespmem:s14+$0xFFFFFFB0]  }
0xa1: {  	v7 =	vld [tilespmem:s10+$0x30];
	[tilespmem:s12+$0x0] =	vst v1;
	v5 =	vadd.f32 v8, v5  }
0xa2: {  	v1 =	vadd.f32 v9, v3;
	v9 =	vld [tilespmem:s13+$0xFFFFFFE0]  }
0xa3: {  	v8 =	vld [tilespmem:s12+$0x10];
	[tilespmem:s10+$0x20] =	vst v5  }
0xa4: {  	v10 =	vld [tilespmem:s14+$0x0]  }
0xa5: {  	v3 =	vld [tilespmem:s12+$0xFFFFFFB0];
	[tilespmem:s12+$0xFFFFFF80] =	vst v1;
	v4 =	vadd.f32 v6, v4  }
0xa6: {  	v6 =	vld [tilespmem:s13+$0xFFFFFFA0]  }
0xa7: {  	v1 =	vld [tilespmem:s12+$0xFFFFFFA0];
	[tilespmem:s10+$0xFFFFFFA0] =	vst v4  }
0xa8: {  	v4 =	vld [tilespmem:s14+$0xFFFFFFC0];
	v8 =	vadd.f32 v9, v8  }
0xa9: {  	s15 =	simm.s32 $0x2;
	s17 =	simm.s32 $0xBD80;
	v5 =	vld [tilespmem:s12+$0x20];
	s14 =	simm.s32 $0x7D70;
	v7 =	vadd.f32 v10, v7  }
.LBB2_7:
0xaa: {  	v9 =	vld [tilespmem:s17+$0x0];
	[tilespmem:s12+$0x10] =	vst v8;
	s13 =	sadd.s32 $0x80, s13  }
0xab: {  	v8 =	vld [tilespmem:s13+$0xFFFFFFD0];
	v2 =	vadd.f32 v6, v2;
	[tilespmem:s10+$0x30] =	vst v7  }
0xac: {  	s15 =	sadd.s32 $0x2, s15;
	v6 =	vld [tilespmem:s14+$0xFFFFFFF0]  }
0xad: {  	p1 =	slt.u32 s15, $0x30;
	v7 =	vld [tilespmem:s13+$0xFFFFFF90];
	[tilespmem:s12+$0xFFFFFF90] =	vst v2;
	v4 =	vadd.f32 v4, v0;
	v0 =	vmov v3  }
0xae: {  	v3 =	vld [tilespmem:s17+$0xFFFFFF80]  }
0xaf: {  	v2 =	vld [tilespmem:s17+$0xFFFFFF90];
	[tilespmem:s10+$0xFFFFFFB0] =	vst v4;
	s10 =	smov.u32 s12;
	s12 =	smov.u32 s17  }
0xb0: {  	v4 =	vadd.f32 v8, v9;
	v8 =	vld [tilespmem:s14+$0xFFFFFFB0]  }
0xb1: {  	v5 =	vadd.f32 v6, v5;
	v9 =	vld [tilespmem:s10+$0x30]  }
0xb2: {  	[tilespmem:s17+$0x0] =	vst v4;
	v4 =	vld [tilespmem:s17+$0x10]  }
0xb3: {  	v3 =	vadd.f32 v7, v3;
	v7 =	vld [tilespmem:s13+$0xFFFFFFE0];
	[tilespmem:s10+$0x20] =	vst v5  }
0xb4: {  	v10 =	vld [tilespmem:s14+$0x0]  }
.Ltmp4:
0xb5: {  	[tilespmem:s17+$0xFFFFFF80] =	vst v3;
	v5 =	vadd.f32 v8, v1;
	v1 =	vld [tilespmem:s17+$0xFFFFFFA0];
	(pc) =	sbr.rel @p1 .LBB2_7-.Ltmp4, $4  }
0xb6: {  	v6 =	vld [tilespmem:s13+$0xFFFFFFA0]  }
0xb7: {  	v3 =	vld [tilespmem:s17+$0xFFFFFFB0];
	[tilespmem:s10+$0xFFFFFFA0] =	vst v5  }
0xb8: {  	v8 =	vadd.f32 v7, v4;
	v4 =	vld [tilespmem:s14+$0xFFFFFFC0];
	s14 =	smov.u32 s13  }
0xb9: {  	s17 =	sadd.s32 $0x100, s17;
	v5 =	vld [tilespmem:s12+$0x20];
	v7 =	vadd.f32 v10, v9  }
0xba: {  	_ = 	snop  }
0xbb: {  	v2 =	vadd.f32 v6, v2  }
0xbc: {  	[tilespmem:s12+$0x10] =	vst v8  }
0xbd: {  	v60 =	vld [tilespmem:s14+$0xFFFFFFF0];
	[tilespmem:s12+$0xFFFFFF90] =	vst v2  }
0xbe: {  	v2 =	vld [tilespmem:s14+$0xFFFFFFB0];
	_ =	sdelay $0x3  }
0xbf: {  	v5 =	vadd.f32 v60, v5  }
0xc0: {  	v1 =	vadd.f32 v2, v1  }
0xc1: {  	v61 =	vld [tilespmem:s12+$0x30];
	[tilespmem:s12+$0x20] =	vst v5  }
0xc2: {  	v62 =	vld [tilespmem:s14+$0x0];
	[tilespmem:s12+$0xFFFFFFA0] =	vst v1  }
0xc3: {  	v1 =	vld [tilespmem:s14+$0xFFFFFFC0];
	_ =	sdelay $0x1  }
0xc4: {  	s13 =	smul.u32 $0x3200, s8  }
0xc5: {  	v0 =	vadd.f32 v4, v0  }
0xc6: {  	[tilespmem:s10+$0x30] =	vst v7;
	s13 =	sshrl.u32 s13, $0x3;
	v2 =	vadd.f32 v62, v61  }
0xc7: {  	[tilespmem:s10+$0xFFFFFFB0] =	vst v0;
	s10 =	sadd.s32 s2, s13;
	v63 =	vadd.f32 v1, v3  }
0xc8: {  	s15 =	simm.s32 $0xBB80;
	s13 =	sadd.s32 $0x190, s10;
	[tilespmem:s12+$0x30] =	vst v2  }
0xc9: {  	s17 =	sadd.s32 $0x0, s13;
	s14 =	simm.s32 $0xBB00;
	[tilespmem:s12+$0xFFFFFFB0] =	vst v63;
	s12 =	simm.s32 $0x8  }
.LBB2_9:
0xca: {  	[hbm4b:s17+s3] =	stream.linear.scatter [tilespmem:s14], [sflag:$0xA], $0x40, $0x38;
	[tilespmem:$0x16A00] =	vst v63  }
0xcb: {  	s17 =	smov.u32 s12;
	s14 =	smov.u32 s15;
	p1 =	sne.s32 s12, $0x188  }
.Ltmp5:
0xcc: {  	s12 =	sadd.s32 $0x8, s12;
	(pc) =	sbr.rel @p1 .LBB2_9-.Ltmp5, $2  }
0xcd: {  	_ =	sdelay $0x2  }
0xce: {  	s15 =	sadd.s32 $0x80, s15;
	s17 =	sadd.s32 s17, s13  }
0xcf: {  	[hbm4b:s17+s3] =	stream.linear.scatter [tilespmem:s14], [sflag:$0xA], $0x40, $0x38;
	[tilespmem:$0x16A00] =	vst v63  }
0xd0: {  	s21 =	sor.u32 $0x7, s7;
	s7 =	simm.s32 @!p0 $0x10  }
0xd1: {  	_ =	swait.ge @!p0 [sflag:s7], $0xC80;
	s12 =	smul.u32 $0xE0, s21  }
0xd2: {  	[sflag:s7] =	ssyncset.done @!p0 $0x0  }
0xd3: {  	[sflag:s7] =	ssyncadd.s32 @!p0 $0xFFFFF380;
	s17 =	sshra.s32 s12, $0x2  }
0xd4: {  	[tilespmem:s26], [sflag:$0x8] =	stream.indirect.gather [hbm4b:s4+s11], $0x80, s17, s11, $0xb8;
	[tilespmem:$0x16A00] =	vst v63  }
0xd5: {  	_ =	swait.ge [sflag:s28], $0x1900  }
0xd6: {  	[sflag:s28] =	ssyncset.done $0x0  }
0xd7: {  	s7 =	simm.s32 $0xD480;
	[sflag:s28] =	ssyncadd.s32 $0xFFFFE700  }
0xd8: {  	s18 =	simm.s32 $0x8970;
	v0 =	vld [tilespmem:s7+$0x0]  }
0xd9: {  	v1 =	vld [tilespmem:s18+$0xFFFFFFD0];
	_ =	sdelay $0x1  }
0xda: {  	v2 =	vld [tilespmem:s18+$0xFFFFFF90]  }
0xdb: {  	v3 =	vld [tilespmem:s7+$0xFFFFFF80];
	_ =	sdelay $0x1  }
0xdc: {  	v0 =	vadd.f32 v1, v0;
	_ =	sdelay $0x1  }
0xdd: {  	[tilespmem:s7+$0x0] =	vst v0;
	v0 =	vld [tilespmem:s7+$0x10]  }
0xde: {  	v1 =	vadd.f32 v2, v3;
	v2 =	vld [tilespmem:s18+$0xFFFFFFE0]  }
0xdf: {  	v4 =	vld [tilespmem:s7+$0xFFFFFFA0]  }
0xe0: {  	v5 =	vld [tilespmem:s7+$0x20]  }
0xe1: {  	v3 =	vld [tilespmem:s7+$0xFFFFFF90];
	[tilespmem:s7+$0xFFFFFF80] =	vst v1  }
0xe2: {  	s12 =	simm.s32 $0xD580;
	v1 =	vld [tilespmem:s18+$0xFFFFFFA0]  }
0xe3: {  	s13 =	simm.s32 $0x89F0;
	v6 =	vld [tilespmem:s12+$0x0];
	v0 =	vadd.f32 v2, v0  }
0xe4: {  	v7 =	vld [tilespmem:s13+$0xFFFFFFD0]  }
0xe5: {  	v9 =	vld [tilespmem:s13+$0xFFFFFF90];
	[tilespmem:s7+$0x10] =	vst v0  }
0xe6: {  	v8 =	vld [tilespmem:s18+$0xFFFFFFF0]  }
0xe7: {  	v1 =	vadd.f32 v1, v3;
	v3 =	vld [tilespmem:s12+$0xFFFFFF80]  }
0xe8: {  	v2 =	vld [tilespmem:s12+$0xFFFFFF90]  }
0xe9: {  	v0 =	vld [tilespmem:s7+$0xFFFFFFB0];
	[tilespmem:s7+$0xFFFFFF90] =	vst v1;
	v1 =	vadd.f32 v7, v6  }
0xea: {  	v6 =	vld [tilespmem:s18+$0xFFFFFFB0]  }
0xeb: {  	v7 =	vld [tilespmem:s7+$0x30];
	[tilespmem:s12+$0x0] =	vst v1;
	v5 =	vadd.f32 v8, v5  }
0xec: {  	v1 =	vadd.f32 v9, v3;
	v9 =	vld [tilespmem:s13+$0xFFFFFFE0]  }
0xed: {  	v8 =	vld [tilespmem:s12+$0x10];
	[tilespmem:s7+$0x20] =	vst v5  }
0xee: {  	v10 =	vld [tilespmem:s18+$0x0]  }
0xef: {  	v3 =	vld [tilespmem:s12+$0xFFFFFFB0];
	[tilespmem:s12+$0xFFFFFF80] =	vst v1;
	v4 =	vadd.f32 v6, v4  }
0xf0: {  	v6 =	vld [tilespmem:s13+$0xFFFFFFA0]  }
0xf1: {  	v1 =	vld [tilespmem:s12+$0xFFFFFFA0];
	[tilespmem:s7+$0xFFFFFFA0] =	vst v4  }
0xf2: {  	v4 =	vld [tilespmem:s18+$0xFFFFFFC0];
	v8 =	vadd.f32 v9, v8  }
0xf3: {  	s15 =	simm.s32 $0x2;
	s14 =	simm.s32 $0x89F0;
	s17 =	simm.s32 $0xD680;
	v5 =	vld [tilespmem:s12+$0x20];
	v7 =	vadd.f32 v10, v7  }
.LBB2_11:
0xf4: {  	v9 =	vld [tilespmem:s17+$0x0];
	[tilespmem:s12+$0x10] =	vst v8;
	s13 =	sadd.s32 $0x80, s13  }
0xf5: {  	v8 =	vld [tilespmem:s13+$0xFFFFFFD0];
	v2 =	vadd.f32 v6, v2;
	[tilespmem:s7+$0x30] =	vst v7  }
0xf6: {  	s15 =	sadd.s32 $0x2, s15;
	v6 =	vld [tilespmem:s14+$0xFFFFFFF0]  }
0xf7: {  	p0 =	slt.u32 s15, $0x30;
	v7 =	vld [tilespmem:s13+$0xFFFFFF90];
	[tilespmem:s12+$0xFFFFFF90] =	vst v2;
	v4 =	vadd.f32 v4, v0;
	v0 =	vmov v3  }
0xf8: {  	v3 =	vld [tilespmem:s17+$0xFFFFFF80]  }
0xf9: {  	v2 =	vld [tilespmem:s17+$0xFFFFFF90];
	[tilespmem:s7+$0xFFFFFFB0] =	vst v4;
	s7 =	smov.u32 s12;
	s12 =	smov.u32 s17  }
0xfa: {  	v4 =	vadd.f32 v8, v9;
	v8 =	vld [tilespmem:s14+$0xFFFFFFB0]  }
0xfb: {  	v5 =	vadd.f32 v6, v5;
	v9 =	vld [tilespmem:s7+$0x30]  }
0xfc: {  	[tilespmem:s17+$0x0] =	vst v4;
	v4 =	vld [tilespmem:s17+$0x10]  }
0xfd: {  	v3 =	vadd.f32 v7, v3;
	v7 =	vld [tilespmem:s13+$0xFFFFFFE0];
	[tilespmem:s7+$0x20] =	vst v5  }
0xfe: {  	v10 =	vld [tilespmem:s14+$0x0]  }
.Ltmp6:
0xff: {  	[tilespmem:s17+$0xFFFFFF80] =	vst v3;
	v5 =	vadd.f32 v8, v1;
	v1 =	vld [tilespmem:s17+$0xFFFFFFA0];
	(pc) =	sbr.rel @p0 .LBB2_11-.Ltmp6, $4  }
0x100: {  	v6 =	vld [tilespmem:s13+$0xFFFFFFA0]  }
0x101: {  	v3 =	vld [tilespmem:s17+$0xFFFFFFB0];
	[tilespmem:s7+$0xFFFFFFA0] =	vst v5  }
0x102: {  	v8 =	vadd.f32 v7, v4;
	v4 =	vld [tilespmem:s14+$0xFFFFFFC0];
	s14 =	smov.u32 s13  }
0x103: {  	s17 =	sadd.s32 $0x100, s17;
	v5 =	vld [tilespmem:s12+$0x20];
	v7 =	vadd.f32 v10, v9  }
0x104: {  	_ = 	snop  }
0x105: {  	v2 =	vadd.f32 v6, v2  }
0x106: {  	[tilespmem:s12+$0x10] =	vst v8  }
0x107: {  	v60 =	vld [tilespmem:s14+$0xFFFFFFF0];
	[tilespmem:s12+$0xFFFFFF90] =	vst v2  }
0x108: {  	v2 =	vld [tilespmem:s14+$0xFFFFFFB0];
	_ =	sdelay $0x3  }
0x109: {  	v5 =	vadd.f32 v60, v5  }
0x10a: {  	v1 =	vadd.f32 v2, v1  }
0x10b: {  	v61 =	vld [tilespmem:s12+$0x30];
	[tilespmem:s12+$0x20] =	vst v5  }
0x10c: {  	v62 =	vld [tilespmem:s14+$0x0];
	[tilespmem:s12+$0xFFFFFFA0] =	vst v1  }
0x10d: {  	v1 =	vld [tilespmem:s14+$0xFFFFFFC0];
	_ =	sdelay $0x2  }
0x10e: {  	v0 =	vadd.f32 v4, v0  }
0x10f: {  	[tilespmem:s7+$0x30] =	vst v7;
	v2 =	vadd.f32 v62, v61  }
0x110: {  	[tilespmem:s7+$0xFFFFFFB0] =	vst v0;
	v63 =	vadd.f32 v1, v3  }
0x111: {  	s13 =	simm.s32 $0xD400;
	s7 =	sadd.s32 $0x320, s10;
	[tilespmem:s12+$0x30] =	vst v2  }
0x112: {  	s15 =	sadd.s32 $0x0, s7;
	s14 =	simm.s32 $0xD480;
	[tilespmem:s12+$0xFFFFFFB0] =	vst v63;
	s12 =	simm.s32 $0x8  }
.LBB2_13:
0x113: {  	[hbm4b:s15+s3] =	stream.linear.scatter [tilespmem:s13], [sflag:$0xB], $0x40, $0x38;
	[tilespmem:$0x16A00] =	vst v63  }
0x114: {  	s15 =	smov.u32 s12;
	s13 =	smov.u32 s14;
	p0 =	sne.s32 s12, $0x188  }
.Ltmp7:
0x115: {  	s12 =	sadd.s32 $0x8, s12;
	(pc) =	sbr.rel @p0 .LBB2_13-.Ltmp7, $2  }
0x116: {  	_ =	sdelay $0x2  }
0x117: {  	s14 =	sadd.s32 $0x80, s14;
	s15 =	sadd.s32 s15, s7  }
0x118: {  	[hbm4b:s15+s3] =	stream.linear.scatter [tilespmem:s13], [sflag:$0xB], $0x40, $0x38;
	[tilespmem:$0x16A00] =	vst v63  }
0x119: {  	p0 =	seq.s32 s20, $0x3F  }
0x11a: {  	s7 =	simm.s32 @!p0 $0x9  }
0x11b: {  	s12 =	smul.u32 @!p0 $0x700, s20;
	_ =	swait.ge @!p0 [sflag:s7], $0xC80  }
0x11c: {  	[sflag:s7] =	ssyncset.done @!p0 $0x0  }
0x11d: {  	[sflag:s7] =	ssyncadd.s32 @!p0 $0xFFFFF380;
	s7 =	sshra.s32 @!p0 s12, $0x2  }
0x11e: {  	s13 =	simm.s32 @!p0 $0x32;
	s14 =	simm.s32 @!p0 $0xA200;
	s12 =	sadd.s32 @!p0 $0x1C0, s7  }
0x11f: {  	[tilespmem:s14], [sflag:$0x1] =	stream.indirect.gather @!p0 [hbm4b:s4+s13], $0x80, s12, s13, $0xb8;
	[tilespmem:$0x16A00] =	vst v63  }
0x120: {  	_ =	swait.ge [sflag:s29], $0x1900  }
0x121: {  	[sflag:s29] =	ssyncset.done $0x0  }
0x122: {  	s12 =	simm.s32 $0xED80;
	[sflag:s29] =	ssyncadd.s32 $0xFFFFE700  }
0x123: {  	s18 =	simm.s32 $0x95F0;
	v0 =	vld [tilespmem:s12+$0x0]  }
0x124: {  	v1 =	vld [tilespmem:s18+$0xFFFFFFD0];
	_ =	sdelay $0x1  }
0x125: {  	v2 =	vld [tilespmem:s18+$0xFFFFFF90]  }
0x126: {  	v3 =	vld [tilespmem:s12+$0xFFFFFF80];
	_ =	sdelay $0x1  }
0x127: {  	v0 =	vadd.f32 v1, v0;
	_ =	sdelay $0x1  }
0x128: {  	[tilespmem:s12+$0x0] =	vst v0;
	v0 =	vld [tilespmem:s12+$0x10]  }
0x129: {  	v1 =	vadd.f32 v2, v3;
	v2 =	vld [tilespmem:s18+$0xFFFFFFE0]  }
0x12a: {  	v4 =	vld [tilespmem:s12+$0xFFFFFFA0]  }
0x12b: {  	v5 =	vld [tilespmem:s12+$0x20]  }
0x12c: {  	v3 =	vld [tilespmem:s12+$0xFFFFFF90];
	[tilespmem:s12+$0xFFFFFF80] =	vst v1  }
0x12d: {  	s13 =	simm.s32 $0xEE80;
	v1 =	vld [tilespmem:s18+$0xFFFFFFA0]  }
0x12e: {  	s14 =	simm.s32 $0x9670;
	v6 =	vld [tilespmem:s13+$0x0];
	v0 =	vadd.f32 v2, v0  }
0x12f: {  	v7 =	vld [tilespmem:s14+$0xFFFFFFD0]  }
0x130: {  	v9 =	vld [tilespmem:s14+$0xFFFFFF90];
	[tilespmem:s12+$0x10] =	vst v0  }
0x131: {  	v8 =	vld [tilespmem:s18+$0xFFFFFFF0]  }
0x132: {  	v1 =	vadd.f32 v1, v3;
	v3 =	vld [tilespmem:s13+$0xFFFFFF80]  }
0x133: {  	v2 =	vld [tilespmem:s13+$0xFFFFFF90]  }
0x134: {  	v0 =	vld [tilespmem:s12+$0xFFFFFFB0];
	[tilespmem:s12+$0xFFFFFF90] =	vst v1;
	v1 =	vadd.f32 v7, v6  }
0x135: {  	v6 =	vld [tilespmem:s18+$0xFFFFFFB0]  }
0x136: {  	v7 =	vld [tilespmem:s12+$0x30];
	[tilespmem:s13+$0x0] =	vst v1;
	v5 =	vadd.f32 v8, v5  }
0x137: {  	v1 =	vadd.f32 v9, v3;
	v9 =	vld [tilespmem:s14+$0xFFFFFFE0]  }
0x138: {  	v8 =	vld [tilespmem:s13+$0x10];
	[tilespmem:s12+$0x20] =	vst v5  }
0x139: {  	v10 =	vld [tilespmem:s18+$0x0]  }
0x13a: {  	v3 =	vld [tilespmem:s13+$0xFFFFFFB0];
	[tilespmem:s13+$0xFFFFFF80] =	vst v1;
	v4 =	vadd.f32 v6, v4  }
0x13b: {  	v6 =	vld [tilespmem:s14+$0xFFFFFFA0]  }
0x13c: {  	v1 =	vld [tilespmem:s13+$0xFFFFFFA0];
	[tilespmem:s12+$0xFFFFFFA0] =	vst v4  }
0x13d: {  	v4 =	vld [tilespmem:s18+$0xFFFFFFC0];
	v8 =	vadd.f32 v9, v8  }
0x13e: {  	s17 =	simm.s32 $0x2;
	s15 =	simm.s32 $0x9670;
	v5 =	vld [tilespmem:s13+$0x20];
	s18 =	simm.s32 $0xEF80;
	v7 =	vadd.f32 v10, v7  }
.LBB2_15:
0x13f: {  	v9 =	vld [tilespmem:s18+$0x0];
	[tilespmem:s13+$0x10] =	vst v8;
	s14 =	sadd.s32 $0x80, s14  }
0x140: {  	v8 =	vld [tilespmem:s14+$0xFFFFFFD0];
	v2 =	vadd.f32 v6, v2;
	[tilespmem:s12+$0x30] =	vst v7  }
0x141: {  	s17 =	sadd.s32 $0x2, s17;
	v6 =	vld [tilespmem:s15+$0xFFFFFFF0]  }
0x142: {  	p1 =	slt.u32 s17, $0x30;
	v7 =	vld [tilespmem:s14+$0xFFFFFF90];
	[tilespmem:s13+$0xFFFFFF90] =	vst v2;
	v4 =	vadd.f32 v4, v0;
	v0 =	vmov v3  }
0x143: {  	v3 =	vld [tilespmem:s18+$0xFFFFFF80]  }
0x144: {  	v2 =	vld [tilespmem:s18+$0xFFFFFF90];
	[tilespmem:s12+$0xFFFFFFB0] =	vst v4;
	s12 =	smov.u32 s13;
	s13 =	smov.u32 s18  }
0x145: {  	v4 =	vadd.f32 v8, v9;
	v8 =	vld [tilespmem:s15+$0xFFFFFFB0]  }
0x146: {  	v5 =	vadd.f32 v6, v5;
	v9 =	vld [tilespmem:s12+$0x30]  }
0x147: {  	[tilespmem:s18+$0x0] =	vst v4;
	v4 =	vld [tilespmem:s18+$0x10]  }
0x148: {  	v3 =	vadd.f32 v7, v3;
	v7 =	vld [tilespmem:s14+$0xFFFFFFE0];
	[tilespmem:s12+$0x20] =	vst v5  }
0x149: {  	v10 =	vld [tilespmem:s15+$0x0]  }
.Ltmp8:
0x14a: {  	[tilespmem:s18+$0xFFFFFF80] =	vst v3;
	v5 =	vadd.f32 v8, v1;
	v1 =	vld [tilespmem:s18+$0xFFFFFFA0];
	(pc) =	sbr.rel @p1 .LBB2_15-.Ltmp8, $4  }
0x14b: {  	v6 =	vld [tilespmem:s14+$0xFFFFFFA0]  }
0x14c: {  	v3 =	vld [tilespmem:s18+$0xFFFFFFB0];
	[tilespmem:s12+$0xFFFFFFA0] =	vst v5  }
0x14d: {  	v8 =	vadd.f32 v7, v4;
	v4 =	vld [tilespmem:s15+$0xFFFFFFC0];
	s15 =	smov.u32 s14  }
0x14e: {  	s18 =	sadd.s32 $0x100, s18;
	v5 =	vld [tilespmem:s13+$0x20];
	v7 =	vadd.f32 v10, v9  }
0x14f: {  	_ = 	snop  }
0x150: {  	v2 =	vadd.f32 v6, v2  }
0x151: {  	[tilespmem:s13+$0x10] =	vst v8  }
0x152: {  	v60 =	vld [tilespmem:s15+$0xFFFFFFF0];
	[tilespmem:s13+$0xFFFFFF90] =	vst v2  }
0x153: {  	v2 =	vld [tilespmem:s15+$0xFFFFFFB0];
	_ =	sdelay $0x3  }
0x154: {  	v5 =	vadd.f32 v60, v5  }
0x155: {  	v1 =	vadd.f32 v2, v1  }
0x156: {  	v61 =	vld [tilespmem:s13+$0x30];
	[tilespmem:s13+$0x20] =	vst v5  }
0x157: {  	v62 =	vld [tilespmem:s15+$0x0];
	[tilespmem:s13+$0xFFFFFFA0] =	vst v1  }
0x158: {  	v1 =	vld [tilespmem:s15+$0xFFFFFFC0];
	_ =	sdelay $0x2  }
0x159: {  	v0 =	vadd.f32 v4, v0  }
0x15a: {  	[tilespmem:s12+$0x30] =	vst v7;
	v2 =	vadd.f32 v62, v61  }
0x15b: {  	[tilespmem:s12+$0xFFFFFFB0] =	vst v0;
	v63 =	vadd.f32 v1, v3  }
0x15c: {  	s10 =	sadd.s32 $0x4B0, s10;
	s14 =	simm.s32 $0xED80;
	[tilespmem:s13+$0x30] =	vst v2  }
0x15d: {  	s12 =	simm.s32 $0xED00;
	s15 =	sadd.s32 $0x0, s10;
	[tilespmem:s13+$0xFFFFFFB0] =	vst v63;
	s13 =	simm.s32 $0x8  }
.LBB2_17:
0x15e: {  	[hbm4b:s15+s3] =	stream.linear.scatter [tilespmem:s12], [sflag:$0xC], $0x40, $0x38;
	[tilespmem:$0x16A00] =	vst v63  }
0x15f: {  	s15 =	smov.u32 s13;
	s12 =	smov.u32 s14;
	p1 =	sne.s32 s13, $0x188  }
.Ltmp9:
0x160: {  	s13 =	sadd.s32 $0x8, s13;
	(pc) =	sbr.rel @p1 .LBB2_17-.Ltmp9, $2  }
0x161: {  	_ =	sdelay $0x2  }
0x162: {  	s14 =	sadd.s32 $0x80, s14;
	s15 =	sadd.s32 s15, s10  }
0x163: {  	[hbm4b:s15+s3] =	stream.linear.scatter [tilespmem:s12], [sflag:$0xC], $0x40, $0x38;
	[tilespmem:$0x16A00] =	vst v63  }
0x164: {  	s10 =	simm.s32 @!p0 $0xA  }
0x165: {  	_ =	swait.ge @!p0 [sflag:s10], $0xC80  }
0x166: {  	s12 =	simm.s32 @!p0 $0x32;
	[sflag:s10] =	ssyncset.done @!p0 $0x0  }
0x167: {  	s13 =	simm.s32 @!p0 $0xBB00;
	[sflag:s10] =	ssyncadd.s32 @!p0 $0xFFFFF380;
	s10 =	sadd.s32 @!p0 $0x1F8, s7  }
0x168: {  	[tilespmem:s13], [sflag:$0x2] =	stream.indirect.gather @!p0 [hbm4b:s4+s12], $0x80, s10, s12, $0xb8;
	[tilespmem:$0x16A00] =	vst v63  }
0x169: {  	_ =	swait.ge [sflag:s30], $0x1900  }
0x16a: {  	[sflag:s30] =	ssyncset.done $0x0  }
0x16b: {  	s10 =	simm.s32 $0x10680;
	[sflag:s30] =	ssyncadd.s32 $0xFFFFE700  }
0x16c: {  	s14 =	simm.s32 $0x7040;
	v0 =	vld [tilespmem:s10+$0x0]  }
0x16d: {  	v1 =	vld [tilespmem:s14+$0x0];
	_ =	sdelay $0x1  }
0x16e: {  	v2 =	vld [tilespmem:s14+$0xFFFFFFC0]  }
0x16f: {  	v3 =	vld [tilespmem:s10+$0xFFFFFF80];
	_ =	sdelay $0x1  }
0x170: {  	v0 =	vadd.f32 v1, v0;
	_ =	sdelay $0x1  }
0x171: {  	[tilespmem:s10+$0x0] =	vst v0;
	v0 =	vld [tilespmem:s10+$0x10]  }
0x172: {  	v1 =	vadd.f32 v2, v3;
	v2 =	vld [tilespmem:s14+$0x10]  }
0x173: {  	v4 =	vld [tilespmem:s10+$0xFFFFFFA0]  }
0x174: {  	v5 =	vld [tilespmem:s10+$0x20]  }
0x175: {  	v3 =	vld [tilespmem:s10+$0xFFFFFF90];
	[tilespmem:s10+$0xFFFFFF80] =	vst v1  }
0x176: {  	s12 =	simm.s32 $0x10780;
	v1 =	vld [tilespmem:s14+$0xFFFFFFD0]  }
0x177: {  	s13 =	simm.s32 $0x70C0;
	v6 =	vld [tilespmem:s12+$0x0];
	v0 =	vadd.f32 v2, v0  }
0x178: {  	v7 =	vld [tilespmem:s13+$0x0]  }
0x179: {  	v9 =	vld [tilespmem:s13+$0xFFFFFFC0];
	[tilespmem:s10+$0x10] =	vst v0  }
0x17a: {  	v8 =	vld [tilespmem:s14+$0x20]  }
0x17b: {  	v1 =	vadd.f32 v1, v3;
	v3 =	vld [tilespmem:s12+$0xFFFFFF80]  }
0x17c: {  	v2 =	vld [tilespmem:s12+$0xFFFFFF90]  }
0x17d: {  	v0 =	vld [tilespmem:s10+$0xFFFFFFB0];
	[tilespmem:s10+$0xFFFFFF90] =	vst v1;
	v1 =	vadd.f32 v7, v6  }
0x17e: {  	v6 =	vld [tilespmem:s14+$0xFFFFFFE0]  }
0x17f: {  	v7 =	vld [tilespmem:s10+$0x30];
	[tilespmem:s12+$0x0] =	vst v1;
	v5 =	vadd.f32 v8, v5  }
0x180: {  	v1 =	vadd.f32 v9, v3;
	v9 =	vld [tilespmem:s13+$0x10]  }
0x181: {  	v8 =	vld [tilespmem:s12+$0x10];
	[tilespmem:s10+$0x20] =	vst v5  }
0x182: {  	v10 =	vld [tilespmem:s14+$0x30]  }
0x183: {  	v3 =	vld [tilespmem:s12+$0xFFFFFFB0];
	[tilespmem:s12+$0xFFFFFF80] =	vst v1;
	v4 =	vadd.f32 v6, v4  }
0x184: {  	v6 =	vld [tilespmem:s13+$0xFFFFFFD0]  }
0x185: {  	v1 =	vld [tilespmem:s12+$0xFFFFFFA0];
	[tilespmem:s10+$0xFFFFFFA0] =	vst v4  }
0x186: {  	v4 =	vld [tilespmem:s14+$0xFFFFFFF0];
	v8 =	vadd.f32 v9, v8  }
0x187: {  	s15 =	simm.s32 $0x2;
	s17 =	simm.s32 $0x10880;
	v5 =	vld [tilespmem:s12+$0x20];
	s14 =	simm.s32 $0x70C0;
	v7 =	vadd.f32 v10, v7  }
.LBB2_19:
0x188: {  	v9 =	vld [tilespmem:s17+$0x0];
	[tilespmem:s12+$0x10] =	vst v8;
	s13 =	sadd.s32 $0x80, s13  }
0x189: {  	v8 =	vld [tilespmem:s13+$0x0];
	v2 =	vadd.f32 v6, v2;
	[tilespmem:s10+$0x30] =	vst v7  }
0x18a: {  	s15 =	sadd.s32 $0x2, s15;
	v6 =	vld [tilespmem:s14+$0x20]  }
0x18b: {  	p1 =	slt.u32 s15, $0x30;
	v7 =	vld [tilespmem:s13+$0xFFFFFFC0];
	[tilespmem:s12+$0xFFFFFF90] =	vst v2;
	v4 =	vadd.f32 v4, v0;
	v0 =	vmov v3  }
0x18c: {  	v3 =	vld [tilespmem:s17+$0xFFFFFF80]  }
0x18d: {  	v2 =	vld [tilespmem:s17+$0xFFFFFF90];
	[tilespmem:s10+$0xFFFFFFB0] =	vst v4;
	s10 =	smov.u32 s12;
	s12 =	smov.u32 s17  }
0x18e: {  	v4 =	vadd.f32 v8, v9;
	v8 =	vld [tilespmem:s14+$0xFFFFFFE0]  }
0x18f: {  	v5 =	vadd.f32 v6, v5;
	v9 =	vld [tilespmem:s10+$0x30]  }
0x190: {  	[tilespmem:s17+$0x0] =	vst v4;
	v4 =	vld [tilespmem:s17+$0x10]  }
0x191: {  	v3 =	vadd.f32 v7, v3;
	v7 =	vld [tilespmem:s13+$0x10];
	[tilespmem:s10+$0x20] =	vst v5  }
0x192: {  	v10 =	vld [tilespmem:s14+$0x30]  }
.Ltmp10:
0x193: {  	[tilespmem:s17+$0xFFFFFF80] =	vst v3;
	v5 =	vadd.f32 v8, v1;
	v1 =	vld [tilespmem:s17+$0xFFFFFFA0];
	(pc) =	sbr.rel @p1 .LBB2_19-.Ltmp10, $4  }
0x194: {  	v6 =	vld [tilespmem:s13+$0xFFFFFFD0]  }
0x195: {  	v3 =	vld [tilespmem:s17+$0xFFFFFFB0];
	[tilespmem:s10+$0xFFFFFFA0] =	vst v5  }
0x196: {  	v8 =	vadd.f32 v7, v4;
	v4 =	vld [tilespmem:s14+$0xFFFFFFF0];
	s14 =	smov.u32 s13  }
0x197: {  	s17 =	sadd.s32 $0x100, s17;
	v5 =	vld [tilespmem:s12+$0x20];
	v7 =	vadd.f32 v10, v9  }
0x198: {  	_ = 	snop  }
0x199: {  	v2 =	vadd.f32 v6, v2  }
0x19a: {  	[tilespmem:s12+$0x10] =	vst v8  }
0x19b: {  	v60 =	vld [tilespmem:s14+$0x20];
	[tilespmem:s12+$0xFFFFFF90] =	vst v2  }
0x19c: {  	v2 =	vld [tilespmem:s14+$0xFFFFFFE0];
	_ =	sdelay $0x3  }
0x19d: {  	v5 =	vadd.f32 v60, v5  }
0x19e: {  	v1 =	vadd.f32 v2, v1  }
0x19f: {  	v61 =	vld [tilespmem:s12+$0x30];
	[tilespmem:s12+$0x20] =	vst v5  }
0x1a0: {  	v62 =	vld [tilespmem:s14+$0x30];
	[tilespmem:s12+$0xFFFFFFA0] =	vst v1  }
0x1a1: {  	v1 =	vld [tilespmem:s14+$0xFFFFFFF0];
	_ =	sdelay $0x2  }
0x1a2: {  	s8 =	sor.u32 $0x1, s8;
	v0 =	vadd.f32 v4, v0  }
0x1a3: {  	[tilespmem:s10+$0x30] =	vst v7;
	s13 =	smul.u32 $0x640, s8;
	v2 =	vadd.f32 v62, v61  }
0x1a4: {  	[tilespmem:s10+$0xFFFFFFB0] =	vst v0;
	v63 =	vadd.f32 v1, v3  }
0x1a5: {  	s10 =	sadd.s32 s2, s13;
	s13 =	simm.s32 $0x10600;
	[tilespmem:s12+$0x30] =	vst v2  }
0x1a6: {  	s15 =	sadd.s32 $0x0, s10;
	s14 =	simm.s32 $0x10680;
	[tilespmem:s12+$0xFFFFFFB0] =	vst v63;
	s12 =	simm.s32 $0x8  }
.LBB2_21:
0x1a7: {  	[hbm4b:s15+s3] =	stream.linear.scatter [tilespmem:s13], [sflag:$0xD], $0x40, $0x38;
	[tilespmem:$0x16A00] =	vst v63  }
0x1a8: {  	s15 =	smov.u32 s12;
	s13 =	smov.u32 s14;
	p1 =	sne.s32 s12, $0x188  }
.Ltmp11:
0x1a9: {  	s12 =	sadd.s32 $0x8, s12;
	(pc) =	sbr.rel @p1 .LBB2_21-.Ltmp11, $2  }
0x1aa: {  	_ =	sdelay $0x2  }
0x1ab: {  	s14 =	sadd.s32 $0x80, s14;
	s15 =	sadd.s32 s15, s10  }
0x1ac: {  	[hbm4b:s15+s3] =	stream.linear.scatter [tilespmem:s13], [sflag:$0xD], $0x40, $0x38;
	[tilespmem:$0x16A00] =	vst v63  }
0x1ad: {  	s10 =	simm.s32 @!p0 $0xB  }
0x1ae: {  	_ =	swait.ge @!p0 [sflag:s10], $0xC80  }
0x1af: {  	s12 =	simm.s32 @!p0 $0x32;
	[sflag:s10] =	ssyncset.done @!p0 $0x0  }
0x1b0: {  	s13 =	simm.s32 @!p0 $0xD400;
	[sflag:s10] =	ssyncadd.s32 @!p0 $0xFFFFF380;
	s10 =	sadd.s32 @!p0 $0x230, s7  }
0x1b1: {  	[tilespmem:s13], [sflag:$0x3] =	stream.indirect.gather @!p0 [hbm4b:s4+s12], $0x80, s10, s12, $0xb8;
	[tilespmem:$0x16A00] =	vst v63  }
0x1b2: {  	_ =	swait.ge [sflag:s31], $0x1900  }
0x1b3: {  	[sflag:s31] =	ssyncset.done $0x0  }
0x1b4: {  	s10 =	simm.s32 $0x11F80;
	[sflag:s31] =	ssyncadd.s32 $0xFFFFE700  }
0x1b5: {  	s14 =	simm.s32 $0x7CF0;
	v0 =	vld [tilespmem:s10+$0x0]  }
0x1b6: {  	v1 =	vld [tilespmem:s14+$0xFFFFFFD0];
	_ =	sdelay $0x1  }
0x1b7: {  	v2 =	vld [tilespmem:s14+$0xFFFFFF90]  }
0x1b8: {  	v3 =	vld [tilespmem:s10+$0xFFFFFF80];
	_ =	sdelay $0x1  }
0x1b9: {  	v0 =	vadd.f32 v1, v0;
	_ =	sdelay $0x1  }
0x1ba: {  	[tilespmem:s10+$0x0] =	vst v0;
	v0 =	vld [tilespmem:s10+$0x10]  }
0x1bb: {  	v1 =	vadd.f32 v2, v3;
	v2 =	vld [tilespmem:s14+$0xFFFFFFE0]  }
0x1bc: {  	v4 =	vld [tilespmem:s10+$0xFFFFFFA0]  }
0x1bd: {  	v5 =	vld [tilespmem:s10+$0x20]  }
0x1be: {  	v3 =	vld [tilespmem:s10+$0xFFFFFF90];
	[tilespmem:s10+$0xFFFFFF80] =	vst v1  }
0x1bf: {  	s12 =	simm.s32 $0x12080;
	v1 =	vld [tilespmem:s14+$0xFFFFFFA0]  }
0x1c0: {  	s13 =	simm.s32 $0x7D70;
	v6 =	vld [tilespmem:s12+$0x0];
	v0 =	vadd.f32 v2, v0  }
0x1c1: {  	v7 =	vld [tilespmem:s13+$0xFFFFFFD0]  }
0x1c2: {  	v9 =	vld [tilespmem:s13+$0xFFFFFF90];
	[tilespmem:s10+$0x10] =	vst v0  }
0x1c3: {  	v8 =	vld [tilespmem:s14+$0xFFFFFFF0]  }
0x1c4: {  	v1 =	vadd.f32 v1, v3;
	v3 =	vld [tilespmem:s12+$0xFFFFFF80]  }
0x1c5: {  	v2 =	vld [tilespmem:s12+$0xFFFFFF90]  }
0x1c6: {  	v0 =	vld [tilespmem:s10+$0xFFFFFFB0];
	[tilespmem:s10+$0xFFFFFF90] =	vst v1;
	v1 =	vadd.f32 v7, v6  }
0x1c7: {  	v6 =	vld [tilespmem:s14+$0xFFFFFFB0]  }
0x1c8: {  	v7 =	vld [tilespmem:s10+$0x30];
	[tilespmem:s12+$0x0] =	vst v1;
	v5 =	vadd.f32 v8, v5  }
0x1c9: {  	v1 =	vadd.f32 v9, v3;
	v9 =	vld [tilespmem:s13+$0xFFFFFFE0]  }
0x1ca: {  	v8 =	vld [tilespmem:s12+$0x10];
	[tilespmem:s10+$0x20] =	vst v5  }
0x1cb: {  	v10 =	vld [tilespmem:s14+$0x0]  }
0x1cc: {  	v3 =	vld [tilespmem:s12+$0xFFFFFFB0];
	[tilespmem:s12+$0xFFFFFF80] =	vst v1;
	v4 =	vadd.f32 v6, v4  }
0x1cd: {  	v6 =	vld [tilespmem:s13+$0xFFFFFFA0]  }
0x1ce: {  	v1 =	vld [tilespmem:s12+$0xFFFFFFA0];
	[tilespmem:s10+$0xFFFFFFA0] =	vst v4  }
0x1cf: {  	v4 =	vld [tilespmem:s14+$0xFFFFFFC0];
	v8 =	vadd.f32 v9, v8  }
0x1d0: {  	s15 =	simm.s32 $0x2;
	s17 =	simm.s32 $0x12180;
	v5 =	vld [tilespmem:s12+$0x20];
	s14 =	simm.s32 $0x7D70;
	v7 =	vadd.f32 v10, v7  }
.LBB2_23:
0x1d1: {  	v9 =	vld [tilespmem:s17+$0x0];
	[tilespmem:s12+$0x10] =	vst v8;
	s13 =	sadd.s32 $0x80, s13  }
0x1d2: {  	v8 =	vld [tilespmem:s13+$0xFFFFFFD0];
	v2 =	vadd.f32 v6, v2;
	[tilespmem:s10+$0x30] =	vst v7  }
0x1d3: {  	s15 =	sadd.s32 $0x2, s15;
	v6 =	vld [tilespmem:s14+$0xFFFFFFF0]  }
0x1d4: {  	p1 =	slt.u32 s15, $0x30;
	v7 =	vld [tilespmem:s13+$0xFFFFFF90];
	[tilespmem:s12+$0xFFFFFF90] =	vst v2;
	v4 =	vadd.f32 v4, v0;
	v0 =	vmov v3  }
0x1d5: {  	v3 =	vld [tilespmem:s17+$0xFFFFFF80]  }
0x1d6: {  	v2 =	vld [tilespmem:s17+$0xFFFFFF90];
	[tilespmem:s10+$0xFFFFFFB0] =	vst v4;
	s10 =	smov.u32 s12;
	s12 =	smov.u32 s17  }
0x1d7: {  	v4 =	vadd.f32 v8, v9;
	v8 =	vld [tilespmem:s14+$0xFFFFFFB0]  }
0x1d8: {  	v5 =	vadd.f32 v6, v5;
	v9 =	vld [tilespmem:s10+$0x30]  }
0x1d9: {  	[tilespmem:s17+$0x0] =	vst v4;
	v4 =	vld [tilespmem:s17+$0x10]  }
0x1da: {  	v3 =	vadd.f32 v7, v3;
	v7 =	vld [tilespmem:s13+$0xFFFFFFE0];
	[tilespmem:s10+$0x20] =	vst v5  }
0x1db: {  	v10 =	vld [tilespmem:s14+$0x0]  }
.Ltmp12:
0x1dc: {  	[tilespmem:s17+$0xFFFFFF80] =	vst v3;
	v5 =	vadd.f32 v8, v1;
	v1 =	vld [tilespmem:s17+$0xFFFFFFA0];
	(pc) =	sbr.rel @p1 .LBB2_23-.Ltmp12, $4  }
0x1dd: {  	v6 =	vld [tilespmem:s13+$0xFFFFFFA0]  }
0x1de: {  	v3 =	vld [tilespmem:s17+$0xFFFFFFB0];
	[tilespmem:s10+$0xFFFFFFA0] =	vst v5  }
0x1df: {  	v8 =	vadd.f32 v7, v4;
	v4 =	vld [tilespmem:s14+$0xFFFFFFC0];
	s14 =	smov.u32 s13  }
0x1e0: {  	s17 =	sadd.s32 $0x100, s17;
	v5 =	vld [tilespmem:s12+$0x20];
	v7 =	vadd.f32 v10, v9  }
0x1e1: {  	_ = 	snop  }
0x1e2: {  	v2 =	vadd.f32 v6, v2  }
0x1e3: {  	[tilespmem:s12+$0x10] =	vst v8  }
0x1e4: {  	v60 =	vld [tilespmem:s14+$0xFFFFFFF0];
	[tilespmem:s12+$0xFFFFFF90] =	vst v2  }
0x1e5: {  	v2 =	vld [tilespmem:s14+$0xFFFFFFB0];
	_ =	sdelay $0x3  }
0x1e6: {  	v5 =	vadd.f32 v60, v5  }
0x1e7: {  	v1 =	vadd.f32 v2, v1  }
0x1e8: {  	v61 =	vld [tilespmem:s12+$0x30];
	[tilespmem:s12+$0x20] =	vst v5  }
0x1e9: {  	v62 =	vld [tilespmem:s14+$0x0];
	[tilespmem:s12+$0xFFFFFFA0] =	vst v1  }
0x1ea: {  	v1 =	vld [tilespmem:s14+$0xFFFFFFC0];
	_ =	sdelay $0x1  }
0x1eb: {  	s8 =	smul.u32 $0x3200, s8  }
0x1ec: {  	v0 =	vadd.f32 v4, v0  }
0x1ed: {  	[tilespmem:s10+$0x30] =	vst v7;
	s8 =	sshrl.u32 s8, $0x3;
	v2 =	vadd.f32 v62, v61  }
0x1ee: {  	s8 =	sadd.s32 s2, s8;
	[tilespmem:s10+$0xFFFFFFB0] =	vst v0;
	v63 =	vadd.f32 v1, v3  }
0x1ef: {  	s13 =	simm.s32 $0x11F80;
	s8 =	sadd.s32 $0x190, s8;
	[tilespmem:s12+$0x30] =	vst v2  }
0x1f0: {  	s10 =	simm.s32 $0x11F00;
	s14 =	sadd.s32 $0x0, s8;
	[tilespmem:s12+$0xFFFFFFB0] =	vst v63;
	s12 =	simm.s32 $0x8  }
.LBB2_25:
0x1f1: {  	[hbm4b:s14+s3] =	stream.linear.scatter [tilespmem:s10], [sflag:$0xE], $0x40, $0x38;
	[tilespmem:$0x16A00] =	vst v63  }
0x1f2: {  	s14 =	smov.u32 s12;
	s10 =	smov.u32 s13;
	p1 =	sne.s32 s12, $0x188  }
.Ltmp13:
0x1f3: {  	s12 =	sadd.s32 $0x8, s12;
	(pc) =	sbr.rel @p1 .LBB2_25-.Ltmp13, $2  }
0x1f4: {  	_ =	sdelay $0x2  }
0x1f5: {  	s13 =	sadd.s32 $0x80, s13;
	s14 =	sadd.s32 s14, s8  }
0x1f6: {  	[hbm4b:s14+s3] =	stream.linear.scatter [tilespmem:s10], [sflag:$0xE], $0x40, $0x38;
	[tilespmem:$0x16A00] =	vst v63  }
0x1f7: {  	s8 =	simm.s32 @!p0 $0xC  }
0x1f8: {  	_ =	swait.ge @!p0 [sflag:s8], $0xC80  }
0x1f9: {  	s10 =	simm.s32 @!p0 $0x32;
	[sflag:s8] =	ssyncset.done @!p0 $0x0  }
0x1fa: {  	s12 =	simm.s32 @!p0 $0xED00;
	[sflag:s8] =	ssyncadd.s32 @!p0 $0xFFFFF380;
	s8 =	sadd.s32 @!p0 $0x268, s7  }
0x1fb: {  	[tilespmem:s12], [sflag:$0x4] =	stream.indirect.gather @!p0 [hbm4b:s4+s10], $0x80, s8, s10, $0xb8;
	[tilespmem:$0x16A00] =	vst v63  }
0x1fc: {  	_ =	swait.ge [sflag:s1], $0x1900  }
0x1fd: {  	[sflag:s1] =	ssyncset.done $0x0  }
0x1fe: {  	s8 =	simm.s32 $0x13880;
	[sflag:s1] =	ssyncadd.s32 $0xFFFFE700  }
0x1ff: {  	s13 =	simm.s32 $0x8970;
	v0 =	vld [tilespmem:s8+$0x0]  }
0x200: {  	v1 =	vld [tilespmem:s13+$0xFFFFFFD0];
	_ =	sdelay $0x1  }
0x201: {  	v2 =	vld [tilespmem:s13+$0xFFFFFF90]  }
0x202: {  	v3 =	vld [tilespmem:s8+$0xFFFFFF80];
	_ =	sdelay $0x1  }
0x203: {  	v0 =	vadd.f32 v1, v0;
	_ =	sdelay $0x1  }
0x204: {  	[tilespmem:s8+$0x0] =	vst v0;
	v0 =	vld [tilespmem:s8+$0x10]  }
0x205: {  	v1 =	vadd.f32 v2, v3;
	v2 =	vld [tilespmem:s13+$0xFFFFFFE0]  }
0x206: {  	v4 =	vld [tilespmem:s8+$0xFFFFFFA0]  }
0x207: {  	v5 =	vld [tilespmem:s8+$0x20]  }
0x208: {  	v3 =	vld [tilespmem:s8+$0xFFFFFF90];
	[tilespmem:s8+$0xFFFFFF80] =	vst v1  }
0x209: {  	s10 =	simm.s32 $0x13980;
	v1 =	vld [tilespmem:s13+$0xFFFFFFA0]  }
0x20a: {  	s12 =	simm.s32 $0x89F0;
	v6 =	vld [tilespmem:s10+$0x0];
	v0 =	vadd.f32 v2, v0  }
0x20b: {  	v7 =	vld [tilespmem:s12+$0xFFFFFFD0]  }
0x20c: {  	v9 =	vld [tilespmem:s12+$0xFFFFFF90];
	[tilespmem:s8+$0x10] =	vst v0  }
0x20d: {  	v8 =	vld [tilespmem:s13+$0xFFFFFFF0]  }
0x20e: {  	v1 =	vadd.f32 v1, v3;
	v3 =	vld [tilespmem:s10+$0xFFFFFF80]  }
0x20f: {  	v2 =	vld [tilespmem:s10+$0xFFFFFF90]  }
0x210: {  	v0 =	vld [tilespmem:s8+$0xFFFFFFB0];
	[tilespmem:s8+$0xFFFFFF90] =	vst v1;
	v1 =	vadd.f32 v7, v6  }
0x211: {  	v6 =	vld [tilespmem:s13+$0xFFFFFFB0]  }
0x212: {  	v7 =	vld [tilespmem:s8+$0x30];
	[tilespmem:s10+$0x0] =	vst v1;
	v5 =	vadd.f32 v8, v5  }
0x213: {  	v1 =	vadd.f32 v9, v3;
	v9 =	vld [tilespmem:s12+$0xFFFFFFE0]  }
0x214: {  	v8 =	vld [tilespmem:s10+$0x10];
	[tilespmem:s8+$0x20] =	vst v5  }
0x215: {  	v10 =	vld [tilespmem:s13+$0x0]  }
0x216: {  	v3 =	vld [tilespmem:s10+$0xFFFFFFB0];
	[tilespmem:s10+$0xFFFFFF80] =	vst v1;
	v4 =	vadd.f32 v6, v4  }
0x217: {  	v6 =	vld [tilespmem:s12+$0xFFFFFFA0]  }
0x218: {  	v1 =	vld [tilespmem:s10+$0xFFFFFFA0];
	[tilespmem:s8+$0xFFFFFFA0] =	vst v4  }
0x219: {  	v4 =	vld [tilespmem:s13+$0xFFFFFFC0];
	v8 =	vadd.f32 v9, v8  }
0x21a: {  	s14 =	simm.s32 $0x2;
	s15 =	simm.s32 $0x13A80;
	v5 =	vld [tilespmem:s10+$0x20];
	s13 =	simm.s32 $0x89F0;
	v7 =	vadd.f32 v10, v7  }
.LBB2_27:
0x21b: {  	v9 =	vld [tilespmem:s15+$0x0];
	[tilespmem:s10+$0x10] =	vst v8;
	s12 =	sadd.s32 $0x80, s12  }
0x21c: {  	v8 =	vld [tilespmem:s12+$0xFFFFFFD0];
	v2 =	vadd.f32 v6, v2;
	[tilespmem:s8+$0x30] =	vst v7  }
0x21d: {  	s14 =	sadd.s32 $0x2, s14;
	v6 =	vld [tilespmem:s13+$0xFFFFFFF0]  }
0x21e: {  	p1 =	slt.u32 s14, $0x30;
	v7 =	vld [tilespmem:s12+$0xFFFFFF90];
	[tilespmem:s10+$0xFFFFFF90] =	vst v2;
	v4 =	vadd.f32 v4, v0;
	v0 =	vmov v3  }
0x21f: {  	v3 =	vld [tilespmem:s15+$0xFFFFFF80]  }
0x220: {  	v2 =	vld [tilespmem:s15+$0xFFFFFF90];
	[tilespmem:s8+$0xFFFFFFB0] =	vst v4;
	s8 =	smov.u32 s10;
	s10 =	smov.u32 s15  }
0x221: {  	v4 =	vadd.f32 v8, v9;
	v8 =	vld [tilespmem:s13+$0xFFFFFFB0]  }
0x222: {  	v5 =	vadd.f32 v6, v5;
	v9 =	vld [tilespmem:s8+$0x30]  }
0x223: {  	[tilespmem:s15+$0x0] =	vst v4;
	v4 =	vld [tilespmem:s15+$0x10]  }
0x224: {  	v3 =	vadd.f32 v7, v3;
	v7 =	vld [tilespmem:s12+$0xFFFFFFE0];
	[tilespmem:s8+$0x20] =	vst v5  }
0x225: {  	v10 =	vld [tilespmem:s13+$0x0]  }
.Ltmp14:
0x226: {  	[tilespmem:s15+$0xFFFFFF80] =	vst v3;
	v5 =	vadd.f32 v8, v1;
	v1 =	vld [tilespmem:s15+$0xFFFFFFA0];
	(pc) =	sbr.rel @p1 .LBB2_27-.Ltmp14, $4  }
0x227: {  	v6 =	vld [tilespmem:s12+$0xFFFFFFA0]  }
0x228: {  	v3 =	vld [tilespmem:s15+$0xFFFFFFB0];
	[tilespmem:s8+$0xFFFFFFA0] =	vst v5  }
0x229: {  	v8 =	vadd.f32 v7, v4;
	v4 =	vld [tilespmem:s13+$0xFFFFFFC0];
	s13 =	smov.u32 s12  }
0x22a: {  	s15 =	sadd.s32 $0x100, s15;
	v5 =	vld [tilespmem:s10+$0x20];
	v7 =	vadd.f32 v10, v9  }
0x22b: {  	_ = 	snop  }
0x22c: {  	v2 =	vadd.f32 v6, v2  }
0x22d: {  	[tilespmem:s10+$0x10] =	vst v8  }
0x22e: {  	v60 =	vld [tilespmem:s13+$0xFFFFFFF0];
	[tilespmem:s10+$0xFFFFFF90] =	vst v2  }
0x22f: {  	v2 =	vld [tilespmem:s13+$0xFFFFFFB0];
	_ =	sdelay $0x3  }
0x230: {  	v5 =	vadd.f32 v60, v5  }
0x231: {  	v1 =	vadd.f32 v2, v1  }
0x232: {  	v61 =	vld [tilespmem:s10+$0x30];
	[tilespmem:s10+$0x20] =	vst v5  }
0x233: {  	v62 =	vld [tilespmem:s13+$0x0];
	[tilespmem:s10+$0xFFFFFFA0] =	vst v1  }
0x234: {  	s5 =	sshrl.u32 s5, $0x2;
	v1 =	vld [tilespmem:s13+$0xFFFFFFC0]  }
0x235: {  	s5 =	sadd.s32 s6, s5  }
0x236: {  	s5 =	smul.u32 $0x3200, s5  }
0x237: {  	v0 =	vadd.f32 v4, v0  }
0x238: {  	[tilespmem:s8+$0x30] =	vst v7;
	s5 =	sshrl.u32 s5, $0x3;
	v2 =	vadd.f32 v62, v61  }
0x239: {  	[tilespmem:s8+$0xFFFFFFB0] =	vst v0;
	s5 =	sadd.s32 s2, s5;
	v63 =	vadd.f32 v1, v3  }
0x23a: {  	s12 =	simm.s32 $0x13880;
	s5 =	sadd.s32 $0x320, s5;
	[tilespmem:s10+$0x30] =	vst v2  }
0x23b: {  	s8 =	simm.s32 $0x13800;
	s13 =	sadd.s32 $0x0, s5;
	[tilespmem:s10+$0xFFFFFFB0] =	vst v63;
	s10 =	simm.s32 $0x8  }
.LBB2_29:
0x23c: {  	[hbm4b:s13+s3] =	stream.linear.scatter [tilespmem:s8], [sflag:$0xF], $0x40, $0x38;
	[tilespmem:$0x16A00] =	vst v63  }
0x23d: {  	s13 =	smov.u32 s10;
	s8 =	smov.u32 s12;
	p1 =	sne.s32 s10, $0x188  }
.Ltmp15:
0x23e: {  	s10 =	sadd.s32 $0x8, s10;
	(pc) =	sbr.rel @p1 .LBB2_29-.Ltmp15, $2  }
0x23f: {  	_ =	sdelay $0x2  }
0x240: {  	s12 =	sadd.s32 $0x80, s12;
	s13 =	sadd.s32 s13, s5  }
0x241: {  	[hbm4b:s13+s3] =	stream.linear.scatter [tilespmem:s8], [sflag:$0xF], $0x40, $0x38;
	[tilespmem:$0x16A00] =	vst v63  }
0x242: {  	s5 =	simm.s32 @!p0 $0xD  }
0x243: {  	_ =	swait.ge @!p0 [sflag:s5], $0xC80  }
0x244: {  	s8 =	simm.s32 @!p0 $0x10600;
	[sflag:s5] =	ssyncset.done @!p0 $0x0  }
0x245: {  	[sflag:s5] =	ssyncadd.s32 @!p0 $0xFFFFF380;
	s5 =	sadd.s32 @!p0 $0x2A0, s7;
	s7 =	simm.s32 @!p0 $0x32  }
0x246: {  	[tilespmem:s8], [sflag:$0x5] =	stream.indirect.gather @!p0 [hbm4b:s4+s7], $0x80, s5, s7, $0xb8;
	[tilespmem:$0x16A00] =	vst v63  }
0x247: {  	_ =	swait.ge [sflag:s0], $0x1900  }
0x248: {  	[sflag:s0] =	ssyncset.done $0x0  }
0x249: {  	s5 =	simm.s32 $0x15180;
	[sflag:s0] =	ssyncadd.s32 $0xFFFFE700  }
0x24a: {  	s10 =	simm.s32 $0x95F0;
	v0 =	vld [tilespmem:s5+$0x0]  }
0x24b: {  	v1 =	vld [tilespmem:s10+$0xFFFFFFD0];
	_ =	sdelay $0x1  }
0x24c: {  	v2 =	vld [tilespmem:s10+$0xFFFFFF90]  }
0x24d: {  	v3 =	vld [tilespmem:s5+$0xFFFFFF80];
	_ =	sdelay $0x1  }
0x24e: {  	v0 =	vadd.f32 v1, v0;
	_ =	sdelay $0x1  }
0x24f: {  	[tilespmem:s5+$0x0] =	vst v0;
	v0 =	vld [tilespmem:s5+$0x10]  }
0x250: {  	v1 =	vadd.f32 v2, v3;
	v2 =	vld [tilespmem:s10+$0xFFFFFFE0]  }
0x251: {  	v4 =	vld [tilespmem:s5+$0xFFFFFFA0]  }
0x252: {  	v5 =	vld [tilespmem:s5+$0x20]  }
0x253: {  	v3 =	vld [tilespmem:s5+$0xFFFFFF90];
	[tilespmem:s5+$0xFFFFFF80] =	vst v1  }
0x254: {  	s7 =	simm.s32 $0x15280;
	v1 =	vld [tilespmem:s10+$0xFFFFFFA0]  }
0x255: {  	s8 =	simm.s32 $0x9670;
	v6 =	vld [tilespmem:s7+$0x0];
	v0 =	vadd.f32 v2, v0  }
0x256: {  	v7 =	vld [tilespmem:s8+$0xFFFFFFD0]  }
0x257: {  	v9 =	vld [tilespmem:s8+$0xFFFFFF90];
	[tilespmem:s5+$0x10] =	vst v0  }
0x258: {  	v8 =	vld [tilespmem:s10+$0xFFFFFFF0]  }
0x259: {  	v1 =	vadd.f32 v1, v3;
	v3 =	vld [tilespmem:s7+$0xFFFFFF80]  }
0x25a: {  	v2 =	vld [tilespmem:s7+$0xFFFFFF90]  }
0x25b: {  	v0 =	vld [tilespmem:s5+$0xFFFFFFB0];
	[tilespmem:s5+$0xFFFFFF90] =	vst v1;
	v1 =	vadd.f32 v7, v6  }
0x25c: {  	v6 =	vld [tilespmem:s10+$0xFFFFFFB0]  }
0x25d: {  	v7 =	vld [tilespmem:s5+$0x30];
	[tilespmem:s7+$0x0] =	vst v1;
	v5 =	vadd.f32 v8, v5  }
0x25e: {  	v1 =	vadd.f32 v9, v3;
	v9 =	vld [tilespmem:s8+$0xFFFFFFE0]  }
0x25f: {  	v8 =	vld [tilespmem:s7+$0x10];
	[tilespmem:s5+$0x20] =	vst v5  }
0x260: {  	v10 =	vld [tilespmem:s10+$0x0]  }
0x261: {  	v3 =	vld [tilespmem:s7+$0xFFFFFFB0];
	[tilespmem:s7+$0xFFFFFF80] =	vst v1;
	v4 =	vadd.f32 v6, v4  }
0x262: {  	v6 =	vld [tilespmem:s8+$0xFFFFFFA0]  }
0x263: {  	v1 =	vld [tilespmem:s7+$0xFFFFFFA0];
	[tilespmem:s5+$0xFFFFFFA0] =	vst v4  }
0x264: {  	v4 =	vld [tilespmem:s10+$0xFFFFFFC0];
	v8 =	vadd.f32 v9, v8  }
0x265: {  	s12 =	simm.s32 $0x2;
	s13 =	simm.s32 $0x15380;
	v5 =	vld [tilespmem:s7+$0x20];
	s10 =	simm.s32 $0x9670;
	v7 =	vadd.f32 v10, v7  }
.LBB2_31:
0x266: {  	v9 =	vld [tilespmem:s13+$0x0];
	[tilespmem:s7+$0x10] =	vst v8;
	s8 =	sadd.s32 $0x80, s8  }
0x267: {  	v8 =	vld [tilespmem:s8+$0xFFFFFFD0];
	v2 =	vadd.f32 v6, v2;
	[tilespmem:s5+$0x30] =	vst v7  }
0x268: {  	s12 =	sadd.s32 $0x2, s12;
	v6 =	vld [tilespmem:s10+$0xFFFFFFF0]  }
0x269: {  	p1 =	slt.u32 s12, $0x30;
	v7 =	vld [tilespmem:s8+$0xFFFFFF90];
	[tilespmem:s7+$0xFFFFFF90] =	vst v2;
	v4 =	vadd.f32 v4, v0;
	v0 =	vmov v3  }
0x26a: {  	v3 =	vld [tilespmem:s13+$0xFFFFFF80]  }
0x26b: {  	v2 =	vld [tilespmem:s13+$0xFFFFFF90];
	[tilespmem:s5+$0xFFFFFFB0] =	vst v4;
	s5 =	smov.u32 s7;
	s7 =	smov.u32 s13  }
0x26c: {  	v4 =	vadd.f32 v8, v9;
	v8 =	vld [tilespmem:s10+$0xFFFFFFB0]  }
0x26d: {  	v5 =	vadd.f32 v6, v5;
	v9 =	vld [tilespmem:s5+$0x30]  }
0x26e: {  	[tilespmem:s13+$0x0] =	vst v4;
	v4 =	vld [tilespmem:s13+$0x10]  }
0x26f: {  	v3 =	vadd.f32 v7, v3;
	v7 =	vld [tilespmem:s8+$0xFFFFFFE0];
	[tilespmem:s5+$0x20] =	vst v5  }
0x270: {  	v10 =	vld [tilespmem:s10+$0x0]  }
.Ltmp16:
0x271: {  	[tilespmem:s13+$0xFFFFFF80] =	vst v3;
	v5 =	vadd.f32 v8, v1;
	v1 =	vld [tilespmem:s13+$0xFFFFFFA0];
	(pc) =	sbr.rel @p1 .LBB2_31-.Ltmp16, $4  }
0x272: {  	v6 =	vld [tilespmem:s8+$0xFFFFFFA0]  }
0x273: {  	v3 =	vld [tilespmem:s13+$0xFFFFFFB0];
	[tilespmem:s5+$0xFFFFFFA0] =	vst v5  }
0x274: {  	v8 =	vadd.f32 v7, v4;
	v4 =	vld [tilespmem:s10+$0xFFFFFFC0];
	s10 =	smov.u32 s8  }
0x275: {  	s13 =	sadd.s32 $0x100, s13;
	v5 =	vld [tilespmem:s7+$0x20];
	v7 =	vadd.f32 v10, v9  }
0x276: {  	_ = 	snop  }
0x277: {  	v2 =	vadd.f32 v6, v2  }
0x278: {  	[tilespmem:s7+$0x10] =	vst v8  }
0x279: {  	v60 =	vld [tilespmem:s10+$0xFFFFFFF0];
	[tilespmem:s7+$0xFFFFFF90] =	vst v2  }
0x27a: {  	v2 =	vld [tilespmem:s10+$0xFFFFFFB0];
	_ =	sdelay $0x3  }
0x27b: {  	v5 =	vadd.f32 v60, v5  }
0x27c: {  	v1 =	vadd.f32 v2, v1  }
0x27d: {  	v61 =	vld [tilespmem:s7+$0x30];
	[tilespmem:s7+$0x20] =	vst v5  }
0x27e: {  	v62 =	vld [tilespmem:s10+$0x0];
	[tilespmem:s7+$0xFFFFFFA0] =	vst v1  }
0x27f: {  	s8 =	sshrl.u32 s21, $0x2;
	v1 =	vld [tilespmem:s10+$0xFFFFFFC0]  }
0x280: {  	s8 =	sadd.s32 s6, s8  }
0x281: {  	s8 =	smul.u32 $0x3200, s8  }
0x282: {  	v0 =	vadd.f32 v4, v0  }
0x283: {  	[tilespmem:s5+$0x30] =	vst v7;
	s8 =	sshrl.u32 s8, $0x3;
	v2 =	vadd.f32 v62, v61  }
0x284: {  	[tilespmem:s5+$0xFFFFFFB0] =	vst v0;
	s21 =	sadd.s32 s2, s8;
	v63 =	vadd.f32 v1, v3  }
0x285: {  	s8 =	simm.s32 $0x15100;
	s5 =	sadd.s32 $0x4B0, s21;
	[tilespmem:s7+$0x30] =	vst v2  }
0x286: {  	s12 =	sadd.s32 $0x0, s5;
	s10 =	simm.s32 $0x15180;
	[tilespmem:s7+$0xFFFFFFB0] =	vst v63;
	s7 =	simm.s32 $0x8  }
.LBB2_33:
0x287: {  	[hbm4b:s12+s3] =	stream.linear.scatter [tilespmem:s8], [sflag:$0x10], $0x40, $0x38;
	[tilespmem:$0x16A00] =	vst v63  }
0x288: {  	s12 =	smov.u32 s7;
	s8 =	smov.u32 s10;
	p1 =	sne.s32 s7, $0x188  }
.Ltmp17:
0x289: {  	s7 =	sadd.s32 $0x8, s7;
	(pc) =	sbr.rel @p1 .LBB2_33-.Ltmp17, $2  }
0x28a: {  	_ =	sdelay $0x2  }
0x28b: {  	s10 =	sadd.s32 $0x80, s10;
	s12 =	sadd.s32 s12, s5  }
.Ltmp18:
0x28c: {  	(pc) =	sbr.rel @p0 .LBB2_36-.Ltmp18, $2  }
0x28d: {  	_ =	sdelay $0x2  }
0x28e: {  	[hbm4b:s12+s3] =	stream.linear.scatter [tilespmem:s8], [sflag:$0x10], $0x40, $0x38;
	[tilespmem:$0x16A00] =	vst v63  }
0x28f: {  	s5 =	smul.u32 $0x700, s20  }
.Ltmp19:
0x290: {  	_ = 	snop;
	(pc) =	sbr.rel .LBB2_2-.Ltmp19, $4  }
0x291: {  	_ =	swait.ge [sflag:s16], $0xC80  }
0x292: {  	[sflag:s16] =	ssyncset.done $0x0;
	s5 =	sshra.s32 s5, $0x2  }
0x293: {  	s20 =	sadd.s32 $0x1, s20;
	[sflag:s16] =	ssyncadd.s32 $0xFFFFF380;
	s5 =	sadd.s32 $0x2D8, s5  }
0x294: {  	[tilespmem:s22], [sflag:$0x6] =	stream.indirect.gather [hbm4b:s4+s11], $0x80, s5, s11, $0xb8;
	[tilespmem:$0x16A00] =	vst v63  }
.LBB2_37:
0x295: {  	_ =	sfence.sel $0x180000  }
0x296: {  	[bflag:$0x0] =	sbarrier.arrive $0xFFFF  }
0x297: {  	_ =	strace $0x90000047  }
0x298: {  	s0 =	stileid.u32;
	[bflag:$0x2] =	sbarrier.arrive $0xFFFF  }
0x299: {  	p0 =	sne.s32 s0, $0x0;
	s0 =	rddreg [dreg:$0x2]  }
0x29a: {  	s0 =	sadd.s32 @!p0 $0x100000, s0  }
0x29b: {  	[sflag:s0] =	ssyncadd.tile.s32 @!p0 $0x1;
	_ =	shalt  }
.Lfunc_end2:
_tile_overlayer_lowered:
.L_overlay_start_2:
0x29c: {  	(tag) =	ssettag $0x2  }
0x29d: {  	s0 =	rddreg [dreg:$0x0];
	s2 =	stileid.u32  }
0x29e: {  	s1 =	rddreg [dreg:$0x1];
	p0 =	sne.s32 s2, $0x0  }
0x29f: {  	s3 =	rddreg [dreg:$0x2];
	[bflag:$0x3] =	sbarrier.arrive $0xFFFF;
	s2 =	simm.s32 @!p0 $0x1C11  }
0x2a0: {  	[timem:s3], [sflag:s2] =	dma.local @!p0 [hbm:s0], s1  }
0x2a1: {  	s0 =	simm.s32 @!p0 $0x11  }
0x2a2: {  	_ =	swait.ge @!p0 [sflag:s0], s1  }
0x2a3: {  	s1 =	ssub.s32 @!p0 $0x0, s1;
	[sflag:s0] =	ssyncset.done @!p0 $0x0  }
0x2a4: {  	[sflag:s0] =	ssyncadd.s32 @!p0 s1  }
0x2a5: {  	[bflag:$0x3] =	sbarrier.arrive $0xFFFF  }
0x2a6: {  	_ =	shalt  }

// kernel: sparse-core-data-format-call.cloned.1.call-start
scs
called_computation_lowered:
.L_overlay_start_0:
0x0: {  	s2 =	sld [smem:$0x3FD9]  }
0x1: {  	s3 =	sld [smem:$0x3FFE];
	_ =	sdelay $0x1  }
0x2: {  	s1 =	srdreg.scid  }
0x3: {  	s0 =	sand.u32 $0x1, s1  }
0x4: {  	s18 =	sshll.u32 s0, $0xA;
	s2 =	sadd.s32 s3, s2  }
0x5: {  	s2 =	sadd.s32 s2, s18  }
0x6: {  	[smem:$0x3FC5] =	sst s2  }
0x7: {  	_ = 	snop  }
0x8: {  	s2 =	sld [smem:$0x3FD0];
	(tm) =	ssettm $0x1  }
0x9: {  	s19 =	sld [smem:$0x3FFB];
	_ =	sdelay $0x3  }
0xa: {  	_ =	strace s19  }
0xb: {  	s3 =	sld [smem:$0x3FFC];
	_ =	sdelay $0x3  }
0xc: {  	_ =	strace s3  }
0xd: {  	s3 =	sld [smem:$0x3FFD];
	_ =	sdelay $0x3  }
0xe: {  	_ =	strace s3  }
0xf: {  	_ =	strace $0x8FFFFFFF  }
0x10: {  	s20 =	sld [smem:$0x3FDB];
	_ =	sdelay $0x1  }
0x11: {  	s4 =	simm.s32 $_scs_section_size  }
0x12: {  	s5 =	simm.s32 $_size__tile_overlayer_lowered;
	s6 =	simm.s32 $_tile_overlayer_lowered  }
0x13: {  	s23 =	simm.s32 $0x1BFF;
	s22 =	sshll.u32 s6, $0x1;
	s3 =	sadd.s32 s4, s20  }
0x14: {  	s7 =	simm.s32 $0x0;
	s21 =	sshll.u32 s5, $0x1;
	s5 =	sadd.s32 s22, s3  }
0x15: {  	[timem:s7], [sflag:s23] =	dma.local [hbm:s5], s21  }
0x16: {  	_ =	swait.ge [sflag:s23], s21  }
0x17: {  	s4 =	ssub.s32 $0x0, s21;
	[sflag:s23] =	ssyncset.done $0x0  }
0x18: {  	[sflag:s23] =	ssyncadd.s32 s4;
	_ =	sdelay $0x1  }
0x19: {  	s24 =	simm.s32 $0x1B8B  }
0x1a: {  	_ =	swait.ge [sflag:s24], $0x1  }
0x1b: {  	[sflag:s24] =	ssyncset.done $0x0  }
0x1c: {  	s26 =	simm.s32 $0x1B8E;
	s25 =	sld [smem:$0x3FFE];
	[sflag:s24] =	ssyncadd.s32 $0xFFFFFFFF  }
0x1d: {  	s27 =	simm.s32 $execute0_lowered;
	[smem:$0x3FD2] =	sst s26  }
0x1e: {  	s5 =	sshll.u32 s27, $0x1;
	_ =	strace $0x80000049;
	[dreg:$0x1] =	wrdreg $0xFFFFFFFF  }
0x1f: {  	s28 =	simm.s32 $_size_execute0_lowered;
	s3 =	sadd.s32 s3, s5;
	[dreg:$0x0] =	wrdreg $0x0  }
0x20: {  	s5 =	sshll.u32 s28, $0x1;
	[dreg:$0x2] =	wrdreg s3  }
0x21: {  	[dreg:$0x3] =	wrdreg s5  }
0x22: {  	[dreg:$0x4] =	wrdreg $0xC0  }
0x23: {  	_ =	task [dreg:s7], $0x5FFFF  }
0x24: {  	[dreg:$0x1] =	wrdreg $0xFFFFFFFF  }
0x25: {  	[dreg:$0x0] =	wrdreg $0x60  }
0x26: {  	[dreg:$0x2] =	wrdreg s25  }
0x27: {  	[dreg:$0x3] =	wrdreg s2  }
0x28: {  	[dreg:$0x4] =	wrdreg $0x9  }
0x29: {  	_ =	task.clear_ibuf [dreg:s7], $0x5FFFF;
	_ =	strace $0x90000049  }
0x2a: {  	s29 =	simm.s32 $0x9;
	_ =	strace $0x8000004B  }
0x2b: {  	_ =	swait.ge [sflag:s29], $0x1  }
0x2c: {  	[sflag:s29] =	ssyncadd.s32 $0xFFFFFFFF  }
0x2d: {  	_ =	strace $0x9000004B  }
0x2e: {  	_ =	sfence  }
0x2f: {  	s30 =	sld [smem:$0x0];
	_ =	sdelay $0x2  }
0x30: {  	s31 =	sshll.u32 s1, $0xD;
	s1 =	sshrl.u32 s1, $0x2  }
0x31: {  	s3 =	sand.u32 $0x4000, s31;
	s1 =	sadd.s32 s1, s30  }
0x32: {  	s0 =	sor.u32 s3, s0;
	s1 =	sshll.u32 s1, $0x11  }
0x33: {  	s0 =	sor.u32 s1, s0  }
0x34: {  	s0 =	sadd.s32 $0x8F2B, s0  }
0x35: {  	[sflag:s0] =	ssyncadd.remote.s32 $0x1  }
0x36: {  	_ =	sfence.sel $0xFFFF  }
0x37: {  	[dreg:$0x0] =	wrdreg $0xFFFFFFFF;
	(pc) =	sbr.abs _section_cstart, $3  }
0x38: {  	[dreg:$0x1] =	wrdreg $0xFFFFFFFF  }
0x39: {  	_ =	task.clear_ibuf [dreg:s7], $0x2FFFF;
	_ =	strace $0x9FFFFFFF  }
0x3a: {  	(tm) =	ssettm $0x7FFFFFFF  }
0x3b: {  	_ =	shalt  }
tec
execute0_lowered:
.L_overlay_start_1:
0x0: {  	(tag) =	ssettag $0x1  }
0x1: {  	s0 =	srdreg.scid  }
0x2: {  	s1 =	sshll.u32 s0, $0x4  }
0x3: {  	s0 =	stileid.u32;
	s1 =	sand.u32 $0x10, s1  }
0x4: {  	s1 =	sor.u32 s0, s1  }
0x5: {  	s6 =	rddreg [dreg:$0x0];
	s4 =	simm.s32 $0x1;
	s2 =	sshll.u32 s1, $0x7  }
0x6: {  	s7 =	simm.s32 $0x2;
	s12 =	simm.s32 $0x0;
	s1 =	ssub.s32 $0x1000, s2  }
0x7: {  	s8 =	simm.s32 $0x8000;
	s13 =	simm.s32 $0x0;
	s3 =	sand.u32 $0xF80, s1  }
0x8: {  	s9 =	simm.s32 $0x0;
	s5 =	sshrl.u32 s1, $0xC;
	p0 =	sne.s32 s3, $0x0  }
.Ltmp0:
0x9: {  	s1 =	rddreg [dreg:$0x2];
	s4 =	simm.s32 @!p0 $0x0;
	(pc) =	sbr.rel .LBB1_1-.Ltmp0, $4  }
0xa: {  	s11 =	simm.s32 $0x0;
	s3 =	rddreg [dreg:$0x1];
	s5 =	sadd.s32 s4, s5  }
0xb: {  	_ =	strace $0x8000004A;
	s4 =	simm.s32 $0x1;
	s5 =	smul.u32 $0xC8, s5  }
0xc: {  	s6 =	sadd.s32 $0x800, s6;
	s10 =	smov.u32 s2;
	[sflag:s4] =	ssyncpa.u1 $0x0  }
0xd: {  	p0 =	por $0x0, $0x0;
	[sflag:s7] =	ssyncpa.u1 $0x0;
	s7 =	sor.u32 $0x1, s5  }
.LBB1_4:
0xe: {  	s16 =	sshll.u32 s13, $0x3;
	s17 =	sand.u32 $0x78, s13  }
0xf: {  	s30 =	sand.u32 $0x7E00, s13;
	s12 =	sshll.u32 s12, $0xF;
	s16 =	sand.u32 $0xC00, s16  }
0x10: {  	[tilespmem:s15+$0x810 ss:$0x81] =	vst.msk $0xffff, v2;
	s31 =	sand.u32 $0x7, s13;
	s16 =	sor.u32 s17, s16;
	s17 =	sadd.s32 s3, s30  }
0x11: {  	[tilespmem:s15+$0x1020 ss:$0x81] =	vst.msk $0xffff, v0;
	s13 =	sshll.u32 s31, $0x12;
	s12 =	sadd.s32 s12, s17;
	s16 =	sshrl.u32 s16, $0x3  }
0x12: {  	[tilespmem:s15+$0x0 ss:$0x81] =	vst.msk $0xffff, v1;
	s13 =	sor.u32 $0x400, s13;
	s12 =	sadd.s32 s16, s12  }
0x13: {  	[hbm4b:s12+s13] =	stream.strided.scatter [tilespmem:s14], [sflag:$0x2], $0x2000, s8, s13, $0x20;
	[tilespmem:$0x8080] =	vst v63  }
.LBB1_5:
0x14: {  	s14 =	sadd.s32 $0x1, s9  }
0x15: {  	s12 =	sadd.s32 $0x1000, s10;
	s16 =	smov.u32 s10;
	p2 =	sgt.s32 s14, $0xC7  }
0x16: {  	s16 =	smov.u32 @p2 s12  }
0x17: {  	s14 =	simm.s32 @p2 $0x0;
	p2 =	sgt.s32 s16, $0xFFF  }
0x18: {  	s16 =	smov.u32 @p2 s2;
	p2 =	sne.s32 s11, s7  }
.Ltmp1:
0x19: {  	p1 =	slt.u32 s11, $0x2;
	(pc) =	sbr.rel @!p2 .LBB1_6-.Ltmp1, $4  }
0x1a: {  	s15 =	simm.s32 @!p1 $0x2  }
0x1b: {  	s13 =	smov.u32 s10;
	p0 =	por !p0, !p0;
	_ =	swait.ge @!p1 [sflag:s15], $0x2000  }
0x1c: {  	s12 =	smov.u32 s9;
	[sflag:s15] =	ssyncset.done @!p1 $0x0;
	s9 =	smov.u32 s14  }
0x1d: {  	s11 =	sadd.s32 $0x1, s11;
	[sflag:s15] =	ssyncadd.s32 @!p1 $0xFFFFE000;
	s10 =	smov.u32 s16  }
.LBB1_1:
0x1e: {  	p1 =	sge.u32 s11, s5  }
0x1f: {  	s14 =	sand.u32 @!p1 $0x1FFFFFF, s9  }
0x20: {  	s15 =	smulhi.u32 @!p1 $0x147AE15, s14;
	_ =	sdelay $0x1  }
0x21: {  	s15 =	smul.u32 @!p1 $0xC8, s15  }
0x22: {  	s16 =	sxor.u32 @!p1 $0xFFFFFFFF, s11;
	s17 =	smul.u32 @!p1 $0xC80, s10  }
0x23: {  	s31 =	sadd.s32 $0xFFFFFFFF, s11;
	s16 =	sshll.u32 @!p1 s16, $0xD;
	s14 =	ssub.s32 @!p1 s14, s15  }
0x24: {  	s15 =	sand.u32 @!p1 $0x2000, s16;
	s16 =	sadd.s32 @!p1 s6, s17;
	s14 =	sshll.u32 @!p1 s14, $0x4  }
0x25: {  	s17 =	simm.s32 @!p1 $0x6400;
	s14 =	sadd.s32 @!p1 s14, s16;
	s16 =	simm.s32 @!p1 $0x40  }
0x26: {  	[tilespmem:s15], [sflag:$0x1] =	stream.strided.gather @!p1 [hbm4b:s14+s16], $0x2000, s17, s16, $0x38;
	[tilespmem:$0x8080] =	vst v63  }
0x27: {  	p1 =	sge.u32 s31, s5  }
.Ltmp2:
0x28: {  	_ = 	snop;
	(pc) =	sbr.rel @p1 .LBB1_5-.Ltmp2, $1  }
0x29: {  	_ =	sdelay $0x3  }
0x2a: {  	s14 =	simm.s32 $0x1  }
0x2b: {  	_ =	swait.ge [sflag:s4], $0x2000;
	s14 =	simm.s32 @!p0 $0x0  }
0x2c: {  	[sflag:s4] =	ssyncset.done $0x0;
	s15 =	sshll.u32 s14, $0xD  }
0x2d: {  	[sflag:s4] =	ssyncadd.s32 $0xFFFFE000;
	s18 =	sor.u32 $0x20, s15  }
0x2e: {  	s14 =	smul.u32 $0x8100, s14;
	v3 =	vld [tilespmem:s18+$0x10]  }
0x2f: {  	s30 =	sand.u32 $0x1, s11;
	v2 =	vld [tilespmem:s18+$0xFFFFFFF0]  }
0x30: {  	s15 =	smul.u32 $0x8100, s30;
	s14 =	sshrl.u32 s14, $0x2;
	v0 =	vld [tilespmem:s18+$0x0]  }
0x31: {  	v1 =	vld [tilespmem:s18+$0xFFFFFFE0];
	s16 =	sor.u32 $0x4000, s14  }
0x32: {  	s31 =	sshrl.u32 s15, $0x2;
	s15 =	sadd.s32 $0x0, s16  }
0x33: {  	s17 =	simm.s32 $0x4;
	s18 =	sadd.s32 $0x40, s18;
	s14 =	sor.u32 $0x4000, s31;
	[tilespmem:s15+$0x1830 ss:$0x81] =	vst.msk $0xffff, v3  }
.LBB1_3:
0x34: {  	v3 =	vld [tilespmem:s18+$0x10];
	p1 =	sne.s32 s17, $0x1FC;
	[tilespmem:s15+$0x810 ss:$0x81] =	vst.msk $0xffff, v2;
	s19 =	smov.u32 s17;
	s17 =	sadd.s32 $0x4, s17  }
.Ltmp3:
0x35: {  	v2 =	vld [tilespmem:s18+$0xFFFFFFF0];
	[tilespmem:s15+$0x1020 ss:$0x81] =	vst.msk $0xffff, v0;
	(pc) =	sbr.rel @p1 .LBB1_3-.Ltmp3, $4  }
0x36: {  	v0 =	vld [tilespmem:s18+$0x0];
	[tilespmem:s15+$0x0 ss:$0x81] =	vst.msk $0xffff, v1  }
0x37: {  	s15 =	sshra.s32 s19, $0x2;
	v1 =	vld [tilespmem:s18+$0xFFFFFFE0]  }
0x38: {  	s15 =	sadd.s32 s15, s16  }
0x39: {  	s18 =	sadd.s32 $0x40, s18;
	[tilespmem:s15+$0x1830 ss:$0x81] =	vst.msk $0xffff, v3  }
.Ltmp4:
0x3a: {  	_ = 	snop;
	(pc) =	sbr.rel .LBB1_4-.Ltmp4, $1  }
0x3b: {  	_ =	sdelay $0x3  }
.LBB1_6:
0x3c: {  	_ =	sfence.sel $0x180000  }
0x3d: {  	s2 =	simm.s32 $0x1;
	[bflag:$0x0] =	sbarrier.arrive $0xFFFF  }
0x3e: {  	s31 =	simm.s32 $0x2;
	[sflag:s2] =	ssyncpa.u1 $0x1  }
0x3f: {  	[sflag:s31] =	ssyncpa.u1 $0x1  }
0x40: {  	p0 =	sne.s32 s0, $0x0;
	_ =	strace $0x9000004A  }
0x41: {  	s0 =	sadd.s32 @!p0 $0x100000, s1;
	[bflag:$0x2] =	sbarrier.arrive $0xFFFF  }
0x42: {  	[sflag:s0] =	ssyncadd.tile.s32 @!p0 $0x1;
	_ =	shalt  }
.Lfunc_end1:
_tile_overlayer_lowered:
.L_overlay_start_2:
0x43: {  	(tag) =	ssettag $0x2  }
0x44: {  	s0 =	rddreg [dreg:$0x0];
	s2 =	stileid.u32  }
0x45: {  	s1 =	rddreg [dreg:$0x1];
	p0 =	sne.s32 s2, $0x0  }
0x46: {  	s3 =	rddreg [dreg:$0x2];
	[bflag:$0x3] =	sbarrier.arrive $0xFFFF;
	s2 =	simm.s32 @!p0 $0x1C01  }
0x47: {  	[timem:s3], [sflag:s2] =	dma.local @!p0 [hbm:s0], s1  }
0x48: {  	s0 =	simm.s32 @!p0 $0x1  }
0x49: {  	_ =	swait.ge @!p0 [sflag:s0], s1  }
0x4a: {  	s1 =	ssub.s32 @!p0 $0x0, s1;
	[sflag:s0] =	ssyncset.done @!p0 $0x0  }
0x4b: {  	[sflag:s0] =	ssyncadd.s32 @!p0 s1  }
0x4c: {  	[bflag:$0x3] =	sbarrier.arrive $0xFFFF  }
0x4d: {  	_ =	shalt  }

</sc_bundles>
